<compile_context>
chip_gen: v7x
topology: tpu7x:2x2x1
jax: 0.10.2.dev20260603
libtpu: 0.0.44.dev20260713+nightly
codegen_flags: <defaults>
</compile_context>

<pallas_src>
import functools

import jax
import jax.numpy as jnp
from jax import lax
from jax.experimental import pallas as pl
from jax.experimental.pallas import tpu as pltpu
from jax.experimental.pallas import tpu_sc as plsc

N = 5000
NPAD = 5120
B = 512
NBLK = NPAD // B
NW = 32
CHUNK = NPAD // NW
LANES = 16
THRESH = 0.5
IMG = 1000.0


def _ident():
    return jnp.where(
        lax.broadcasted_iota(jnp.int32, (B, B), 0)
        == lax.broadcasted_iota(jnp.int32, (B, B), 1), 1.0, 0.0)


def _tcol(row, ident):
    return lax.dot_general(ident, row, (((1,), (1,)), ((), ())),
                           precision=lax.Precision.HIGHEST,
                           preferred_element_type=jnp.float32)


def _trow(col, ident):
    return lax.dot_general(col, ident, (((0,), (0,)), ((), ())),
                           precision=lax.Precision.HIGHEST,
                           preferred_element_type=jnp.float32)


def _rank_body(s_row_ref, rank_ref):
    dn = (((1,), (0,)), ((), ()))
    ones = jnp.ones((B, 1), jnp.float32)
    ident = _ident()
    for bi in range(NBLK):
        si = _tcol(s_row_ref[bi:bi + 1, :], ident)

        def ge_body(c, am, si=si):
            sj = s_row_ref[pl.ds(c, 1), :]
            return am + jnp.where(sj >= si, 1.0, 0.0)

        def gt_body(c, am, si=si):
            sj = s_row_ref[pl.ds(c, 1), :]
            return am + jnp.where(sj > si, 1.0, 0.0)

        sj = s_row_ref[bi:bi + 1, :]
        tri = (lax.broadcasted_iota(jnp.int32, (B, B), 1)
               < lax.broadcasted_iota(jnp.int32, (B, B), 0))
        am = jnp.where((sj > si) | ((sj == si) & tri), 1.0, 0.0)
        am = lax.fori_loop(0, bi, ge_body, am)
        am = lax.fori_loop(bi + 1, NBLK, gt_body, am)
        acc = lax.dot_general(am, ones, dn,
                              preferred_element_type=jnp.float32)
        rank_ref[bi:bi + 1, :] = _trow(acc, ident).astype(jnp.int32)


_rank_call = pl.pallas_call(
    _rank_body,
    out_shape=jax.ShapeDtypeStruct((NBLK, B), jnp.int32),
)


@functools.lru_cache(maxsize=None)
def _sc_mesh():
    return plsc.VectorSubcoreMesh(
        core_axis_name="c", subcore_axis_name="s",
        num_cores=2, num_subcores=16)


@functools.lru_cache(maxsize=None)
def _get_permute_call():
  @functools.partial(
    pl.kernel,
    out_type=tuple(jax.ShapeDtypeStruct((NPAD,), jnp.float32)
                   for _ in range(5)),
    mesh=_sc_mesh(),
    scratch_types=[
        pltpu.VMEM((NPAD,), jnp.float32),
        pltpu.VMEM((NPAD,), jnp.float32),
        pltpu.VMEM((NPAD,), jnp.float32),
        pltpu.VMEM((NPAD,), jnp.float32),
        pltpu.VMEM((NPAD,), jnp.int32),
        pltpu.VMEM((NPAD,), jnp.float32),
        pltpu.VMEM((NPAD,), jnp.float32),
        pltpu.VMEM((NPAD,), jnp.float32),
        pltpu.VMEM((NPAD,), jnp.float32),
        pltpu.VMEM((NPAD,), jnp.float32),
    ],
    compiler_params=pltpu.CompilerParams(needs_layout_passes=False),
  )
  def _permute_call(xa_h, ya_h, xb_h, yb_h, rank_h,
                    x1_h, y1_h, x2_h, y2_h, ar_h,
                    xa_v, ya_v, xb_v, yb_v, rank_v,
                    sx1, sy1, sx2, sy2, sar):
    wid = lax.axis_index("s") * 2 + lax.axis_index("c")
    base = wid * CHUNK
    pltpu.sync_copy(xa_h, xa_v)
    pltpu.sync_copy(ya_h, ya_v)
    pltpu.sync_copy(xb_h, xb_v)
    pltpu.sync_copy(yb_h, yb_v)
    pltpu.sync_copy(rank_h, rank_v)

    def gbody(g, carry):
        sl = pl.ds(g * LANES, LANES)
        a = xa_v[sl]
        b = xb_v[sl]
        c = ya_v[sl]
        d = yb_v[sl]
        x1 = jnp.minimum(a, b) * IMG
        x2 = jnp.maximum(a, b) * IMG
        y1 = jnp.minimum(c, d) * IMG
        y2 = jnp.maximum(c, d) * IMG
        ar = (x2 - x1) * (y2 - y1)
        idx = rank_v[sl]
        plsc.store_scatter(sx1, [idx], x1)
        plsc.store_scatter(sy1, [idx], y1)
        plsc.store_scatter(sx2, [idx], x2)
        plsc.store_scatter(sy2, [idx], y2)
        plsc.store_scatter(sar, [idx], ar)
        return carry

    lax.fori_loop(0, NPAD // LANES, gbody, 0)

    out_sl = pl.ds(base, CHUNK)
    pltpu.sync_copy(sx1.at[out_sl], x1_h.at[out_sl])
    pltpu.sync_copy(sy1.at[out_sl], y1_h.at[out_sl])
    pltpu.sync_copy(sx2.at[out_sl], x2_h.at[out_sl])
    pltpu.sync_copy(sy2.at[out_sl], y2_h.at[out_sl])
    pltpu.sync_copy(sar.at[out_sl], ar_h.at[out_sl])

  return _permute_call


def _nms_body(x1r, y1r, x2r, y2r, ar,
              keep_ref, alive_ref, m_ref):
    gi = (lax.broadcasted_iota(jnp.int32, (NBLK, B), 0) * B
          + lax.broadcasted_iota(jnp.int32, (NBLK, B), 1))
    alive_ref[...] = jnp.where(gi < N, 1.0, 0.0)
    dn = (((1,), (0,)), ((), ()))
    ident = _ident()

    for k in range(NBLK):
        cx1 = _tcol(x1r[k:k + 1, :], ident)
        cy1 = _tcol(y1r[k:k + 1, :], ident)
        cx2 = _tcol(x2r[k:k + 1, :], ident)
        cy2 = _tcol(y2r[k:k + 1, :], ident)
        ca = _tcol(ar[k:k + 1, :], ident)

        def iou_vs(rx1, ry1, rx2, ry2, ra,
                   cx1=cx1, cy1=cy1, cx2=cx2, cy2=cy2, ca=ca):
            xx1 = jnp.maximum(cx1, rx1)
            yy1 = jnp.maximum(cy1, ry1)
            xx2 = jnp.minimum(cx2, rx2)
            yy2 = jnp.minimum(cy2, ry2)
            w = jnp.maximum(xx2 - xx1, 0.0)
            h = jnp.maximum(yy2 - yy1, 0.0)
            inter = w * h
            return inter / (ca + ra - inter + 1e-9)

        iou_d = iou_vs(x1r[k:k + 1, :], y1r[k:k + 1, :],
                       x2r[k:k + 1, :], y2r[k:k + 1, :], ar[k:k + 1, :])
        lower = (lax.broadcasted_iota(jnp.int32, (B, B), 0)
                 < lax.broadcasted_iota(jnp.int32, (B, B), 1))
        m_ref[...] = jnp.where((iou_d > THRESH) & lower, 1.0, 0.0)
        alive_blk = alive_ref[k:k + 1, :]

        def wbody(carry, alive_blk=alive_blk):
            keep, _ = carry
            sup = lax.dot_general(keep, m_ref[...], dn,
                                  preferred_element_type=jnp.float32)
            k1 = alive_blk * jnp.where(sup < 0.5, 1.0, 0.0)
            sup = lax.dot_general(k1, m_ref[...], dn,
                                  preferred_element_type=jnp.float32)
            newk = alive_blk * jnp.where(sup < 0.5, 1.0, 0.0)
            return newk, jnp.any(newk != k1)

        keep_blk, _ = lax.while_loop(lambda c: c[1], wbody,
                                     (alive_blk, jnp.bool_(True)))
        keep_ref[k:k + 1, :] = keep_blk

        def cross(c, carry, keep_blk=keep_blk, iou_vs=iou_vs):
            iou_x = iou_vs(x1r[pl.ds(c, 1), :], y1r[pl.ds(c, 1), :],
                           x2r[pl.ds(c, 1), :], y2r[pl.ds(c, 1), :],
                           ar[pl.ds(c, 1), :])
            mx = jnp.where(iou_x > THRESH, 1.0, 0.0)
            sup = lax.dot_general(keep_blk, mx, dn,
                                  preferred_element_type=jnp.float32)
            av = alive_ref[pl.ds(c, 1), :]
            alive_ref[pl.ds(c, 1), :] = av * jnp.where(sup < 0.5, 1.0, 0.0)
            return carry

        lax.fori_loop(k + 1, NBLK, cross, 0)


_nms_call = pl.pallas_call(
    _nms_body,
    out_shape=jax.ShapeDtypeStruct((NBLK, B), jnp.float32),
    scratch_shapes=[
        pltpu.VMEM((NBLK, B), jnp.float32),
        pltpu.VMEM((B, B), jnp.float32),
    ],
)


@functools.lru_cache(maxsize=None)
def _get_finalize_call():
  @functools.partial(
    pl.kernel,
    out_type=jax.ShapeDtypeStruct((NPAD,), jnp.float32),
    mesh=_sc_mesh(),
    scratch_types=[
        pltpu.VMEM((NPAD,), jnp.float32),
        pltpu.VMEM((CHUNK,), jnp.int32),
        pltpu.VMEM((CHUNK,), jnp.float32),
        pltpu.VMEM((CHUNK,), jnp.float32),
    ],
    compiler_params=pltpu.CompilerParams(needs_layout_passes=False),
  )
  def _finalize_call(scores_h, rank_h, keep_h, out_h,
                     keep_v, rank_v, sc_v, out_v):
    wid = lax.axis_index("s") * 2 + lax.axis_index("c")
    base = wid * CHUNK
    pltpu.sync_copy(keep_h, keep_v)
    pltpu.sync_copy(rank_h.at[pl.ds(base, CHUNK)], rank_v)
    pltpu.sync_copy(scores_h.at[pl.ds(base, CHUNK)], sc_v)
    for g in range(CHUNK // LANES):
        sl = pl.ds(g * LANES, LANES)
        r = rank_v[sl]
        kv = plsc.load_gather(keep_v, [r])
        out_v[sl] = sc_v[sl] * kv
    pltpu.sync_copy(out_v, out_h.at[pl.ds(base, CHUNK)])

  return _finalize_call


@jax.jit
def kernel(boxes, scores):
    scores_p = jnp.concatenate(
        [scores, jnp.full((NPAD - N,), -1.0, jnp.float32)])
    s_row = scores_p.reshape(NBLK, B)
    rank_row = _rank_call(s_row)
    rank = rank_row.reshape(NPAD)

    bp = jnp.pad(boxes, ((0, NPAD - N), (0, 0)))
    x1s, y1s, x2s, y2s, ars = _get_permute_call()(
        bp[:, 0], bp[:, 1], bp[:, 2], bp[:, 3], rank)

    keep2d = _nms_call(x1s.reshape(NBLK, B), y1s.reshape(NBLK, B),
                       x2s.reshape(NBLK, B), y2s.reshape(NBLK, B),
                       ars.reshape(NBLK, B))
    keep_s = keep2d.reshape(NPAD)

    out_full = _get_finalize_call()(scores_p, rank, keep_s)
    return out_full[:N]

# --- scband reference (transcript-rebuilt; emitter-appended) ---
"""Pipeline reference for scband-network-10797547782358 (READ-ONLY COPY).

The authoritative reference and input builder live on the scoring server;
editing this copy changes nothing except your own understanding.
"""

import jax, jax.numpy as jnp
import numpy as np

N = 5000
IOU_THRESHOLD = 0.5
IMG_SIZE = 1000.0


def _nms(boxes, scores):
    # Interpret raw uniform box params as two corner points; sort to valid (x1,y1,x2,y2).
    x1 = jnp.minimum(boxes[:, 0], boxes[:, 2]) * IMG_SIZE
    y1 = jnp.minimum(boxes[:, 1], boxes[:, 3]) * IMG_SIZE
    x2 = jnp.maximum(boxes[:, 0], boxes[:, 2]) * IMG_SIZE
    y2 = jnp.maximum(boxes[:, 1], boxes[:, 3]) * IMG_SIZE
    areas = (x2 - x1) * (y2 - y1)

    # Sort by descending score (greedy NMS order).
    order = jnp.argsort(-scores)
    x1s = x1[order]
    y1s = y1[order]
    x2s = x2[order]
    y2s = y2[order]
    areas_s = areas[order]

    # Pairwise IoU matrix [N, N].
    xx1 = jnp.maximum(x1s[:, None], x1s[None, :])
    yy1 = jnp.maximum(y1s[:, None], y1s[None, :])
    xx2 = jnp.minimum(x2s[:, None], x2s[None, :])
    yy2 = jnp.minimum(y2s[:, None], y2s[None, :])
    w = jnp.clip(xx2 - xx1, 0.0)
    h = jnp.clip(yy2 - yy1, 0.0)
    inter = w * h
    iou = inter / (areas_s[:, None] + areas_s[None, :] - inter + 1e-9)
    iou = jax.lax.stop_gradient(iou)  # suppression decisions are non-differentiable

    n = boxes.shape[0]
    idx = jnp.arange(n)

    # Greedy suppression: box i is kept iff no earlier KEPT box overlaps it above threshold.
    def body(i, keep):
        suppressed = jnp.any((iou[i, :] > IOU_THRESHOLD) & keep & (idx < i))
        return keep.at[i].set(jnp.logical_not(suppressed))

    keep_sorted = jax.lax.fori_loop(0, n, body, jnp.zeros((n,), dtype=bool))

    # Scatter keep mask back to original box order.
    keep = jnp.zeros((n,), dtype=bool).at[order].set(keep_sorted)

    # Return per-box kept scores (0 for suppressed boxes).
    return scores * keep.astype(scores.dtype)


def setup_inputs(seed: int = 0) -> dict:
    key = jax.random.key(seed)
    kb, ks = jax.random.split(key)
    boxes = jax.random.uniform(kb, (N, 4), dtype=jnp.float32)
    scores = jax.random.uniform(ks, (N,), dtype=jnp.float32)
    return {"boxes": boxes, "scores": scores}


def reference(boxes, scores):
    return _nms(boxes, scores)

if __name__ == "__main__":
    import jax
    _d = setup_inputs()
    print(jax.jit(kernel)(*tuple(_d.values())))

</pallas_src>

<mosaic_0001>
#map = affine_map<(d0, d1) -> (0)>
module attributes {stable_mosaic.version = 14 : i64} {
  func.func @_finalize_call(%arg0: i32, %arg1: i32, %arg2: memref<5120xf32, #tpu.memory_space<hbm>>, %arg3: memref<5120xi32, #tpu.memory_space<hbm>>, %arg4: memref<5120xf32, #tpu.memory_space<hbm>>, %arg5: memref<5120xf32, #tpu.memory_space<hbm>>, %arg6: memref<5120xf32, #tpu.memory_space<vmem>>, %arg7: memref<160xi32, #tpu.memory_space<vmem>>, %arg8: memref<160xf32, #tpu.memory_space<vmem>>, %arg9: memref<160xf32, #tpu.memory_space<vmem>>) attributes {dimension_semantics = [#tpu.dimension_semantics<core_parallel>, #tpu.dimension_semantics<subcore_parallel>], iteration_bounds = array<i64: 2, 16>, scalar_prefetch = 0 : i64, scratch_operands = 4 : i64, tpu.core_type = #tpu.core_type<sc_vector_subcore>, window_params = [{transform_indices = #map}, {transform_indices = #map}, {transform_indices = #map}, {transform_indices = #map}]} {
    %mul3A = arith.constant 2 : i32
    %mul3A_0 = arith.muli %arg1, %mul3A : i32
    %add3A = arith.addi %mul3A_0, %arg0 : i32
    %mul3A_1 = arith.constant 160 : i32
    %mul3A_2 = arith.muli %add3A, %mul3A_1 : i32
    "tpu.region"() ({
      %run_scoped3A = tpu.sem_alloc : memref<!tpu.dma_semaphore, #tpu.memory_space<semaphore_mem>>
      tpu.enqueue_dma source(%arg4 : memref<5120xf32, #tpu.memory_space<hbm>>) target(%arg6 : memref<5120xf32, #tpu.memory_space<vmem>>) target_semaphore(%run_scoped3A : memref<!tpu.dma_semaphore, #tpu.memory_space<semaphore_mem>>)
      tpu.wait_dma2 semaphore(%run_scoped3A : memref<!tpu.dma_semaphore, #tpu.memory_space<semaphore_mem>>) src(%arg4 : memref<5120xf32, #tpu.memory_space<hbm>>) dst(%arg6 : memref<5120xf32, #tpu.memory_space<vmem>>)
      tpu.yield
    }) : () -> ()
    "tpu.region"() ({
      %run_scoped3A = tpu.sem_alloc : memref<!tpu.dma_semaphore, #tpu.memory_space<semaphore_mem>>
      %dma_start3A = tpu.memref_slice %arg3[%mul3A_2] : memref<5120xi32, #tpu.memory_space<hbm>> -> memref<160xi32, #tpu.memory_space<hbm>>
      %dma_start3A_80 = tpu.memref_slice %arg3[%mul3A_2] : memref<5120xi32, #tpu.memory_space<hbm>> -> memref<160xi32, #tpu.memory_space<hbm>>
      tpu.enqueue_dma source(%dma_start3A_80 : memref<160xi32, #tpu.memory_space<hbm>>) target(%arg7 : memref<160xi32, #tpu.memory_space<vmem>>) target_semaphore(%run_scoped3A : memref<!tpu.dma_semaphore, #tpu.memory_space<semaphore_mem>>)
      %dma_wait3A = tpu.memref_slice %arg3[%mul3A_2] : memref<5120xi32, #tpu.memory_space<hbm>> -> memref<160xi32, #tpu.memory_space<hbm>>
      %dma_wait3A_81 = tpu.memref_slice %arg3[%mul3A_2] : memref<5120xi32, #tpu.memory_space<hbm>> -> memref<160xi32, #tpu.memory_space<hbm>>
      tpu.wait_dma2 semaphore(%run_scoped3A : memref<!tpu.dma_semaphore, #tpu.memory_space<semaphore_mem>>) src(%dma_wait3A_81 : memref<160xi32, #tpu.memory_space<hbm>>) dst(%arg7 : memref<160xi32, #tpu.memory_space<vmem>>)
      tpu.yield
    }) : () -> ()
    "tpu.region"() ({
      %run_scoped3A = tpu.sem_alloc : memref<!tpu.dma_semaphore, #tpu.memory_space<semaphore_mem>>
      %dma_start3A = tpu.memref_slice %arg2[%mul3A_2] : memref<5120xf32, #tpu.memory_space<hbm>> -> memref<160xf32, #tpu.memory_space<hbm>>
      %dma_start3A_80 = tpu.memref_slice %arg2[%mul3A_2] : memref<5120xf32, #tpu.memory_space<hbm>> -> memref<160xf32, #tpu.memory_space<hbm>>
      tpu.enqueue_dma source(%dma_start3A_80 : memref<160xf32, #tpu.memory_space<hbm>>) target(%arg8 : memref<160xf32, #tpu.memory_space<vmem>>) target_semaphore(%run_scoped3A : memref<!tpu.dma_semaphore, #tpu.memory_space<semaphore_mem>>)
      %dma_wait3A = tpu.memref_slice %arg2[%mul3A_2] : memref<5120xf32, #tpu.memory_space<hbm>> -> memref<160xf32, #tpu.memory_space<hbm>>
      %dma_wait3A_81 = tpu.memref_slice %arg2[%mul3A_2] : memref<5120xf32, #tpu.memory_space<hbm>> -> memref<160xf32, #tpu.memory_space<hbm>>
      tpu.wait_dma2 semaphore(%run_scoped3A : memref<!tpu.dma_semaphore, #tpu.memory_space<semaphore_mem>>) src(%dma_wait3A_81 : memref<160xf32, #tpu.memory_space<hbm>>) dst(%arg8 : memref<160xf32, #tpu.memory_space<vmem>>)
      tpu.yield
    }) : () -> ()
    %get3A = arith.constant 0 : index
    %get3A_3 = tpu.vector_load %arg7[%get3A] {strides = array<i32>} : memref<160xi32, #tpu.memory_space<vmem>>, vector<16xi32>,
    %gather3A = tpu.vector_load_idx %arg6[%get3A_3] : memref<5120xf32, #tpu.memory_space<vmem>>[vector<16xi32>], vector<16xf32>,
    %get3A_4 = arith.constant 0 : index
    %get3A_5 = tpu.vector_load %arg8[%get3A_4] {strides = array<i32>} : memref<160xf32, #tpu.memory_space<vmem>>, vector<16xf32>,
    %mul3A_6 = arith.mulf %get3A_5, %gather3A : vector<16xf32>
    %swap3A = arith.constant 0 : index
    %swap3A_7 = tpu.vector_load %arg9[%swap3A] {strides = array<i32>} : memref<160xf32, #tpu.memory_space<vmem>>, vector<16xf32>,
    tpu.vector_store %arg9[%swap3A], %mul3A_6 {strides = array<i32>} : memref<160xf32, #tpu.memory_space<vmem>>, vector<16xf32>,
    %get3A_8 = arith.constant 16 : index
    %get3A_9 = tpu.vector_load %arg7[%get3A_8] {strides = array<i32>} : memref<160xi32, #tpu.memory_space<vmem>>, vector<16xi32>,
    %gather3A_10 = tpu.vector_load_idx %arg6[%get3A_9] : memref<5120xf32, #tpu.memory_space<vmem>>[vector<16xi32>], vector<16xf32>,
    %get3A_11 = arith.constant 16 : index
    %get3A_12 = tpu.vector_load %arg8[%get3A_11] {strides = array<i32>} : memref<160xf32, #tpu.memory_space<vmem>>, vector<16xf32>,
    %mul3A_13 = arith.mulf %get3A_12, %gather3A_10 : vector<16xf32>
    %swap3A_14 = arith.constant 16 : index
    %swap3A_15 = tpu.vector_load %arg9[%swap3A_14] {strides = array<i32>} : memref<160xf32, #tpu.memory_space<vmem>>, vector<16xf32>,
    tpu.vector_store %arg9[%swap3A_14], %mul3A_13 {strides = array<i32>} : memref<160xf32, #tpu.memory_space<vmem>>, vector<16xf32>,
    %get3A_16 = arith.constant 32 : index
    %get3A_17 = tpu.vector_load %arg7[%get3A_16] {strides = array<i32>} : memref<160xi32, #tpu.memory_space<vmem>>, vector<16xi32>,
    %gather3A_18 = tpu.vector_load_idx %arg6[%get3A_17] : memref<5120xf32, #tpu.memory_space<vmem>>[vector<16xi32>], vector<16xf32>,
    %get3A_19 = arith.constant 32 : index
    %get3A_20 = tpu.vector_load %arg8[%get3A_19] {strides = array<i32>} : memref<160xf32, #tpu.memory_space<vmem>>, vector<16xf32>,
    %mul3A_21 = arith.mulf %get3A_20, %gather3A_18 : vector<16xf32>
    %swap3A_22 = arith.constant 32 : index
    %swap3A_23 = tpu.vector_load %arg9[%swap3A_22] {strides = array<i32>} : memref<160xf32, #tpu.memory_space<vmem>>, vector<16xf32>,
    tpu.vector_store %arg9[%swap3A_22], %mul3A_21 {strides = array<i32>} : memref<160xf32, #tpu.memory_space<vmem>>, vector<16xf32>,
    %get3A_24 = arith.constant 48 : index
    %get3A_25 = tpu.vector_load %arg7[%get3A_24] {strides = array<i32>} : memref<160xi32, #tpu.memory_space<vmem>>, vector<16xi32>,
    %gather3A_26 = tpu.vector_load_idx %arg6[%get3A_25] : memref<5120xf32, #tpu.memory_space<vmem>>[vector<16xi32>], vector<16xf32>,
    %get3A_27 = arith.constant 48 : index
    %get3A_28 = tpu.vector_load %arg8[%get3A_27] {strides = array<i32>} : memref<160xf32, #tpu.memory_space<vmem>>, vector<16xf32>,
    %mul3A_29 = arith.mulf %get3A_28, %gather3A_26 : vector<16xf32>
    %swap3A_30 = arith.constant 48 : index
    %swap3A_31 = tpu.vector_load %arg9[%swap3A_30] {strides = array<i32>} : memref<160xf32, #tpu.memory_space<vmem>>, vector<16xf32>,
    tpu.vector_store %arg9[%swap3A_30], %mul3A_29 {strides = array<i32>} : memref<160xf32, #tpu.memory_space<vmem>>, vector<16xf32>,
    %get3A_32 = arith.constant 64 : index
    %get3A_33 = tpu.vector_load %arg7[%get3A_32] {strides = array<i32>} : memref<160xi32, #tpu.memory_space<vmem>>, vector<16xi32>,
    %gather3A_34 = tpu.vector_load_idx %arg6[%get3A_33] : memref<5120xf32, #tpu.memory_space<vmem>>[vector<16xi32>], vector<16xf32>,
    %get3A_35 = arith.constant 64 : index
    %get3A_36 = tpu.vector_load %arg8[%get3A_35] {strides = array<i32>} : memref<160xf32, #tpu.memory_space<vmem>>, vector<16xf32>,
    %mul3A_37 = arith.mulf %get3A_36, %gather3A_34 : vector<16xf32>
    %swap3A_38 = arith.constant 64 : index
    %swap3A_39 = tpu.vector_load %arg9[%swap3A_38] {strides = array<i32>} : memref<160xf32, #tpu.memory_space<vmem>>, vector<16xf32>,
    tpu.vector_store %arg9[%swap3A_38], %mul3A_37 {strides = array<i32>} : memref<160xf32, #tpu.memory_space<vmem>>, vector<16xf32>,
    %get3A_40 = arith.constant 80 : index
    %get3A_41 = tpu.vector_load %arg7[%get3A_40] {strides = array<i32>} : memref<160xi32, #tpu.memory_space<vmem>>, vector<16xi32>,
    %gather3A_42 = tpu.vector_load_idx %arg6[%get3A_41] : memref<5120xf32, #tpu.memory_space<vmem>>[vector<16xi32>], vector<16xf32>,
    %get3A_43 = arith.constant 80 : index
    %get3A_44 = tpu.vector_load %arg8[%get3A_43] {strides = array<i32>} : memref<160xf32, #tpu.memory_space<vmem>>, vector<16xf32>,
    %mul3A_45 = arith.mulf %get3A_44, %gather3A_42 : vector<16xf32>
    %swap3A_46 = arith.constant 80 : index
    %swap3A_47 = tpu.vector_load %arg9[%swap3A_46] {strides = array<i32>} : memref<160xf32, #tpu.memory_space<vmem>>, vector<16xf32>,
    tpu.vector_store %arg9[%swap3A_46], %mul3A_45 {strides = array<i32>} : memref<160xf32, #tpu.memory_space<vmem>>, vector<16xf32>,
    %get3A_48 = arith.constant 96 : index
    %get3A_49 = tpu.vector_load %arg7[%get3A_48] {strides = array<i32>} : memref<160xi32, #tpu.memory_space<vmem>>, vector<16xi32>,
    %gather3A_50 = tpu.vector_load_idx %arg6[%get3A_49] : memref<5120xf32, #tpu.memory_space<vmem>>[vector<16xi32>], vector<16xf32>,
    %get3A_51 = arith.constant 96 : index
    %get3A_52 = tpu.vector_load %arg8[%get3A_51] {strides = array<i32>} : memref<160xf32, #tpu.memory_space<vmem>>, vector<16xf32>,
    %mul3A_53 = arith.mulf %get3A_52, %gather3A_50 : vector<16xf32>
    %swap3A_54 = arith.constant 96 : index
    %swap3A_55 = tpu.vector_load %arg9[%swap3A_54] {strides = array<i32>} : memref<160xf32, #tpu.memory_space<vmem>>, vector<16xf32>,
    tpu.vector_store %arg9[%swap3A_54], %mul3A_53 {strides = array<i32>} : memref<160xf32, #tpu.memory_space<vmem>>, vector<16xf32>,
    %get3A_56 = arith.constant 112 : index
    %get3A_57 = tpu.vector_load %arg7[%get3A_56] {strides = array<i32>} : memref<160xi32, #tpu.memory_space<vmem>>, vector<16xi32>,
    %gather3A_58 = tpu.vector_load_idx %arg6[%get3A_57] : memref<5120xf32, #tpu.memory_space<vmem>>[vector<16xi32>], vector<16xf32>,
    %get3A_59 = arith.constant 112 : index
    %get3A_60 = tpu.vector_load %arg8[%get3A_59] {strides = array<i32>} : memref<160xf32, #tpu.memory_space<vmem>>, vector<16xf32>,
    %mul3A_61 = arith.mulf %get3A_60, %gather3A_58 : vector<16xf32>
    %swap3A_62 = arith.constant 112 : index
    %swap3A_63 = tpu.vector_load %arg9[%swap3A_62] {strides = array<i32>} : memref<160xf32, #tpu.memory_space<vmem>>, vector<16xf32>,
    tpu.vector_store %arg9[%swap3A_62], %mul3A_61 {strides = array<i32>} : memref<160xf32, #tpu.memory_space<vmem>>, vector<16xf32>,
    %get3A_64 = arith.constant 128 : index
    %get3A_65 = tpu.vector_load %arg7[%get3A_64] {strides = array<i32>} : memref<160xi32, #tpu.memory_space<vmem>>, vector<16xi32>,
    %gather3A_66 = tpu.vector_load_idx %arg6[%get3A_65] : memref<5120xf32, #tpu.memory_space<vmem>>[vector<16xi32>], vector<16xf32>,
    %get3A_67 = arith.constant 128 : index
    %get3A_68 = tpu.vector_load %arg8[%get3A_67] {strides = array<i32>} : memref<160xf32, #tpu.memory_space<vmem>>, vector<16xf32>,
    %mul3A_69 = arith.mulf %get3A_68, %gather3A_66 : vector<16xf32>
    %swap3A_70 = arith.constant 128 : index
    %swap3A_71 = tpu.vector_load %arg9[%swap3A_70] {strides = array<i32>} : memref<160xf32, #tpu.memory_space<vmem>>, vector<16xf32>,
    tpu.vector_store %arg9[%swap3A_70], %mul3A_69 {strides = array<i32>} : memref<160xf32, #tpu.memory_space<vmem>>, vector<16xf32>,
    %get3A_72 = arith.constant 144 : index
    %get3A_73 = tpu.vector_load %arg7[%get3A_72] {strides = array<i32>} : memref<160xi32, #tpu.memory_space<vmem>>, vector<16xi32>,
    %gather3A_74 = tpu.vector_load_idx %arg6[%get3A_73] : memref<5120xf32, #tpu.memory_space<vmem>>[vector<16xi32>], vector<16xf32>,
    %get3A_75 = arith.constant 144 : index
    %get3A_76 = tpu.vector_load %arg8[%get3A_75] {strides = array<i32>} : memref<160xf32, #tpu.memory_space<vmem>>, vector<16xf32>,
    %mul3A_77 = arith.mulf %get3A_76, %gather3A_74 : vector<16xf32>
    %swap3A_78 = arith.constant 144 : index
    %swap3A_79 = tpu.vector_load %arg9[%swap3A_78] {strides = array<i32>} : memref<160xf32, #tpu.memory_space<vmem>>, vector<16xf32>,
    tpu.vector_store %arg9[%swap3A_78], %mul3A_77 {strides = array<i32>} : memref<160xf32, #tpu.memory_space<vmem>>, vector<16xf32>,
    "tpu.region"() ({
      %run_scoped3A = tpu.sem_alloc : memref<!tpu.dma_semaphore, #tpu.memory_space<semaphore_mem>>
      %dma_start3A = tpu.memref_slice %arg5[%mul3A_2] : memref<5120xf32, #tpu.memory_space<hbm>> -> memref<160xf32, #tpu.memory_space<hbm>>
      %dma_start3A_80 = tpu.memref_slice %arg5[%mul3A_2] : memref<5120xf32, #tpu.memory_space<hbm>> -> memref<160xf32, #tpu.memory_space<hbm>>
      tpu.enqueue_dma source(%arg9 : memref<160xf32, #tpu.memory_space<vmem>>) target(%dma_start3A_80 : memref<160xf32, #tpu.memory_space<hbm>>) target_semaphore(%run_scoped3A : memref<!tpu.dma_semaphore, #tpu.memory_space<semaphore_mem>>)
      %dma_wait3A = tpu.memref_slice %arg5[%mul3A_2] : memref<5120xf32, #tpu.memory_space<hbm>> -> memref<160xf32, #tpu.memory_space<hbm>>
      %dma_wait3A_81 = tpu.memref_slice %arg5[%mul3A_2] : memref<5120xf32, #tpu.memory_space<hbm>> -> memref<160xf32, #tpu.memory_space<hbm>>
      tpu.wait_dma2 semaphore(%run_scoped3A : memref<!tpu.dma_semaphore, #tpu.memory_space<semaphore_mem>>) src(%arg9 : memref<160xf32, #tpu.memory_space<vmem>>) dst(%dma_wait3A_81 : memref<160xf32, #tpu.memory_space<hbm>>)
      tpu.yield
    }) : () -> ()
    return
  }
}

#map = affine_map<(d0, d1) -> (0)>
module attributes {stable_mosaic.version = 14 : i64} {
  func.func @_permute_call(%arg0: i32, %arg1: i32, %arg2: memref<5120xf32, #tpu.memory_space<hbm>>, %arg3: memref<5120xf32, #tpu.memory_space<hbm>>, %arg4: memref<5120xf32, #tpu.memory_space<hbm>>, %arg5: memref<5120xf32, #tpu.memory_space<hbm>>, %arg6: memref<5120xi32, #tpu.memory_space<hbm>>, %arg7: memref<5120xf32, #tpu.memory_space<hbm>>, %arg8: memref<5120xf32, #tpu.memory_space<hbm>>, %arg9: memref<5120xf32, #tpu.memory_space<hbm>>, %arg10: memref<5120xf32, #tpu.memory_space<hbm>>, %arg11: memref<5120xf32, #tpu.memory_space<hbm>>, %arg12: memref<5120xf32, #tpu.memory_space<vmem>>, %arg13: memref<5120xf32, #tpu.memory_space<vmem>>, %arg14: memref<5120xf32, #tpu.memory_space<vmem>>, %arg15: memref<5120xf32, #tpu.memory_space<vmem>>, %arg16: memref<5120xi32, #tpu.memory_space<vmem>>, %arg17: memref<5120xf32, #tpu.memory_space<vmem>>, %arg18: memref<5120xf32, #tpu.memory_space<vmem>>, %arg19: memref<5120xf32, #tpu.memory_space<vmem>>, %arg20: memref<5120xf32, #tpu.memory_space<vmem>>, %arg21: memref<5120xf32, #tpu.memory_space<vmem>>) attributes {dimension_semantics = [#tpu.dimension_semantics<core_parallel>, #tpu.dimension_semantics<subcore_parallel>], iteration_bounds = array<i64: 2, 16>, scalar_prefetch = 0 : i64, scratch_operands = 10 : i64, tpu.core_type = #tpu.core_type<sc_vector_subcore>, window_params = [{transform_indices = #map}, {transform_indices = #map}, {transform_indices = #map}, {transform_indices = #map}, {transform_indices = #map}, {transform_indices = #map}, {transform_indices = #map}, {transform_indices = #map}, {transform_indices = #map}, {transform_indices = #map}]} {
    %mul3A = arith.constant 2 : i32
    %mul3A_0 = arith.muli %arg1, %mul3A : i32
    %add3A = arith.addi %mul3A_0, %arg0 : i32
    %mul3A_1 = arith.constant 160 : i32
    %mul3A_2 = arith.muli %add3A, %mul3A_1 : i32
    "tpu.region"() ({
      %run_scoped3A = tpu.sem_alloc : memref<!tpu.dma_semaphore, #tpu.memory_space<semaphore_mem>>
      tpu.enqueue_dma source(%arg2 : memref<5120xf32, #tpu.memory_space<hbm>>) target(%arg12 : memref<5120xf32, #tpu.memory_space<vmem>>) target_semaphore(%run_scoped3A : memref<!tpu.dma_semaphore, #tpu.memory_space<semaphore_mem>>)
      tpu.wait_dma2 semaphore(%run_scoped3A : memref<!tpu.dma_semaphore, #tpu.memory_space<semaphore_mem>>) src(%arg2 : memref<5120xf32, #tpu.memory_space<hbm>>) dst(%arg12 : memref<5120xf32, #tpu.memory_space<vmem>>)
      tpu.yield
    }) : () -> ()
    "tpu.region"() ({
      %run_scoped3A = tpu.sem_alloc : memref<!tpu.dma_semaphore, #tpu.memory_space<semaphore_mem>>
      tpu.enqueue_dma source(%arg3 : memref<5120xf32, #tpu.memory_space<hbm>>) target(%arg13 : memref<5120xf32, #tpu.memory_space<vmem>>) target_semaphore(%run_scoped3A : memref<!tpu.dma_semaphore, #tpu.memory_space<semaphore_mem>>)
      tpu.wait_dma2 semaphore(%run_scoped3A : memref<!tpu.dma_semaphore, #tpu.memory_space<semaphore_mem>>) src(%arg3 : memref<5120xf32, #tpu.memory_space<hbm>>) dst(%arg13 : memref<5120xf32, #tpu.memory_space<vmem>>)
      tpu.yield
    }) : () -> ()
    "tpu.region"() ({
      %run_scoped3A = tpu.sem_alloc : memref<!tpu.dma_semaphore, #tpu.memory_space<semaphore_mem>>
      tpu.enqueue_dma source(%arg4 : memref<5120xf32, #tpu.memory_space<hbm>>) target(%arg14 : memref<5120xf32, #tpu.memory_space<vmem>>) target_semaphore(%run_scoped3A : memref<!tpu.dma_semaphore, #tpu.memory_space<semaphore_mem>>)
      tpu.wait_dma2 semaphore(%run_scoped3A : memref<!tpu.dma_semaphore, #tpu.memory_space<semaphore_mem>>) src(%arg4 : memref<5120xf32, #tpu.memory_space<hbm>>) dst(%arg14 : memref<5120xf32, #tpu.memory_space<vmem>>)
      tpu.yield
    }) : () -> ()
    "tpu.region"() ({
      %run_scoped3A = tpu.sem_alloc : memref<!tpu.dma_semaphore, #tpu.memory_space<semaphore_mem>>
      tpu.enqueue_dma source(%arg5 : memref<5120xf32, #tpu.memory_space<hbm>>) target(%arg15 : memref<5120xf32, #tpu.memory_space<vmem>>) target_semaphore(%run_scoped3A : memref<!tpu.dma_semaphore, #tpu.memory_space<semaphore_mem>>)
      tpu.wait_dma2 semaphore(%run_scoped3A : memref<!tpu.dma_semaphore, #tpu.memory_space<semaphore_mem>>) src(%arg5 : memref<5120xf32, #tpu.memory_space<hbm>>) dst(%arg15 : memref<5120xf32, #tpu.memory_space<vmem>>)
      tpu.yield
    }) : () -> ()
    "tpu.region"() ({
      %run_scoped3A = tpu.sem_alloc : memref<!tpu.dma_semaphore, #tpu.memory_space<semaphore_mem>>
      tpu.enqueue_dma source(%arg6 : memref<5120xi32, #tpu.memory_space<hbm>>) target(%arg16 : memref<5120xi32, #tpu.memory_space<vmem>>) target_semaphore(%run_scoped3A : memref<!tpu.dma_semaphore, #tpu.memory_space<semaphore_mem>>)
      tpu.wait_dma2 semaphore(%run_scoped3A : memref<!tpu.dma_semaphore, #tpu.memory_space<semaphore_mem>>) src(%arg6 : memref<5120xi32, #tpu.memory_space<hbm>>) dst(%arg16 : memref<5120xi32, #tpu.memory_space<vmem>>)
      tpu.yield
    }) : () -> ()
    %scan3A = arith.constant 0 : i32
    %scan3A_3 = arith.constant 0 : i32
    %scan3A_4 = arith.constant 320 : i32
    %scan3A_5 = arith.addi %scan3A_3, %scan3A_4 : i32
    %scan3A_6 = arith.constant 1 : i32
    scf.for %scan3A_8 = %scan3A_3 to %scan3A_5 step %scan3A_6  : i32 {
      %mul3A_9 = arith.constant 16 : i32
      %mul3A_10 = arith.muli %scan3A_8, %mul3A_9 : i32
      %get3A = arith.index_cast %mul3A_10 : i32 to index
      %get3A_11 = tpu.vector_load %arg12[%get3A] {strides = array<i32>} : memref<5120xf32, #tpu.memory_space<vmem>>, vector<16xf32>,
      %get3A_12 = arith.index_cast %mul3A_10 : i32 to index
      %get3A_13 = tpu.vector_load %arg14[%get3A_12] {strides = array<i32>} : memref<5120xf32, #tpu.memory_space<vmem>>, vector<16xf32>,
      %get3A_14 = arith.index_cast %mul3A_10 : i32 to index
      %get3A_15 = tpu.vector_load %arg13[%get3A_14] {strides = array<i32>} : memref<5120xf32, #tpu.memory_space<vmem>>, vector<16xf32>,
      %get3A_16 = arith.index_cast %mul3A_10 : i32 to index
      %get3A_17 = tpu.vector_load %arg15[%get3A_16] {strides = array<i32>} : memref<5120xf32, #tpu.memory_space<vmem>>, vector<16xf32>,
      %min3A = arith.minimumf %get3A_11, %get3A_13 : vector<16xf32>
      %mul3A_18 = arith.constant 1.000000e+03 : f32
      %mul3A_19 = vector.broadcast %mul3A_18 : f32 to vector<16xf32>
      %mul3A_20 = arith.mulf %min3A, %mul3A_19 : vector<16xf32>
      %max3A = arith.maximumf %get3A_11, %get3A_13 : vector<16xf32>
      %mul3A_21 = arith.constant 1.000000e+03 : f32
      %mul3A_22 = vector.broadcast %mul3A_21 : f32 to vector<16xf32>
      %mul3A_23 = arith.mulf %max3A, %mul3A_22 : vector<16xf32>
      %min3A_24 = arith.minimumf %get3A_15, %get3A_17 : vector<16xf32>
      %mul3A_25 = arith.constant 1.000000e+03 : f32
      %mul3A_26 = vector.broadcast %mul3A_25 : f32 to vector<16xf32>
      %mul3A_27 = arith.mulf %min3A_24, %mul3A_26 : vector<16xf32>
      %max3A_28 = arith.maximumf %get3A_15, %get3A_17 : vector<16xf32>
      %mul3A_29 = arith.constant 1.000000e+03 : f32
      %mul3A_30 = vector.broadcast %mul3A_29 : f32 to vector<16xf32>
      %mul3A_31 = arith.mulf %max3A_28, %mul3A_30 : vector<16xf32>
      %sub3A = arith.subf %mul3A_23, %mul3A_20 : vector<16xf32>
      %sub3A_32 = arith.subf %mul3A_31, %mul3A_27 : vector<16xf32>
      %mul3A_33 = arith.mulf %sub3A, %sub3A_32 : vector<16xf32>
      %get3A_34 = arith.index_cast %mul3A_10 : i32 to index
      %get3A_35 = tpu.vector_load %arg16[%get3A_34] {strides = array<i32>} : memref<5120xi32, #tpu.memory_space<vmem>>, vector<16xi32>,
      tpu.vector_store_idx %arg17[%get3A_35], %mul3A_20 : memref<5120xf32, #tpu.memory_space<vmem>>[vector<16xi32>], vector<16xf32>,
      tpu.vector_store_idx %arg18[%get3A_35], %mul3A_27 : memref<5120xf32, #tpu.memory_space<vmem>>[vector<16xi32>], vector<16xf32>,
      tpu.vector_store_idx %arg19[%get3A_35], %mul3A_23 : memref<5120xf32, #tpu.memory_space<vmem>>[vector<16xi32>], vector<16xf32>,
      tpu.vector_store_idx %arg20[%get3A_35], %mul3A_31 : memref<5120xf32, #tpu.memory_space<vmem>>[vector<16xi32>], vector<16xf32>,
      tpu.vector_store_idx %arg21[%get3A_35], %mul3A_33 : memref<5120xf32, #tpu.memory_space<vmem>>[vector<16xi32>], vector<16xf32>,
    }
    %scan3A_7 = arith.constant 320 : i32
    "tpu.region"() ({
      %run_scoped3A = tpu.sem_alloc : memref<!tpu.dma_semaphore, #tpu.memory_space<semaphore_mem>>
      %dma_start3A = tpu.memref_slice %arg17[%mul3A_2] : memref<5120xf32, #tpu.memory_space<vmem>> -> memref<160xf32, #tpu.memory_space<vmem>>
      %dma_start3A_8 = tpu.memref_slice %arg7[%mul3A_2] : memref<5120xf32, #tpu.memory_space<hbm>> -> memref<160xf32, #tpu.memory_space<hbm>>
      %dma_start3A_9 = tpu.memref_slice %arg7[%mul3A_2] : memref<5120xf32, #tpu.memory_space<hbm>> -> memref<160xf32, #tpu.memory_space<hbm>>
      %dma_start3A_10 = tpu.memref_slice %arg17[%mul3A_2] : memref<5120xf32, #tpu.memory_space<vmem>> -> memref<160xf32, #tpu.memory_space<vmem>>
      tpu.enqueue_dma source(%dma_start3A_10 : memref<160xf32, #tpu.memory_space<vmem>>) target(%dma_start3A_9 : memref<160xf32, #tpu.memory_space<hbm>>) target_semaphore(%run_scoped3A : memref<!tpu.dma_semaphore, #tpu.memory_space<semaphore_mem>>)
      %dma_wait3A = tpu.memref_slice %arg17[%mul3A_2] : memref<5120xf32, #tpu.memory_space<vmem>> -> memref<160xf32, #tpu.memory_space<vmem>>
      %dma_wait3A_11 = tpu.memref_slice %arg7[%mul3A_2] : memref<5120xf32, #tpu.memory_space<hbm>> -> memref<160xf32, #tpu.memory_space<hbm>>
      %dma_wait3A_12 = tpu.memref_slice %arg7[%mul3A_2] : memref<5120xf32, #tpu.memory_space<hbm>> -> memref<160xf32, #tpu.memory_space<hbm>>
      %dma_wait3A_13 = tpu.memref_slice %arg17[%mul3A_2] : memref<5120xf32, #tpu.memory_space<vmem>> -> memref<160xf32, #tpu.memory_space<vmem>>
      tpu.wait_dma2 semaphore(%run_scoped3A : memref<!tpu.dma_semaphore, #tpu.memory_space<semaphore_mem>>) src(%dma_wait3A_13 : memref<160xf32, #tpu.memory_space<vmem>>) dst(%dma_wait3A_12 : memref<160xf32, #tpu.memory_space<hbm>>)
      tpu.yield
    }) : () -> ()
    "tpu.region"() ({
      %run_scoped3A = tpu.sem_alloc : memref<!tpu.dma_semaphore, #tpu.memory_space<semaphore_mem>>
      %dma_start3A = tpu.memref_slice %arg18[%mul3A_2] : memref<5120xf32, #tpu.memory_space<vmem>> -> memref<160xf32, #tpu.memory_space<vmem>>
      %dma_start3A_8 = tpu.memref_slice %arg8[%mul3A_2] : memref<5120xf32, #tpu.memory_space<hbm>> -> memref<160xf32, #tpu.memory_space<hbm>>
      %dma_start3A_9 = tpu.memref_slice %arg8[%mul3A_2] : memref<5120xf32, #tpu.memory_space<hbm>> -> memref<160xf32, #tpu.memory_space<hbm>>
      %dma_start3A_10 = tpu.memref_slice %arg18[%mul3A_2] : memref<5120xf32, #tpu.memory_space<vmem>> -> memref<160xf32, #tpu.memory_space<vmem>>
      tpu.enqueue_dma source(%dma_start3A_10 : memref<160xf32, #tpu.memory_space<vmem>>) target(%dma_start3A_9 : memref<160xf32, #tpu.memory_space<hbm>>) target_semaphore(%run_scoped3A : memref<!tpu.dma_semaphore, #tpu.memory_space<semaphore_mem>>)
      %dma_wait3A = tpu.memref_slice %arg18[%mul3A_2] : memref<5120xf32, #tpu.memory_space<vmem>> -> memref<160xf32, #tpu.memory_space<vmem>>
      %dma_wait3A_11 = tpu.memref_slice %arg8[%mul3A_2] : memref<5120xf32, #tpu.memory_space<hbm>> -> memref<160xf32, #tpu.memory_space<hbm>>
      %dma_wait3A_12 = tpu.memref_slice %arg8[%mul3A_2] : memref<5120xf32, #tpu.memory_space<hbm>> -> memref<160xf32, #tpu.memory_space<hbm>>
      %dma_wait3A_13 = tpu.memref_slice %arg18[%mul3A_2] : memref<5120xf32, #tpu.memory_space<vmem>> -> memref<160xf32, #tpu.memory_space<vmem>>
      tpu.wait_dma2 semaphore(%run_scoped3A : memref<!tpu.dma_semaphore, #tpu.memory_space<semaphore_mem>>) src(%dma_wait3A_13 : memref<160xf32, #tpu.memory_space<vmem>>) dst(%dma_wait3A_12 : memref<160xf32, #tpu.memory_space<hbm>>)
      tpu.yield
    }) : () -> ()
    "tpu.region"() ({
      %run_scoped3A = tpu.sem_alloc : memref<!tpu.dma_semaphore, #tpu.memory_space<semaphore_mem>>
      %dma_start3A = tpu.memref_slice %arg19[%mul3A_2] : memref<5120xf32, #tpu.memory_space<vmem>> -> memref<160xf32, #tpu.memory_space<vmem>>
      %dma_start3A_8 = tpu.memref_slice %arg9[%mul3A_2] : memref<5120xf32, #tpu.memory_space<hbm>> -> memref<160xf32, #tpu.memory_space<hbm>>
      %dma_start3A_9 = tpu.memref_slice %arg9[%mul3A_2] : memref<5120xf32, #tpu.memory_space<hbm>> -> memref<160xf32, #tpu.memory_space<hbm>>
      %dma_start3A_10 = tpu.memref_slice %arg19[%mul3A_2] : memref<5120xf32, #tpu.memory_space<vmem>> -> memref<160xf32, #tpu.memory_space<vmem>>
      tpu.enqueue_dma source(%dma_start3A_10 : memref<160xf32, #tpu.memory_space<vmem>>) target(%dma_start3A_9 : memref<160xf32, #tpu.memory_space<hbm>>) target_semaphore(%run_scoped3A : memref<!tpu.dma_semaphore, #tpu.memory_space<semaphore_mem>>)
      %dma_wait3A = tpu.memref_slice %arg19[%mul3A_2] : memref<5120xf32, #tpu.memory_space<vmem>> -> memref<160xf32, #tpu.memory_space<vmem>>
      %dma_wait3A_11 = tpu.memref_slice %arg9[%mul3A_2] : memref<5120xf32, #tpu.memory_space<hbm>> -> memref<160xf32, #tpu.memory_space<hbm>>
      %dma_wait3A_12 = tpu.memref_slice %arg9[%mul3A_2] : memref<5120xf32, #tpu.memory_space<hbm>> -> memref<160xf32, #tpu.memory_space<hbm>>
      %dma_wait3A_13 = tpu.memref_slice %arg19[%mul3A_2] : memref<5120xf32, #tpu.memory_space<vmem>> -> memref<160xf32, #tpu.memory_space<vmem>>
      tpu.wait_dma2 semaphore(%run_scoped3A : memref<!tpu.dma_semaphore, #tpu.memory_space<semaphore_mem>>) src(%dma_wait3A_13 : memref<160xf32, #tpu.memory_space<vmem>>) dst(%dma_wait3A_12 : memref<160xf32, #tpu.memory_space<hbm>>)
      tpu.yield
    }) : () -> ()
    "tpu.region"() ({
      %run_scoped3A = tpu.sem_alloc : memref<!tpu.dma_semaphore, #tpu.memory_space<semaphore_mem>>
      %dma_start3A = tpu.memref_slice %arg20[%mul3A_2] : memref<5120xf32, #tpu.memory_space<vmem>> -> memref<160xf32, #tpu.memory_space<vmem>>
      %dma_start3A_8 = tpu.memref_slice %arg10[%mul3A_2] : memref<5120xf32, #tpu.memory_space<hbm>> -> memref<160xf32, #tpu.memory_space<hbm>>
      %dma_start3A_9 = tpu.memref_slice %arg10[%mul3A_2] : memref<5120xf32, #tpu.memory_space<hbm>> -> memref<160xf32, #tpu.memory_space<hbm>>
      %dma_start3A_10 = tpu.memref_slice %arg20[%mul3A_2] : memref<5120xf32, #tpu.memory_space<vmem>> -> memref<160xf32, #tpu.memory_space<vmem>>
      tpu.enqueue_dma source(%dma_start3A_10 : memref<160xf32, #tpu.memory_space<vmem>>) target(%dma_start3A_9 : memref<160xf32, #tpu.memory_space<hbm>>) target_semaphore(%run_scoped3A : memref<!tpu.dma_semaphore, #tpu.memory_space<semaphore_mem>>)
      %dma_wait3A = tpu.memref_slice %arg20[%mul3A_2] : memref<5120xf32, #tpu.memory_space<vmem>> -> memref<160xf32, #tpu.memory_space<vmem>>
      %dma_wait3A_11 = tpu.memref_slice %arg10[%mul3A_2] : memref<5120xf32, #tpu.memory_space<hbm>> -> memref<160xf32, #tpu.memory_space<hbm>>
      %dma_wait3A_12 = tpu.memref_slice %arg10[%mul3A_2] : memref<5120xf32, #tpu.memory_space<hbm>> -> memref<160xf32, #tpu.memory_space<hbm>>
      %dma_wait3A_13 = tpu.memref_slice %arg20[%mul3A_2] : memref<5120xf32, #tpu.memory_space<vmem>> -> memref<160xf32, #tpu.memory_space<vmem>>
      tpu.wait_dma2 semaphore(%run_scoped3A : memref<!tpu.dma_semaphore, #tpu.memory_space<semaphore_mem>>) src(%dma_wait3A_13 : memref<160xf32, #tpu.memory_space<vmem>>) dst(%dma_wait3A_12 : memref<160xf32, #tpu.memory_space<hbm>>)
      tpu.yield
    }) : () -> ()
    "tpu.region"() ({
      %run_scoped3A = tpu.sem_alloc : memref<!tpu.dma_semaphore, #tpu.memory_space<semaphore_mem>>
      %dma_start3A = tpu.memref_slice %arg21[%mul3A_2] : memref<5120xf32, #tpu.memory_space<vmem>> -> memref<160xf32, #tpu.memory_space<vmem>>
      %dma_start3A_8 = tpu.memref_slice %arg11[%mul3A_2] : memref<5120xf32, #tpu.memory_space<hbm>> -> memref<160xf32, #tpu.memory_space<hbm>>
      %dma_start3A_9 = tpu.memref_slice %arg11[%mul3A_2] : memref<5120xf32, #tpu.memory_space<hbm>> -> memref<160xf32, #tpu.memory_space<hbm>>
      %dma_start3A_10 = tpu.memref_slice %arg21[%mul3A_2] : memref<5120xf32, #tpu.memory_space<vmem>> -> memref<160xf32, #tpu.memory_space<vmem>>
      tpu.enqueue_dma source(%dma_start3A_10 : memref<160xf32, #tpu.memory_space<vmem>>) target(%dma_start3A_9 : memref<160xf32, #tpu.memory_space<hbm>>) target_semaphore(%run_scoped3A : memref<!tpu.dma_semaphore, #tpu.memory_space<semaphore_mem>>)
      %dma_wait3A = tpu.memref_slice %arg21[%mul3A_2] : memref<5120xf32, #tpu.memory_space<vmem>> -> memref<160xf32, #tpu.memory_space<vmem>>
      %dma_wait3A_11 = tpu.memref_slice %arg11[%mul3A_2] : memref<5120xf32, #tpu.memory_space<hbm>> -> memref<160xf32, #tpu.memory_space<hbm>>
      %dma_wait3A_12 = tpu.memref_slice %arg11[%mul3A_2] : memref<5120xf32, #tpu.memory_space<hbm>> -> memref<160xf32, #tpu.memory_space<hbm>>
      %dma_wait3A_13 = tpu.memref_slice %arg21[%mul3A_2] : memref<5120xf32, #tpu.memory_space<vmem>> -> memref<160xf32, #tpu.memory_space<vmem>>
      tpu.wait_dma2 semaphore(%run_scoped3A : memref<!tpu.dma_semaphore, #tpu.memory_space<semaphore_mem>>) src(%dma_wait3A_13 : memref<160xf32, #tpu.memory_space<vmem>>) dst(%dma_wait3A_12 : memref<160xf32, #tpu.memory_space<hbm>>)
      tpu.yield
    }) : () -> ()
    return
  }
}

module attributes {stable_mosaic.version = 14 : i64} {
  func.func @_rank_body(%arg0: memref<10x512xf32, #tpu.memory_space<vmem>>, %arg1: memref<10x512xi32, #tpu.memory_space<vmem>>) attributes {dimension_semantics = [], scalar_prefetch = 0 : i64, scratch_operands = 0 : i64, tpu.core_type = #tpu.core_type<tc>} {
    %broadcast_in_dim3A = arith.constant 1.000000e+00 : f32
    %broadcast_in_dim3A_0 = vector.broadcast %broadcast_in_dim3A : f32 to vector<512x1xf32>
    %iota3A = tpu.iota {dimensions = array<i32: 0>} : vector<512x512xi32>
    %iota3A_1 = tpu.iota {dimensions = array<i32: 1>} : vector<512x512xi32>
    %eq3A = arith.cmpi eq, %iota3A, %iota3A_1 : vector<512x512xi32>
    %jit3A = arith.constant 1.000000e+00 : f32
    %jit3A_2 = arith.constant 0.000000e+00 : f32
    %broadcast_in_dim3A_3 = vector.broadcast %jit3A : f32 to vector<512x512xf32>
    %broadcast_in_dim3A_4 = vector.broadcast %jit3A_2 : f32 to vector<512x512xf32>
    %select_n3A = arith.select %eq3A, %broadcast_in_dim3A_3, %broadcast_in_dim3A_4 : vector<512x512xi1>, vector<512x512xf32>
    %get3A = arith.constant 0 : index
    %get3A_5 = arith.constant 0 : index
    %get3A_6 = vector.load %arg0[%get3A, %get3A_5] : memref<10x512xf32, #tpu.memory_space<vmem>>, vector<1x512xf32>
    %dot_general3A = arith.constant dense<0.000000e+00> : vector<512x1xf32>
    %dot_general3A_7 = tpu.matmul %select_n3A, %get3A_6, %dot_general3A {dimension_numbers = #tpu.dot_dimension_numbers<[1], [1], [0], [0], [0, 0, 1, 0], [], []>, precision = #tpu.contract_precision<fp32>, transpose_lhs_hint = false} : vector<512x512xf32>, vector<1x512xf32>, vector<512x1xf32> -> vector<512x1xf32>
    %get3A_8 = arith.constant 0 : index
    %get3A_9 = arith.constant 0 : index
    %get3A_10 = vector.load %arg0[%get3A_8, %get3A_9] : memref<10x512xf32, #tpu.memory_space<vmem>>, vector<1x512xf32>
    %iota3A_11 = tpu.iota {dimensions = array<i32: 1>} : vector<512x512xi32>
    %iota3A_12 = tpu.iota {dimensions = array<i32: 0>} : vector<512x512xi32>
    %lt3A = arith.cmpi slt, %iota3A_11, %iota3A_12 : vector<512x512xi32>
    %gt3A = vector.broadcast %get3A_10 : vector<1x512xf32> to vector<512x512xf32>
    %gt3A_13 = vector.broadcast %dot_general3A_7 : vector<512x1xf32> to vector<512x512xf32>
    %gt3A_14 = arith.cmpf ogt, %gt3A, %gt3A_13 : vector<512x512xf32>
    %eq3A_15 = vector.broadcast %get3A_10 : vector<1x512xf32> to vector<512x512xf32>
    %eq3A_16 = vector.broadcast %dot_general3A_7 : vector<512x1xf32> to vector<512x512xf32>
    %eq3A_17 = arith.cmpf oeq, %eq3A_15, %eq3A_16 : vector<512x512xf32>
    %and3A = arith.andi %eq3A_17, %lt3A : vector<512x512xi1>
    %or3A = arith.ori %gt3A_14, %and3A : vector<512x512xi1>
    %jit3A_18 = arith.constant 1.000000e+00 : f32
    %jit3A_19 = arith.constant 0.000000e+00 : f32
    %broadcast_in_dim3A_20 = vector.broadcast %jit3A_18 : f32 to vector<512x512xf32>
    %broadcast_in_dim3A_21 = vector.broadcast %jit3A_19 : f32 to vector<512x512xf32>
    %select_n3A_22 = arith.select %or3A, %broadcast_in_dim3A_20, %broadcast_in_dim3A_21 : vector<512x512xi1>, vector<512x512xf32>
    %scan3A = arith.constant 0 : i32
    %scan3A_23 = arith.constant 0 : i32
    %scan3A_24 = arith.addi %scan3A, %scan3A_23 : i32
    %scan3A_25 = arith.constant 0 : i32
    %scan3A_26 = arith.constant 1 : i32
    %scan3A_27 = arith.constant 9 : i32
    %scan3A_28 = arith.addi %scan3A_26, %scan3A_27 : i32
    %scan3A_29 = arith.constant 1 : i32
    %scan3A_30 = scf.for %scan3A_446 = %scan3A_26 to %scan3A_28 step %scan3A_29 iter_args(%scan3A_447 = %select_n3A_22) -> (vector<512x512xf32>)  : i32 {
      %get3A_448 = arith.index_cast %scan3A_446 : i32 to index
      %get3A_449 = arith.constant 0 : index
      %get3A_450 = vector.load %arg0[%get3A_448, %get3A_449] : memref<10x512xf32, #tpu.memory_space<vmem>>, vector<1x512xf32>
      %gt3A_451 = vector.broadcast %get3A_450 : vector<1x512xf32> to vector<512x512xf32>
      %gt3A_452 = vector.broadcast %dot_general3A_7 : vector<512x1xf32> to vector<512x512xf32>
      %gt3A_453 = arith.cmpf ogt, %gt3A_451, %gt3A_452 : vector<512x512xf32>
      %jit3A_454 = arith.constant 1.000000e+00 : f32
      %jit3A_455 = arith.constant 0.000000e+00 : f32
      %broadcast_in_dim3A_456 = vector.broadcast %jit3A_454 : f32 to vector<512x512xf32>
      %broadcast_in_dim3A_457 = vector.broadcast %jit3A_455 : f32 to vector<512x512xf32>
      %select_n3A_458 = arith.select %gt3A_453, %broadcast_in_dim3A_456, %broadcast_in_dim3A_457 : vector<512x512xi1>, vector<512x512xf32>
      %add3A_459 = arith.addf %scan3A_447, %select_n3A_458 : vector<512x512xf32>
      scf.yield %add3A_459 : vector<512x512xf32>
    }
    %scan3A_31 = arith.constant 9 : i32
    %dot_general3A_32 = arith.constant dense<0.000000e+00> : vector<512x1xf32>
    %dot_general3A_33 = tpu.matmul %scan3A_30, %broadcast_in_dim3A_0, %dot_general3A_32 {dimension_numbers = #tpu.dot_dimension_numbers<[1], [0], [0], [1], [0, 0, 1, 1], [], []>, transpose_lhs_hint = false} : vector<512x512xf32>, vector<512x1xf32>, vector<512x1xf32> -> vector<512x1xf32>
    %dot_general3A_34 = arith.constant dense<0.000000e+00> : vector<1x512xf32>
    %dot_general3A_35 = tpu.matmul %dot_general3A_33, %select_n3A, %dot_general3A_34 {dimension_numbers = #tpu.dot_dimension_numbers<[0], [0], [1], [1], [0, 1, 1, 1], [], []>, precision = #tpu.contract_precision<fp32>, transpose_lhs_hint = false} : vector<512x1xf32>, vector<512x512xf32>, vector<1x512xf32> -> vector<1x512xf32>
    %convert_element_type3A = arith.fptosi %dot_general3A_35 : vector<1x512xf32> to vector<1x512xi32>
    %swap3A = arith.constant 0 : index
    %swap3A_36 = arith.constant 0 : index
    %swap3A_37 = vector.load %arg1[%swap3A, %swap3A_36] : memref<10x512xi32, #tpu.memory_space<vmem>>, vector<1x512xi32>
    tpu.vector_store %arg1[%swap3A, %swap3A_36], %convert_element_type3A {strides = array<i32>} : memref<10x512xi32, #tpu.memory_space<vmem>>, vector<1x512xi32>,
    %get3A_38 = arith.constant 1 : index
    %get3A_39 = arith.constant 0 : index
    %get3A_40 = vector.load %arg0[%get3A_38, %get3A_39] : memref<10x512xf32, #tpu.memory_space<vmem>>, vector<1x512xf32>
    %dot_general3A_41 = arith.constant dense<0.000000e+00> : vector<512x1xf32>
    %dot_general3A_42 = tpu.matmul %select_n3A, %get3A_40, %dot_general3A_41 {dimension_numbers = #tpu.dot_dimension_numbers<[1], [1], [0], [0], [0, 0, 1, 0], [], []>, precision = #tpu.contract_precision<fp32>, transpose_lhs_hint = false} : vector<512x512xf32>, vector<1x512xf32>, vector<512x1xf32> -> vector<512x1xf32>
    %get3A_43 = arith.constant 1 : index
    %get3A_44 = arith.constant 0 : index
    %get3A_45 = vector.load %arg0[%get3A_43, %get3A_44] : memref<10x512xf32, #tpu.memory_space<vmem>>, vector<1x512xf32>
    %iota3A_46 = tpu.iota {dimensions = array<i32: 1>} : vector<512x512xi32>
    %iota3A_47 = tpu.iota {dimensions = array<i32: 0>} : vector<512x512xi32>
    %lt3A_48 = arith.cmpi slt, %iota3A_46, %iota3A_47 : vector<512x512xi32>
    %gt3A_49 = vector.broadcast %get3A_45 : vector<1x512xf32> to vector<512x512xf32>
    %gt3A_50 = vector.broadcast %dot_general3A_42 : vector<512x1xf32> to vector<512x512xf32>
    %gt3A_51 = arith.cmpf ogt, %gt3A_49, %gt3A_50 : vector<512x512xf32>
    %eq3A_52 = vector.broadcast %get3A_45 : vector<1x512xf32> to vector<512x512xf32>
    %eq3A_53 = vector.broadcast %dot_general3A_42 : vector<512x1xf32> to vector<512x512xf32>
    %eq3A_54 = arith.cmpf oeq, %eq3A_52, %eq3A_53 : vector<512x512xf32>
    %and3A_55 = arith.andi %eq3A_54, %lt3A_48 : vector<512x512xi1>
    %or3A_56 = arith.ori %gt3A_51, %and3A_55 : vector<512x512xi1>
    %jit3A_57 = arith.constant 1.000000e+00 : f32
    %jit3A_58 = arith.constant 0.000000e+00 : f32
    %broadcast_in_dim3A_59 = vector.broadcast %jit3A_57 : f32 to vector<512x512xf32>
    %broadcast_in_dim3A_60 = vector.broadcast %jit3A_58 : f32 to vector<512x512xf32>
    %select_n3A_61 = arith.select %or3A_56, %broadcast_in_dim3A_59, %broadcast_in_dim3A_60 : vector<512x512xi1>, vector<512x512xf32>
    %scan3A_62 = arith.constant 0 : i32
    %get3A_63 = arith.index_cast %scan3A_62 : i32 to index
    %get3A_64 = arith.constant 0 : index
    %get3A_65 = vector.load %arg0[%get3A_63, %get3A_64] : memref<10x512xf32, #tpu.memory_space<vmem>>, vector<1x512xf32>
    %ge3A = vector.broadcast %get3A_65 : vector<1x512xf32> to vector<512x512xf32>
    %ge3A_66 = vector.broadcast %dot_general3A_42 : vector<512x1xf32> to vector<512x512xf32>
    %ge3A_67 = arith.cmpf oge, %ge3A, %ge3A_66 : vector<512x512xf32>
    %jit3A_68 = arith.constant 1.000000e+00 : f32
    %jit3A_69 = arith.constant 0.000000e+00 : f32
    %broadcast_in_dim3A_70 = vector.broadcast %jit3A_68 : f32 to vector<512x512xf32>
    %broadcast_in_dim3A_71 = vector.broadcast %jit3A_69 : f32 to vector<512x512xf32>
    %select_n3A_72 = arith.select %ge3A_67, %broadcast_in_dim3A_70, %broadcast_in_dim3A_71 : vector<512x512xi1>, vector<512x512xf32>
    %add3A = arith.addf %select_n3A_61, %select_n3A_72 : vector<512x512xf32>
    %scan3A_73 = arith.constant 1 : i32
    %scan3A_74 = arith.constant 2 : i32
    %scan3A_75 = arith.constant 8 : i32
    %scan3A_76 = arith.addi %scan3A_74, %scan3A_75 : i32
    %scan3A_77 = arith.constant 1 : i32
    %scan3A_78 = scf.for %scan3A_446 = %scan3A_74 to %scan3A_76 step %scan3A_77 iter_args(%scan3A_447 = %add3A) -> (vector<512x512xf32>)  : i32 {
      %get3A_448 = arith.index_cast %scan3A_446 : i32 to index
      %get3A_449 = arith.constant 0 : index
      %get3A_450 = vector.load %arg0[%get3A_448, %get3A_449] : memref<10x512xf32, #tpu.memory_space<vmem>>, vector<1x512xf32>
      %gt3A_451 = vector.broadcast %get3A_450 : vector<1x512xf32> to vector<512x512xf32>
      %gt3A_452 = vector.broadcast %dot_general3A_42 : vector<512x1xf32> to vector<512x512xf32>
      %gt3A_453 = arith.cmpf ogt, %gt3A_451, %gt3A_452 : vector<512x512xf32>
      %jit3A_454 = arith.constant 1.000000e+00 : f32
      %jit3A_455 = arith.constant 0.000000e+00 : f32
      %broadcast_in_dim3A_456 = vector.broadcast %jit3A_454 : f32 to vector<512x512xf32>
      %broadcast_in_dim3A_457 = vector.broadcast %jit3A_455 : f32 to vector<512x512xf32>
      %select_n3A_458 = arith.select %gt3A_453, %broadcast_in_dim3A_456, %broadcast_in_dim3A_457 : vector<512x512xi1>, vector<512x512xf32>
      %add3A_459 = arith.addf %scan3A_447, %select_n3A_458 : vector<512x512xf32>
      scf.yield %add3A_459 : vector<512x512xf32>
    }
    %scan3A_79 = arith.constant 8 : i32
    %dot_general3A_80 = arith.constant dense<0.000000e+00> : vector<512x1xf32>
    %dot_general3A_81 = tpu.matmul %scan3A_78, %broadcast_in_dim3A_0, %dot_general3A_80 {dimension_numbers = #tpu.dot_dimension_numbers<[1], [0], [0], [1], [0, 0, 1, 1], [], []>, transpose_lhs_hint = false} : vector<512x512xf32>, vector<512x1xf32>, vector<512x1xf32> -> vector<512x1xf32>
    %dot_general3A_82 = arith.constant dense<0.000000e+00> : vector<1x512xf32>
    %dot_general3A_83 = tpu.matmul %dot_general3A_81, %select_n3A, %dot_general3A_82 {dimension_numbers = #tpu.dot_dimension_numbers<[0], [0], [1], [1], [0, 1, 1, 1], [], []>, precision = #tpu.contract_precision<fp32>, transpose_lhs_hint = false} : vector<512x1xf32>, vector<512x512xf32>, vector<1x512xf32> -> vector<1x512xf32>
    %convert_element_type3A_84 = arith.fptosi %dot_general3A_83 : vector<1x512xf32> to vector<1x512xi32>
    %swap3A_85 = arith.constant 1 : index
    %swap3A_86 = arith.constant 0 : index
    %swap3A_87 = vector.load %arg1[%swap3A_85, %swap3A_86] : memref<10x512xi32, #tpu.memory_space<vmem>>, vector<1x512xi32>
    tpu.vector_store %arg1[%swap3A_85, %swap3A_86], %convert_element_type3A_84 {strides = array<i32>} : memref<10x512xi32, #tpu.memory_space<vmem>>, vector<1x512xi32>,
    %get3A_88 = arith.constant 2 : index
    %get3A_89 = arith.constant 0 : index
    %get3A_90 = vector.load %arg0[%get3A_88, %get3A_89] : memref<10x512xf32, #tpu.memory_space<vmem>>, vector<1x512xf32>
    %dot_general3A_91 = arith.constant dense<0.000000e+00> : vector<512x1xf32>
    %dot_general3A_92 = tpu.matmul %select_n3A, %get3A_90, %dot_general3A_91 {dimension_numbers = #tpu.dot_dimension_numbers<[1], [1], [0], [0], [0, 0, 1, 0], [], []>, precision = #tpu.contract_precision<fp32>, transpose_lhs_hint = false} : vector<512x512xf32>, vector<1x512xf32>, vector<512x1xf32> -> vector<512x1xf32>
    %get3A_93 = arith.constant 2 : index
    %get3A_94 = arith.constant 0 : index
    %get3A_95 = vector.load %arg0[%get3A_93, %get3A_94] : memref<10x512xf32, #tpu.memory_space<vmem>>, vector<1x512xf32>
    %iota3A_96 = tpu.iota {dimensions = array<i32: 1>} : vector<512x512xi32>
    %iota3A_97 = tpu.iota {dimensions = array<i32: 0>} : vector<512x512xi32>
    %lt3A_98 = arith.cmpi slt, %iota3A_96, %iota3A_97 : vector<512x512xi32>
    %gt3A_99 = vector.broadcast %get3A_95 : vector<1x512xf32> to vector<512x512xf32>
    %gt3A_100 = vector.broadcast %dot_general3A_92 : vector<512x1xf32> to vector<512x512xf32>
    %gt3A_101 = arith.cmpf ogt, %gt3A_99, %gt3A_100 : vector<512x512xf32>
    %eq3A_102 = vector.broadcast %get3A_95 : vector<1x512xf32> to vector<512x512xf32>
    %eq3A_103 = vector.broadcast %dot_general3A_92 : vector<512x1xf32> to vector<512x512xf32>
    %eq3A_104 = arith.cmpf oeq, %eq3A_102, %eq3A_103 : vector<512x512xf32>
    %and3A_105 = arith.andi %eq3A_104, %lt3A_98 : vector<512x512xi1>
    %or3A_106 = arith.ori %gt3A_101, %and3A_105 : vector<512x512xi1>
    %jit3A_107 = arith.constant 1.000000e+00 : f32
    %jit3A_108 = arith.constant 0.000000e+00 : f32
    %broadcast_in_dim3A_109 = vector.broadcast %jit3A_107 : f32 to vector<512x512xf32>
    %broadcast_in_dim3A_110 = vector.broadcast %jit3A_108 : f32 to vector<512x512xf32>
    %select_n3A_111 = arith.select %or3A_106, %broadcast_in_dim3A_109, %broadcast_in_dim3A_110 : vector<512x512xi1>, vector<512x512xf32>
    %scan3A_112 = arith.constant 0 : i32
    %scan3A_113 = arith.constant 2 : i32
    %scan3A_114 = arith.addi %scan3A_112, %scan3A_113 : i32
    %scan3A_115 = arith.constant 1 : i32
    %scan3A_116 = scf.for %scan3A_446 = %scan3A_112 to %scan3A_114 step %scan3A_115 iter_args(%scan3A_447 = %select_n3A_111) -> (vector<512x512xf32>)  : i32 {
      %get3A_448 = arith.index_cast %scan3A_446 : i32 to index
      %get3A_449 = arith.constant 0 : index
      %get3A_450 = vector.load %arg0[%get3A_448, %get3A_449] : memref<10x512xf32, #tpu.memory_space<vmem>>, vector<1x512xf32>
      %ge3A_451 = vector.broadcast %get3A_450 : vector<1x512xf32> to vector<512x512xf32>
      %ge3A_452 = vector.broadcast %dot_general3A_92 : vector<512x1xf32> to vector<512x512xf32>
      %ge3A_453 = arith.cmpf oge, %ge3A_451, %ge3A_452 : vector<512x512xf32>
      %jit3A_454 = arith.constant 1.000000e+00 : f32
      %jit3A_455 = arith.constant 0.000000e+00 : f32
      %broadcast_in_dim3A_456 = vector.broadcast %jit3A_454 : f32 to vector<512x512xf32>
      %broadcast_in_dim3A_457 = vector.broadcast %jit3A_455 : f32 to vector<512x512xf32>
      %select_n3A_458 = arith.select %ge3A_453, %broadcast_in_dim3A_456, %broadcast_in_dim3A_457 : vector<512x512xi1>, vector<512x512xf32>
      %add3A_459 = arith.addf %scan3A_447, %select_n3A_458 : vector<512x512xf32>
      scf.yield %add3A_459 : vector<512x512xf32>
    }
    %scan3A_117 = arith.constant 2 : i32
    %scan3A_118 = arith.constant 3 : i32
    %scan3A_119 = arith.constant 7 : i32
    %scan3A_120 = arith.addi %scan3A_118, %scan3A_119 : i32
    %scan3A_121 = arith.constant 1 : i32
    %scan3A_122 = scf.for %scan3A_446 = %scan3A_118 to %scan3A_120 step %scan3A_121 iter_args(%scan3A_447 = %scan3A_116) -> (vector<512x512xf32>)  : i32 {
      %get3A_448 = arith.index_cast %scan3A_446 : i32 to index
      %get3A_449 = arith.constant 0 : index
      %get3A_450 = vector.load %arg0[%get3A_448, %get3A_449] : memref<10x512xf32, #tpu.memory_space<vmem>>, vector<1x512xf32>
      %gt3A_451 = vector.broadcast %get3A_450 : vector<1x512xf32> to vector<512x512xf32>
      %gt3A_452 = vector.broadcast %dot_general3A_92 : vector<512x1xf32> to vector<512x512xf32>
      %gt3A_453 = arith.cmpf ogt, %gt3A_451, %gt3A_452 : vector<512x512xf32>
      %jit3A_454 = arith.constant 1.000000e+00 : f32
      %jit3A_455 = arith.constant 0.000000e+00 : f32
      %broadcast_in_dim3A_456 = vector.broadcast %jit3A_454 : f32 to vector<512x512xf32>
      %broadcast_in_dim3A_457 = vector.broadcast %jit3A_455 : f32 to vector<512x512xf32>
      %select_n3A_458 = arith.select %gt3A_453, %broadcast_in_dim3A_456, %broadcast_in_dim3A_457 : vector<512x512xi1>, vector<512x512xf32>
      %add3A_459 = arith.addf %scan3A_447, %select_n3A_458 : vector<512x512xf32>
      scf.yield %add3A_459 : vector<512x512xf32>
    }
    %scan3A_123 = arith.constant 7 : i32
    %dot_general3A_124 = arith.constant dense<0.000000e+00> : vector<512x1xf32>
    %dot_general3A_125 = tpu.matmul %scan3A_122, %broadcast_in_dim3A_0, %dot_general3A_124 {dimension_numbers = #tpu.dot_dimension_numbers<[1], [0], [0], [1], [0, 0, 1, 1], [], []>, transpose_lhs_hint = false} : vector<512x512xf32>, vector<512x1xf32>, vector<512x1xf32> -> vector<512x1xf32>
    %dot_general3A_126 = arith.constant dense<0.000000e+00> : vector<1x512xf32>
    %dot_general3A_127 = tpu.matmul %dot_general3A_125, %select_n3A, %dot_general3A_126 {dimension_numbers = #tpu.dot_dimension_numbers<[0], [0], [1], [1], [0, 1, 1, 1], [], []>, precision = #tpu.contract_precision<fp32>, transpose_lhs_hint = false} : vector<512x1xf32>, vector<512x512xf32>, vector<1x512xf32> -> vector<1x512xf32>
    %convert_element_type3A_128 = arith.fptosi %dot_general3A_127 : vector<1x512xf32> to vector<1x512xi32>
    %swap3A_129 = arith.constant 2 : index
    %swap3A_130 = arith.constant 0 : index
    %swap3A_131 = vector.load %arg1[%swap3A_129, %swap3A_130] : memref<10x512xi32, #tpu.memory_space<vmem>>, vector<1x512xi32>
    tpu.vector_store %arg1[%swap3A_129, %swap3A_130], %convert_element_type3A_128 {strides = array<i32>} : memref<10x512xi32, #tpu.memory_space<vmem>>, vector<1x512xi32>,
    %get3A_132 = arith.constant 3 : index
    %get3A_133 = arith.constant 0 : index
    %get3A_134 = vector.load %arg0[%get3A_132, %get3A_133] : memref<10x512xf32, #tpu.memory_space<vmem>>, vector<1x512xf32>
    %dot_general3A_135 = arith.constant dense<0.000000e+00> : vector<512x1xf32>
    %dot_general3A_136 = tpu.matmul %select_n3A, %get3A_134, %dot_general3A_135 {dimension_numbers = #tpu.dot_dimension_numbers<[1], [1], [0], [0], [0, 0, 1, 0], [], []>, precision = #tpu.contract_precision<fp32>, transpose_lhs_hint = false} : vector<512x512xf32>, vector<1x512xf32>, vector<512x1xf32> -> vector<512x1xf32>
    %get3A_137 = arith.constant 3 : index
    %get3A_138 = arith.constant 0 : index
    %get3A_139 = vector.load %arg0[%get3A_137, %get3A_138] : memref<10x512xf32, #tpu.memory_space<vmem>>, vector<1x512xf32>
    %iota3A_140 = tpu.iota {dimensions = array<i32: 1>} : vector<512x512xi32>
    %iota3A_141 = tpu.iota {dimensions = array<i32: 0>} : vector<512x512xi32>
    %lt3A_142 = arith.cmpi slt, %iota3A_140, %iota3A_141 : vector<512x512xi32>
    %gt3A_143 = vector.broadcast %get3A_139 : vector<1x512xf32> to vector<512x512xf32>
    %gt3A_144 = vector.broadcast %dot_general3A_136 : vector<512x1xf32> to vector<512x512xf32>
    %gt3A_145 = arith.cmpf ogt, %gt3A_143, %gt3A_144 : vector<512x512xf32>
    %eq3A_146 = vector.broadcast %get3A_139 : vector<1x512xf32> to vector<512x512xf32>
    %eq3A_147 = vector.broadcast %dot_general3A_136 : vector<512x1xf32> to vector<512x512xf32>
    %eq3A_148 = arith.cmpf oeq, %eq3A_146, %eq3A_147 : vector<512x512xf32>
    %and3A_149 = arith.andi %eq3A_148, %lt3A_142 : vector<512x512xi1>
    %or3A_150 = arith.ori %gt3A_145, %and3A_149 : vector<512x512xi1>
    %jit3A_151 = arith.constant 1.000000e+00 : f32
    %jit3A_152 = arith.constant 0.000000e+00 : f32
    %broadcast_in_dim3A_153 = vector.broadcast %jit3A_151 : f32 to vector<512x512xf32>
    %broadcast_in_dim3A_154 = vector.broadcast %jit3A_152 : f32 to vector<512x512xf32>
    %select_n3A_155 = arith.select %or3A_150, %broadcast_in_dim3A_153, %broadcast_in_dim3A_154 : vector<512x512xi1>, vector<512x512xf32>
    %scan3A_156 = arith.constant 0 : i32
    %scan3A_157 = arith.constant 3 : i32
    %scan3A_158 = arith.addi %scan3A_156, %scan3A_157 : i32
    %scan3A_159 = arith.constant 1 : i32
    %scan3A_160 = scf.for %scan3A_446 = %scan3A_156 to %scan3A_158 step %scan3A_159 iter_args(%scan3A_447 = %select_n3A_155) -> (vector<512x512xf32>)  : i32 {
      %get3A_448 = arith.index_cast %scan3A_446 : i32 to index
      %get3A_449 = arith.constant 0 : index
      %get3A_450 = vector.load %arg0[%get3A_448, %get3A_449] : memref<10x512xf32, #tpu.memory_space<vmem>>, vector<1x512xf32>
      %ge3A_451 = vector.broadcast %get3A_450 : vector<1x512xf32> to vector<512x512xf32>
      %ge3A_452 = vector.broadcast %dot_general3A_136 : vector<512x1xf32> to vector<512x512xf32>
      %ge3A_453 = arith.cmpf oge, %ge3A_451, %ge3A_452 : vector<512x512xf32>
      %jit3A_454 = arith.constant 1.000000e+00 : f32
      %jit3A_455 = arith.constant 0.000000e+00 : f32
      %broadcast_in_dim3A_456 = vector.broadcast %jit3A_454 : f32 to vector<512x512xf32>
      %broadcast_in_dim3A_457 = vector.broadcast %jit3A_455 : f32 to vector<512x512xf32>
      %select_n3A_458 = arith.select %ge3A_453, %broadcast_in_dim3A_456, %broadcast_in_dim3A_457 : vector<512x512xi1>, vector<512x512xf32>
      %add3A_459 = arith.addf %scan3A_447, %select_n3A_458 : vector<512x512xf32>
      scf.yield %add3A_459 : vector<512x512xf32>
    }
    %scan3A_161 = arith.constant 3 : i32
    %scan3A_162 = arith.constant 4 : i32
    %scan3A_163 = arith.constant 6 : i32
    %scan3A_164 = arith.addi %scan3A_162, %scan3A_163 : i32
    %scan3A_165 = arith.constant 1 : i32
    %scan3A_166 = scf.for %scan3A_446 = %scan3A_162 to %scan3A_164 step %scan3A_165 iter_args(%scan3A_447 = %scan3A_160) -> (vector<512x512xf32>)  : i32 {
      %get3A_448 = arith.index_cast %scan3A_446 : i32 to index
      %get3A_449 = arith.constant 0 : index
      %get3A_450 = vector.load %arg0[%get3A_448, %get3A_449] : memref<10x512xf32, #tpu.memory_space<vmem>>, vector<1x512xf32>
      %gt3A_451 = vector.broadcast %get3A_450 : vector<1x512xf32> to vector<512x512xf32>
      %gt3A_452 = vector.broadcast %dot_general3A_136 : vector<512x1xf32> to vector<512x512xf32>
      %gt3A_453 = arith.cmpf ogt, %gt3A_451, %gt3A_452 : vector<512x512xf32>
      %jit3A_454 = arith.constant 1.000000e+00 : f32
      %jit3A_455 = arith.constant 0.000000e+00 : f32
      %broadcast_in_dim3A_456 = vector.broadcast %jit3A_454 : f32 to vector<512x512xf32>
      %broadcast_in_dim3A_457 = vector.broadcast %jit3A_455 : f32 to vector<512x512xf32>
      %select_n3A_458 = arith.select %gt3A_453, %broadcast_in_dim3A_456, %broadcast_in_dim3A_457 : vector<512x512xi1>, vector<512x512xf32>
      %add3A_459 = arith.addf %scan3A_447, %select_n3A_458 : vector<512x512xf32>
      scf.yield %add3A_459 : vector<512x512xf32>
    }
    %scan3A_167 = arith.constant 6 : i32
    %dot_general3A_168 = arith.constant dense<0.000000e+00> : vector<512x1xf32>
    %dot_general3A_169 = tpu.matmul %scan3A_166, %broadcast_in_dim3A_0, %dot_general3A_168 {dimension_numbers = #tpu.dot_dimension_numbers<[1], [0], [0], [1], [0, 0, 1, 1], [], []>, transpose_lhs_hint = false} : vector<512x512xf32>, vector<512x1xf32>, vector<512x1xf32> -> vector<512x1xf32>
    %dot_general3A_170 = arith.constant dense<0.000000e+00> : vector<1x512xf32>
    %dot_general3A_171 = tpu.matmul %dot_general3A_169, %select_n3A, %dot_general3A_170 {dimension_numbers = #tpu.dot_dimension_numbers<[0], [0], [1], [1], [0, 1, 1, 1], [], []>, precision = #tpu.contract_precision<fp32>, transpose_lhs_hint = false} : vector<512x1xf32>, vector<512x512xf32>, vector<1x512xf32> -> vector<1x512xf32>
    %convert_element_type3A_172 = arith.fptosi %dot_general3A_171 : vector<1x512xf32> to vector<1x512xi32>
    %swap3A_173 = arith.constant 3 : index
    %swap3A_174 = arith.constant 0 : index
    %swap3A_175 = vector.load %arg1[%swap3A_173, %swap3A_174] : memref<10x512xi32, #tpu.memory_space<vmem>>, vector<1x512xi32>
    tpu.vector_store %arg1[%swap3A_173, %swap3A_174], %convert_element_type3A_172 {strides = array<i32>} : memref<10x512xi32, #tpu.memory_space<vmem>>, vector<1x512xi32>,
    %get3A_176 = arith.constant 4 : index
    %get3A_177 = arith.constant 0 : index
    %get3A_178 = vector.load %arg0[%get3A_176, %get3A_177] : memref<10x512xf32, #tpu.memory_space<vmem>>, vector<1x512xf32>
    %dot_general3A_179 = arith.constant dense<0.000000e+00> : vector<512x1xf32>
    %dot_general3A_180 = tpu.matmul %select_n3A, %get3A_178, %dot_general3A_179 {dimension_numbers = #tpu.dot_dimension_numbers<[1], [1], [0], [0], [0, 0, 1, 0], [], []>, precision = #tpu.contract_precision<fp32>, transpose_lhs_hint = false} : vector<512x512xf32>, vector<1x512xf32>, vector<512x1xf32> -> vector<512x1xf32>
    %get3A_181 = arith.constant 4 : index
    %get3A_182 = arith.constant 0 : index
    %get3A_183 = vector.load %arg0[%get3A_181, %get3A_182] : memref<10x512xf32, #tpu.memory_space<vmem>>, vector<1x512xf32>
    %iota3A_184 = tpu.iota {dimensions = array<i32: 1>} : vector<512x512xi32>
    %iota3A_185 = tpu.iota {dimensions = array<i32: 0>} : vector<512x512xi32>
    %lt3A_186 = arith.cmpi slt, %iota3A_184, %iota3A_185 : vector<512x512xi32>
    %gt3A_187 = vector.broadcast %get3A_183 : vector<1x512xf32> to vector<512x512xf32>
    %gt3A_188 = vector.broadcast %dot_general3A_180 : vector<512x1xf32> to vector<512x512xf32>
    %gt3A_189 = arith.cmpf ogt, %gt3A_187, %gt3A_188 : vector<512x512xf32>
    %eq3A_190 = vector.broadcast %get3A_183 : vector<1x512xf32> to vector<512x512xf32>
    %eq3A_191 = vector.broadcast %dot_general3A_180 : vector<512x1xf32> to vector<512x512xf32>
    %eq3A_192 = arith.cmpf oeq, %eq3A_190, %eq3A_191 : vector<512x512xf32>
    %and3A_193 = arith.andi %eq3A_192, %lt3A_186 : vector<512x512xi1>
    %or3A_194 = arith.ori %gt3A_189, %and3A_193 : vector<512x512xi1>
    %jit3A_195 = arith.constant 1.000000e+00 : f32
    %jit3A_196 = arith.constant 0.000000e+00 : f32
    %broadcast_in_dim3A_197 = vector.broadcast %jit3A_195 : f32 to vector<512x512xf32>
    %broadcast_in_dim3A_198 = vector.broadcast %jit3A_196 : f32 to vector<512x512xf32>
    %select_n3A_199 = arith.select %or3A_194, %broadcast_in_dim3A_197, %broadcast_in_dim3A_198 : vector<512x512xi1>, vector<512x512xf32>
    %scan3A_200 = arith.constant 0 : i32
    %scan3A_201 = arith.constant 4 : i32
    %scan3A_202 = arith.addi %scan3A_200, %scan3A_201 : i32
    %scan3A_203 = arith.constant 1 : i32
    %scan3A_204 = scf.for %scan3A_446 = %scan3A_200 to %scan3A_202 step %scan3A_203 iter_args(%scan3A_447 = %select_n3A_199) -> (vector<512x512xf32>)  : i32 {
      %get3A_448 = arith.index_cast %scan3A_446 : i32 to index
      %get3A_449 = arith.constant 0 : index
      %get3A_450 = vector.load %arg0[%get3A_448, %get3A_449] : memref<10x512xf32, #tpu.memory_space<vmem>>, vector<1x512xf32>
      %ge3A_451 = vector.broadcast %get3A_450 : vector<1x512xf32> to vector<512x512xf32>
      %ge3A_452 = vector.broadcast %dot_general3A_180 : vector<512x1xf32> to vector<512x512xf32>
      %ge3A_453 = arith.cmpf oge, %ge3A_451, %ge3A_452 : vector<512x512xf32>
      %jit3A_454 = arith.constant 1.000000e+00 : f32
      %jit3A_455 = arith.constant 0.000000e+00 : f32
      %broadcast_in_dim3A_456 = vector.broadcast %jit3A_454 : f32 to vector<512x512xf32>
      %broadcast_in_dim3A_457 = vector.broadcast %jit3A_455 : f32 to vector<512x512xf32>
      %select_n3A_458 = arith.select %ge3A_453, %broadcast_in_dim3A_456, %broadcast_in_dim3A_457 : vector<512x512xi1>, vector<512x512xf32>
      %add3A_459 = arith.addf %scan3A_447, %select_n3A_458 : vector<512x512xf32>
      scf.yield %add3A_459 : vector<512x512xf32>
    }
    %scan3A_205 = arith.constant 4 : i32
    %scan3A_206 = arith.constant 5 : i32
    %scan3A_207 = arith.constant 5 : i32
    %scan3A_208 = arith.addi %scan3A_206, %scan3A_207 : i32
    %scan3A_209 = arith.constant 1 : i32
    %scan3A_210 = scf.for %scan3A_446 = %scan3A_206 to %scan3A_208 step %scan3A_209 iter_args(%scan3A_447 = %scan3A_204) -> (vector<512x512xf32>)  : i32 {
      %get3A_448 = arith.index_cast %scan3A_446 : i32 to index
      %get3A_449 = arith.constant 0 : index
      %get3A_450 = vector.load %arg0[%get3A_448, %get3A_449] : memref<10x512xf32, #tpu.memory_space<vmem>>, vector<1x512xf32>
      %gt3A_451 = vector.broadcast %get3A_450 : vector<1x512xf32> to vector<512x512xf32>
      %gt3A_452 = vector.broadcast %dot_general3A_180 : vector<512x1xf32> to vector<512x512xf32>
      %gt3A_453 = arith.cmpf ogt, %gt3A_451, %gt3A_452 : vector<512x512xf32>
      %jit3A_454 = arith.constant 1.000000e+00 : f32
      %jit3A_455 = arith.constant 0.000000e+00 : f32
      %broadcast_in_dim3A_456 = vector.broadcast %jit3A_454 : f32 to vector<512x512xf32>
      %broadcast_in_dim3A_457 = vector.broadcast %jit3A_455 : f32 to vector<512x512xf32>
      %select_n3A_458 = arith.select %gt3A_453, %broadcast_in_dim3A_456, %broadcast_in_dim3A_457 : vector<512x512xi1>, vector<512x512xf32>
      %add3A_459 = arith.addf %scan3A_447, %select_n3A_458 : vector<512x512xf32>
      scf.yield %add3A_459 : vector<512x512xf32>
    }
    %scan3A_211 = arith.constant 5 : i32
    %dot_general3A_212 = arith.constant dense<0.000000e+00> : vector<512x1xf32>
    %dot_general3A_213 = tpu.matmul %scan3A_210, %broadcast_in_dim3A_0, %dot_general3A_212 {dimension_numbers = #tpu.dot_dimension_numbers<[1], [0], [0], [1], [0, 0, 1, 1], [], []>, transpose_lhs_hint = false} : vector<512x512xf32>, vector<512x1xf32>, vector<512x1xf32> -> vector<512x1xf32>
    %dot_general3A_214 = arith.constant dense<0.000000e+00> : vector<1x512xf32>
    %dot_general3A_215 = tpu.matmul %dot_general3A_213, %select_n3A, %dot_general3A_214 {dimension_numbers = #tpu.dot_dimension_numbers<[0], [0], [1], [1], [0, 1, 1, 1], [], []>, precision = #tpu.contract_precision<fp32>, transpose_lhs_hint = false} : vector<512x1xf32>, vector<512x512xf32>, vector<1x512xf32> -> vector<1x512xf32>
    %convert_element_type3A_216 = arith.fptosi %dot_general3A_215 : vector<1x512xf32> to vector<1x512xi32>
    %swap3A_217 = arith.constant 4 : index
    %swap3A_218 = arith.constant 0 : index
    %swap3A_219 = vector.load %arg1[%swap3A_217, %swap3A_218] : memref<10x512xi32, #tpu.memory_space<vmem>>, vector<1x512xi32>
    tpu.vector_store %arg1[%swap3A_217, %swap3A_218], %convert_element_type3A_216 {strides = array<i32>} : memref<10x512xi32, #tpu.memory_space<vmem>>, vector<1x512xi32>,
    %get3A_220 = arith.constant 5 : index
    %get3A_221 = arith.constant 0 : index
    %get3A_222 = vector.load %arg0[%get3A_220, %get3A_221] : memref<10x512xf32, #tpu.memory_space<vmem>>, vector<1x512xf32>
    %dot_general3A_223 = arith.constant dense<0.000000e+00> : vector<512x1xf32>
    %dot_general3A_224 = tpu.matmul %select_n3A, %get3A_222, %dot_general3A_223 {dimension_numbers = #tpu.dot_dimension_numbers<[1], [1], [0], [0], [0, 0, 1, 0], [], []>, precision = #tpu.contract_precision<fp32>, transpose_lhs_hint = false} : vector<512x512xf32>, vector<1x512xf32>, vector<512x1xf32> -> vector<512x1xf32>
    %get3A_225 = arith.constant 5 : index
    %get3A_226 = arith.constant 0 : index
    %get3A_227 = vector.load %arg0[%get3A_225, %get3A_226] : memref<10x512xf32, #tpu.memory_space<vmem>>, vector<1x512xf32>
    %iota3A_228 = tpu.iota {dimensions = array<i32: 1>} : vector<512x512xi32>
    %iota3A_229 = tpu.iota {dimensions = array<i32: 0>} : vector<512x512xi32>
    %lt3A_230 = arith.cmpi slt, %iota3A_228, %iota3A_229 : vector<512x512xi32>
    %gt3A_231 = vector.broadcast %get3A_227 : vector<1x512xf32> to vector<512x512xf32>
    %gt3A_232 = vector.broadcast %dot_general3A_224 : vector<512x1xf32> to vector<512x512xf32>
    %gt3A_233 = arith.cmpf ogt, %gt3A_231, %gt3A_232 : vector<512x512xf32>
    %eq3A_234 = vector.broadcast %get3A_227 : vector<1x512xf32> to vector<512x512xf32>
    %eq3A_235 = vector.broadcast %dot_general3A_224 : vector<512x1xf32> to vector<512x512xf32>
    %eq3A_236 = arith.cmpf oeq, %eq3A_234, %eq3A_235 : vector<512x512xf32>
    %and3A_237 = arith.andi %eq3A_236, %lt3A_230 : vector<512x512xi1>
    %or3A_238 = arith.ori %gt3A_233, %and3A_237 : vector<512x512xi1>
    %jit3A_239 = arith.constant 1.000000e+00 : f32
    %jit3A_240 = arith.constant 0.000000e+00 : f32
    %broadcast_in_dim3A_241 = vector.broadcast %jit3A_239 : f32 to vector<512x512xf32>
    %broadcast_in_dim3A_242 = vector.broadcast %jit3A_240 : f32 to vector<512x512xf32>
    %select_n3A_243 = arith.select %or3A_238, %broadcast_in_dim3A_241, %broadcast_in_dim3A_242 : vector<512x512xi1>, vector<512x512xf32>
    %scan3A_244 = arith.constant 0 : i32
    %scan3A_245 = arith.constant 5 : i32
    %scan3A_246 = arith.addi %scan3A_244, %scan3A_245 : i32
    %scan3A_247 = arith.constant 1 : i32
    %scan3A_248 = scf.for %scan3A_446 = %scan3A_244 to %scan3A_246 step %scan3A_247 iter_args(%scan3A_447 = %select_n3A_243) -> (vector<512x512xf32>)  : i32 {
      %get3A_448 = arith.index_cast %scan3A_446 : i32 to index
      %get3A_449 = arith.constant 0 : index
      %get3A_450 = vector.load %arg0[%get3A_448, %get3A_449] : memref<10x512xf32, #tpu.memory_space<vmem>>, vector<1x512xf32>
      %ge3A_451 = vector.broadcast %get3A_450 : vector<1x512xf32> to vector<512x512xf32>
      %ge3A_452 = vector.broadcast %dot_general3A_224 : vector<512x1xf32> to vector<512x512xf32>
      %ge3A_453 = arith.cmpf oge, %ge3A_451, %ge3A_452 : vector<512x512xf32>
      %jit3A_454 = arith.constant 1.000000e+00 : f32
      %jit3A_455 = arith.constant 0.000000e+00 : f32
      %broadcast_in_dim3A_456 = vector.broadcast %jit3A_454 : f32 to vector<512x512xf32>
      %broadcast_in_dim3A_457 = vector.broadcast %jit3A_455 : f32 to vector<512x512xf32>
      %select_n3A_458 = arith.select %ge3A_453, %broadcast_in_dim3A_456, %broadcast_in_dim3A_457 : vector<512x512xi1>, vector<512x512xf32>
      %add3A_459 = arith.addf %scan3A_447, %select_n3A_458 : vector<512x512xf32>
      scf.yield %add3A_459 : vector<512x512xf32>
    }
    %scan3A_249 = arith.constant 5 : i32
    %scan3A_250 = arith.constant 6 : i32
    %scan3A_251 = arith.constant 4 : i32
    %scan3A_252 = arith.addi %scan3A_250, %scan3A_251 : i32
    %scan3A_253 = arith.constant 1 : i32
    %scan3A_254 = scf.for %scan3A_446 = %scan3A_250 to %scan3A_252 step %scan3A_253 iter_args(%scan3A_447 = %scan3A_248) -> (vector<512x512xf32>)  : i32 {
      %get3A_448 = arith.index_cast %scan3A_446 : i32 to index
      %get3A_449 = arith.constant 0 : index
      %get3A_450 = vector.load %arg0[%get3A_448, %get3A_449] : memref<10x512xf32, #tpu.memory_space<vmem>>, vector<1x512xf32>
      %gt3A_451 = vector.broadcast %get3A_450 : vector<1x512xf32> to vector<512x512xf32>
      %gt3A_452 = vector.broadcast %dot_general3A_224 : vector<512x1xf32> to vector<512x512xf32>
      %gt3A_453 = arith.cmpf ogt, %gt3A_451, %gt3A_452 : vector<512x512xf32>
      %jit3A_454 = arith.constant 1.000000e+00 : f32
      %jit3A_455 = arith.constant 0.000000e+00 : f32
      %broadcast_in_dim3A_456 = vector.broadcast %jit3A_454 : f32 to vector<512x512xf32>
      %broadcast_in_dim3A_457 = vector.broadcast %jit3A_455 : f32 to vector<512x512xf32>
      %select_n3A_458 = arith.select %gt3A_453, %broadcast_in_dim3A_456, %broadcast_in_dim3A_457 : vector<512x512xi1>, vector<512x512xf32>
      %add3A_459 = arith.addf %scan3A_447, %select_n3A_458 : vector<512x512xf32>
      scf.yield %add3A_459 : vector<512x512xf32>
    }
    %scan3A_255 = arith.constant 4 : i32
    %dot_general3A_256 = arith.constant dense<0.000000e+00> : vector<512x1xf32>
    %dot_general3A_257 = tpu.matmul %scan3A_254, %broadcast_in_dim3A_0, %dot_general3A_256 {dimension_numbers = #tpu.dot_dimension_numbers<[1], [0], [0], [1], [0, 0, 1, 1], [], []>, transpose_lhs_hint = false} : vector<512x512xf32>, vector<512x1xf32>, vector<512x1xf32> -> vector<512x1xf32>
    %dot_general3A_258 = arith.constant dense<0.000000e+00> : vector<1x512xf32>
    %dot_general3A_259 = tpu.matmul %dot_general3A_257, %select_n3A, %dot_general3A_258 {dimension_numbers = #tpu.dot_dimension_numbers<[0], [0], [1], [1], [0, 1, 1, 1], [], []>, precision = #tpu.contract_precision<fp32>, transpose_lhs_hint = false} : vector<512x1xf32>, vector<512x512xf32>, vector<1x512xf32> -> vector<1x512xf32>
    %convert_element_type3A_260 = arith.fptosi %dot_general3A_259 : vector<1x512xf32> to vector<1x512xi32>
    %swap3A_261 = arith.constant 5 : index
    %swap3A_262 = arith.constant 0 : index
    %swap3A_263 = vector.load %arg1[%swap3A_261, %swap3A_262] : memref<10x512xi32, #tpu.memory_space<vmem>>, vector<1x512xi32>
    tpu.vector_store %arg1[%swap3A_261, %swap3A_262], %convert_element_type3A_260 {strides = array<i32>} : memref<10x512xi32, #tpu.memory_space<vmem>>, vector<1x512xi32>,
    %get3A_264 = arith.constant 6 : index
    %get3A_265 = arith.constant 0 : index
    %get3A_266 = vector.load %arg0[%get3A_264, %get3A_265] : memref<10x512xf32, #tpu.memory_space<vmem>>, vector<1x512xf32>
    %dot_general3A_267 = arith.constant dense<0.000000e+00> : vector<512x1xf32>
    %dot_general3A_268 = tpu.matmul %select_n3A, %get3A_266, %dot_general3A_267 {dimension_numbers = #tpu.dot_dimension_numbers<[1], [1], [0], [0], [0, 0, 1, 0], [], []>, precision = #tpu.contract_precision<fp32>, transpose_lhs_hint = false} : vector<512x512xf32>, vector<1x512xf32>, vector<512x1xf32> -> vector<512x1xf32>
    %get3A_269 = arith.constant 6 : index
    %get3A_270 = arith.constant 0 : index
    %get3A_271 = vector.load %arg0[%get3A_269, %get3A_270] : memref<10x512xf32, #tpu.memory_space<vmem>>, vector<1x512xf32>
    %iota3A_272 = tpu.iota {dimensions = array<i32: 1>} : vector<512x512xi32>
    %iota3A_273 = tpu.iota {dimensions = array<i32: 0>} : vector<512x512xi32>
    %lt3A_274 = arith.cmpi slt, %iota3A_272, %iota3A_273 : vector<512x512xi32>
    %gt3A_275 = vector.broadcast %get3A_271 : vector<1x512xf32> to vector<512x512xf32>
    %gt3A_276 = vector.broadcast %dot_general3A_268 : vector<512x1xf32> to vector<512x512xf32>
    %gt3A_277 = arith.cmpf ogt, %gt3A_275, %gt3A_276 : vector<512x512xf32>
    %eq3A_278 = vector.broadcast %get3A_271 : vector<1x512xf32> to vector<512x512xf32>
    %eq3A_279 = vector.broadcast %dot_general3A_268 : vector<512x1xf32> to vector<512x512xf32>
    %eq3A_280 = arith.cmpf oeq, %eq3A_278, %eq3A_279 : vector<512x512xf32>
    %and3A_281 = arith.andi %eq3A_280, %lt3A_274 : vector<512x512xi1>
    %or3A_282 = arith.ori %gt3A_277, %and3A_281 : vector<512x512xi1>
    %jit3A_283 = arith.constant 1.000000e+00 : f32
    %jit3A_284 = arith.constant 0.000000e+00 : f32
    %broadcast_in_dim3A_285 = vector.broadcast %jit3A_283 : f32 to vector<512x512xf32>
    %broadcast_in_dim3A_286 = vector.broadcast %jit3A_284 : f32 to vector<512x512xf32>
    %select_n3A_287 = arith.select %or3A_282, %broadcast_in_dim3A_285, %broadcast_in_dim3A_286 : vector<512x512xi1>, vector<512x512xf32>
    %scan3A_288 = arith.constant 0 : i32
    %scan3A_289 = arith.constant 6 : i32
    %scan3A_290 = arith.addi %scan3A_288, %scan3A_289 : i32
    %scan3A_291 = arith.constant 1 : i32
    %scan3A_292 = scf.for %scan3A_446 = %scan3A_288 to %scan3A_290 step %scan3A_291 iter_args(%scan3A_447 = %select_n3A_287) -> (vector<512x512xf32>)  : i32 {
      %get3A_448 = arith.index_cast %scan3A_446 : i32 to index
      %get3A_449 = arith.constant 0 : index
      %get3A_450 = vector.load %arg0[%get3A_448, %get3A_449] : memref<10x512xf32, #tpu.memory_space<vmem>>, vector<1x512xf32>
      %ge3A_451 = vector.broadcast %get3A_450 : vector<1x512xf32> to vector<512x512xf32>
      %ge3A_452 = vector.broadcast %dot_general3A_268 : vector<512x1xf32> to vector<512x512xf32>
      %ge3A_453 = arith.cmpf oge, %ge3A_451, %ge3A_452 : vector<512x512xf32>
      %jit3A_454 = arith.constant 1.000000e+00 : f32
      %jit3A_455 = arith.constant 0.000000e+00 : f32
      %broadcast_in_dim3A_456 = vector.broadcast %jit3A_454 : f32 to vector<512x512xf32>
      %broadcast_in_dim3A_457 = vector.broadcast %jit3A_455 : f32 to vector<512x512xf32>
      %select_n3A_458 = arith.select %ge3A_453, %broadcast_in_dim3A_456, %broadcast_in_dim3A_457 : vector<512x512xi1>, vector<512x512xf32>
      %add3A_459 = arith.addf %scan3A_447, %select_n3A_458 : vector<512x512xf32>
      scf.yield %add3A_459 : vector<512x512xf32>
    }
    %scan3A_293 = arith.constant 6 : i32
    %scan3A_294 = arith.constant 7 : i32
    %scan3A_295 = arith.constant 3 : i32
    %scan3A_296 = arith.addi %scan3A_294, %scan3A_295 : i32
    %scan3A_297 = arith.constant 1 : i32
    %scan3A_298 = scf.for %scan3A_446 = %scan3A_294 to %scan3A_296 step %scan3A_297 iter_args(%scan3A_447 = %scan3A_292) -> (vector<512x512xf32>)  : i32 {
      %get3A_448 = arith.index_cast %scan3A_446 : i32 to index
      %get3A_449 = arith.constant 0 : index
      %get3A_450 = vector.load %arg0[%get3A_448, %get3A_449] : memref<10x512xf32, #tpu.memory_space<vmem>>, vector<1x512xf32>
      %gt3A_451 = vector.broadcast %get3A_450 : vector<1x512xf32> to vector<512x512xf32>
      %gt3A_452 = vector.broadcast %dot_general3A_268 : vector<512x1xf32> to vector<512x512xf32>
      %gt3A_453 = arith.cmpf ogt, %gt3A_451, %gt3A_452 : vector<512x512xf32>
      %jit3A_454 = arith.constant 1.000000e+00 : f32
      %jit3A_455 = arith.constant 0.000000e+00 : f32
      %broadcast_in_dim3A_456 = vector.broadcast %jit3A_454 : f32 to vector<512x512xf32>
      %broadcast_in_dim3A_457 = vector.broadcast %jit3A_455 : f32 to vector<512x512xf32>
      %select_n3A_458 = arith.select %gt3A_453, %broadcast_in_dim3A_456, %broadcast_in_dim3A_457 : vector<512x512xi1>, vector<512x512xf32>
      %add3A_459 = arith.addf %scan3A_447, %select_n3A_458 : vector<512x512xf32>
      scf.yield %add3A_459 : vector<512x512xf32>
    }
    %scan3A_299 = arith.constant 3 : i32
    %dot_general3A_300 = arith.constant dense<0.000000e+00> : vector<512x1xf32>
    %dot_general3A_301 = tpu.matmul %scan3A_298, %broadcast_in_dim3A_0, %dot_general3A_300 {dimension_numbers = #tpu.dot_dimension_numbers<[1], [0], [0], [1], [0, 0, 1, 1], [], []>, transpose_lhs_hint = false} : vector<512x512xf32>, vector<512x1xf32>, vector<512x1xf32> -> vector<512x1xf32>
    %dot_general3A_302 = arith.constant dense<0.000000e+00> : vector<1x512xf32>
    %dot_general3A_303 = tpu.matmul %dot_general3A_301, %select_n3A, %dot_general3A_302 {dimension_numbers = #tpu.dot_dimension_numbers<[0], [0], [1], [1], [0, 1, 1, 1], [], []>, precision = #tpu.contract_precision<fp32>, transpose_lhs_hint = false} : vector<512x1xf32>, vector<512x512xf32>, vector<1x512xf32> -> vector<1x512xf32>
    %convert_element_type3A_304 = arith.fptosi %dot_general3A_303 : vector<1x512xf32> to vector<1x512xi32>
    %swap3A_305 = arith.constant 6 : index
    %swap3A_306 = arith.constant 0 : index
    %swap3A_307 = vector.load %arg1[%swap3A_305, %swap3A_306] : memref<10x512xi32, #tpu.memory_space<vmem>>, vector<1x512xi32>
    tpu.vector_store %arg1[%swap3A_305, %swap3A_306], %convert_element_type3A_304 {strides = array<i32>} : memref<10x512xi32, #tpu.memory_space<vmem>>, vector<1x512xi32>,
    %get3A_308 = arith.constant 7 : index
    %get3A_309 = arith.constant 0 : index
    %get3A_310 = vector.load %arg0[%get3A_308, %get3A_309] : memref<10x512xf32, #tpu.memory_space<vmem>>, vector<1x512xf32>
    %dot_general3A_311 = arith.constant dense<0.000000e+00> : vector<512x1xf32>
    %dot_general3A_312 = tpu.matmul %select_n3A, %get3A_310, %dot_general3A_311 {dimension_numbers = #tpu.dot_dimension_numbers<[1], [1], [0], [0], [0, 0, 1, 0], [], []>, precision = #tpu.contract_precision<fp32>, transpose_lhs_hint = false} : vector<512x512xf32>, vector<1x512xf32>, vector<512x1xf32> -> vector<512x1xf32>
    %get3A_313 = arith.constant 7 : index
    %get3A_314 = arith.constant 0 : index
    %get3A_315 = vector.load %arg0[%get3A_313, %get3A_314] : memref<10x512xf32, #tpu.memory_space<vmem>>, vector<1x512xf32>
    %iota3A_316 = tpu.iota {dimensions = array<i32: 1>} : vector<512x512xi32>
    %iota3A_317 = tpu.iota {dimensions = array<i32: 0>} : vector<512x512xi32>
    %lt3A_318 = arith.cmpi slt, %iota3A_316, %iota3A_317 : vector<512x512xi32>
    %gt3A_319 = vector.broadcast %get3A_315 : vector<1x512xf32> to vector<512x512xf32>
    %gt3A_320 = vector.broadcast %dot_general3A_312 : vector<512x1xf32> to vector<512x512xf32>
    %gt3A_321 = arith.cmpf ogt, %gt3A_319, %gt3A_320 : vector<512x512xf32>
    %eq3A_322 = vector.broadcast %get3A_315 : vector<1x512xf32> to vector<512x512xf32>
    %eq3A_323 = vector.broadcast %dot_general3A_312 : vector<512x1xf32> to vector<512x512xf32>
    %eq3A_324 = arith.cmpf oeq, %eq3A_322, %eq3A_323 : vector<512x512xf32>
    %and3A_325 = arith.andi %eq3A_324, %lt3A_318 : vector<512x512xi1>
    %or3A_326 = arith.ori %gt3A_321, %and3A_325 : vector<512x512xi1>
    %jit3A_327 = arith.constant 1.000000e+00 : f32
    %jit3A_328 = arith.constant 0.000000e+00 : f32
    %broadcast_in_dim3A_329 = vector.broadcast %jit3A_327 : f32 to vector<512x512xf32>
    %broadcast_in_dim3A_330 = vector.broadcast %jit3A_328 : f32 to vector<512x512xf32>
    %select_n3A_331 = arith.select %or3A_326, %broadcast_in_dim3A_329, %broadcast_in_dim3A_330 : vector<512x512xi1>, vector<512x512xf32>
    %scan3A_332 = arith.constant 0 : i32
    %scan3A_333 = arith.constant 7 : i32
    %scan3A_334 = arith.addi %scan3A_332, %scan3A_333 : i32
    %scan3A_335 = arith.constant 1 : i32
    %scan3A_336 = scf.for %scan3A_446 = %scan3A_332 to %scan3A_334 step %scan3A_335 iter_args(%scan3A_447 = %select_n3A_331) -> (vector<512x512xf32>)  : i32 {
      %get3A_448 = arith.index_cast %scan3A_446 : i32 to index
      %get3A_449 = arith.constant 0 : index
      %get3A_450 = vector.load %arg0[%get3A_448, %get3A_449] : memref<10x512xf32, #tpu.memory_space<vmem>>, vector<1x512xf32>
      %ge3A_451 = vector.broadcast %get3A_450 : vector<1x512xf32> to vector<512x512xf32>
      %ge3A_452 = vector.broadcast %dot_general3A_312 : vector<512x1xf32> to vector<512x512xf32>
      %ge3A_453 = arith.cmpf oge, %ge3A_451, %ge3A_452 : vector<512x512xf32>
      %jit3A_454 = arith.constant 1.000000e+00 : f32
      %jit3A_455 = arith.constant 0.000000e+00 : f32
      %broadcast_in_dim3A_456 = vector.broadcast %jit3A_454 : f32 to vector<512x512xf32>
      %broadcast_in_dim3A_457 = vector.broadcast %jit3A_455 : f32 to vector<512x512xf32>
      %select_n3A_458 = arith.select %ge3A_453, %broadcast_in_dim3A_456, %broadcast_in_dim3A_457 : vector<512x512xi1>, vector<512x512xf32>
      %add3A_459 = arith.addf %scan3A_447, %select_n3A_458 : vector<512x512xf32>
      scf.yield %add3A_459 : vector<512x512xf32>
    }
    %scan3A_337 = arith.constant 7 : i32
    %scan3A_338 = arith.constant 8 : i32
    %scan3A_339 = arith.constant 2 : i32
    %scan3A_340 = arith.addi %scan3A_338, %scan3A_339 : i32
    %scan3A_341 = arith.constant 1 : i32
    %scan3A_342 = scf.for %scan3A_446 = %scan3A_338 to %scan3A_340 step %scan3A_341 iter_args(%scan3A_447 = %scan3A_336) -> (vector<512x512xf32>)  : i32 {
      %get3A_448 = arith.index_cast %scan3A_446 : i32 to index
      %get3A_449 = arith.constant 0 : index
      %get3A_450 = vector.load %arg0[%get3A_448, %get3A_449] : memref<10x512xf32, #tpu.memory_space<vmem>>, vector<1x512xf32>
      %gt3A_451 = vector.broadcast %get3A_450 : vector<1x512xf32> to vector<512x512xf32>
      %gt3A_452 = vector.broadcast %dot_general3A_312 : vector<512x1xf32> to vector<512x512xf32>
      %gt3A_453 = arith.cmpf ogt, %gt3A_451, %gt3A_452 : vector<512x512xf32>
      %jit3A_454 = arith.constant 1.000000e+00 : f32
      %jit3A_455 = arith.constant 0.000000e+00 : f32
      %broadcast_in_dim3A_456 = vector.broadcast %jit3A_454 : f32 to vector<512x512xf32>
      %broadcast_in_dim3A_457 = vector.broadcast %jit3A_455 : f32 to vector<512x512xf32>
      %select_n3A_458 = arith.select %gt3A_453, %broadcast_in_dim3A_456, %broadcast_in_dim3A_457 : vector<512x512xi1>, vector<512x512xf32>
      %add3A_459 = arith.addf %scan3A_447, %select_n3A_458 : vector<512x512xf32>
      scf.yield %add3A_459 : vector<512x512xf32>
    }
    %scan3A_343 = arith.constant 2 : i32
    %dot_general3A_344 = arith.constant dense<0.000000e+00> : vector<512x1xf32>
    %dot_general3A_345 = tpu.matmul %scan3A_342, %broadcast_in_dim3A_0, %dot_general3A_344 {dimension_numbers = #tpu.dot_dimension_numbers<[1], [0], [0], [1], [0, 0, 1, 1], [], []>, transpose_lhs_hint = false} : vector<512x512xf32>, vector<512x1xf32>, vector<512x1xf32> -> vector<512x1xf32>
    %dot_general3A_346 = arith.constant dense<0.000000e+00> : vector<1x512xf32>
    %dot_general3A_347 = tpu.matmul %dot_general3A_345, %select_n3A, %dot_general3A_346 {dimension_numbers = #tpu.dot_dimension_numbers<[0], [0], [1], [1], [0, 1, 1, 1], [], []>, precision = #tpu.contract_precision<fp32>, transpose_lhs_hint = false} : vector<512x1xf32>, vector<512x512xf32>, vector<1x512xf32> -> vector<1x512xf32>
    %convert_element_type3A_348 = arith.fptosi %dot_general3A_347 : vector<1x512xf32> to vector<1x512xi32>
    %swap3A_349 = arith.constant 7 : index
    %swap3A_350 = arith.constant 0 : index
    %swap3A_351 = vector.load %arg1[%swap3A_349, %swap3A_350] : memref<10x512xi32, #tpu.memory_space<vmem>>, vector<1x512xi32>
    tpu.vector_store %arg1[%swap3A_349, %swap3A_350], %convert_element_type3A_348 {strides = array<i32>} : memref<10x512xi32, #tpu.memory_space<vmem>>, vector<1x512xi32>,
    %get3A_352 = arith.constant 8 : index
    %get3A_353 = arith.constant 0 : index
    %get3A_354 = vector.load %arg0[%get3A_352, %get3A_353] : memref<10x512xf32, #tpu.memory_space<vmem>>, vector<1x512xf32>
    %dot_general3A_355 = arith.constant dense<0.000000e+00> : vector<512x1xf32>
    %dot_general3A_356 = tpu.matmul %select_n3A, %get3A_354, %dot_general3A_355 {dimension_numbers = #tpu.dot_dimension_numbers<[1], [1], [0], [0], [0, 0, 1, 0], [], []>, precision = #tpu.contract_precision<fp32>, transpose_lhs_hint = false} : vector<512x512xf32>, vector<1x512xf32>, vector<512x1xf32> -> vector<512x1xf32>
    %get3A_357 = arith.constant 8 : index
    %get3A_358 = arith.constant 0 : index
    %get3A_359 = vector.load %arg0[%get3A_357, %get3A_358] : memref<10x512xf32, #tpu.memory_space<vmem>>, vector<1x512xf32>
    %iota3A_360 = tpu.iota {dimensions = array<i32: 1>} : vector<512x512xi32>
    %iota3A_361 = tpu.iota {dimensions = array<i32: 0>} : vector<512x512xi32>
    %lt3A_362 = arith.cmpi slt, %iota3A_360, %iota3A_361 : vector<512x512xi32>
    %gt3A_363 = vector.broadcast %get3A_359 : vector<1x512xf32> to vector<512x512xf32>
    %gt3A_364 = vector.broadcast %dot_general3A_356 : vector<512x1xf32> to vector<512x512xf32>
    %gt3A_365 = arith.cmpf ogt, %gt3A_363, %gt3A_364 : vector<512x512xf32>
    %eq3A_366 = vector.broadcast %get3A_359 : vector<1x512xf32> to vector<512x512xf32>
    %eq3A_367 = vector.broadcast %dot_general3A_356 : vector<512x1xf32> to vector<512x512xf32>
    %eq3A_368 = arith.cmpf oeq, %eq3A_366, %eq3A_367 : vector<512x512xf32>
    %and3A_369 = arith.andi %eq3A_368, %lt3A_362 : vector<512x512xi1>
    %or3A_370 = arith.ori %gt3A_365, %and3A_369 : vector<512x512xi1>
    %jit3A_371 = arith.constant 1.000000e+00 : f32
    %jit3A_372 = arith.constant 0.000000e+00 : f32
    %broadcast_in_dim3A_373 = vector.broadcast %jit3A_371 : f32 to vector<512x512xf32>
    %broadcast_in_dim3A_374 = vector.broadcast %jit3A_372 : f32 to vector<512x512xf32>
    %select_n3A_375 = arith.select %or3A_370, %broadcast_in_dim3A_373, %broadcast_in_dim3A_374 : vector<512x512xi1>, vector<512x512xf32>
    %scan3A_376 = arith.constant 0 : i32
    %scan3A_377 = arith.constant 8 : i32
    %scan3A_378 = arith.addi %scan3A_376, %scan3A_377 : i32
    %scan3A_379 = arith.constant 1 : i32
    %scan3A_380 = scf.for %scan3A_446 = %scan3A_376 to %scan3A_378 step %scan3A_379 iter_args(%scan3A_447 = %select_n3A_375) -> (vector<512x512xf32>)  : i32 {
      %get3A_448 = arith.index_cast %scan3A_446 : i32 to index
      %get3A_449 = arith.constant 0 : index
      %get3A_450 = vector.load %arg0[%get3A_448, %get3A_449] : memref<10x512xf32, #tpu.memory_space<vmem>>, vector<1x512xf32>
      %ge3A_451 = vector.broadcast %get3A_450 : vector<1x512xf32> to vector<512x512xf32>
      %ge3A_452 = vector.broadcast %dot_general3A_356 : vector<512x1xf32> to vector<512x512xf32>
      %ge3A_453 = arith.cmpf oge, %ge3A_451, %ge3A_452 : vector<512x512xf32>
      %jit3A_454 = arith.constant 1.000000e+00 : f32
      %jit3A_455 = arith.constant 0.000000e+00 : f32
      %broadcast_in_dim3A_456 = vector.broadcast %jit3A_454 : f32 to vector<512x512xf32>
      %broadcast_in_dim3A_457 = vector.broadcast %jit3A_455 : f32 to vector<512x512xf32>
      %select_n3A_458 = arith.select %ge3A_453, %broadcast_in_dim3A_456, %broadcast_in_dim3A_457 : vector<512x512xi1>, vector<512x512xf32>
      %add3A_459 = arith.addf %scan3A_447, %select_n3A_458 : vector<512x512xf32>
      scf.yield %add3A_459 : vector<512x512xf32>
    }
    %scan3A_381 = arith.constant 8 : i32
    %scan3A_382 = arith.constant 9 : i32
    %get3A_383 = arith.index_cast %scan3A_382 : i32 to index
    %get3A_384 = arith.constant 0 : index
    %get3A_385 = vector.load %arg0[%get3A_383, %get3A_384] : memref<10x512xf32, #tpu.memory_space<vmem>>, vector<1x512xf32>
    %gt3A_386 = vector.broadcast %get3A_385 : vector<1x512xf32> to vector<512x512xf32>
    %gt3A_387 = vector.broadcast %dot_general3A_356 : vector<512x1xf32> to vector<512x512xf32>
    %gt3A_388 = arith.cmpf ogt, %gt3A_386, %gt3A_387 : vector<512x512xf32>
    %jit3A_389 = arith.constant 1.000000e+00 : f32
    %jit3A_390 = arith.constant 0.000000e+00 : f32
    %broadcast_in_dim3A_391 = vector.broadcast %jit3A_389 : f32 to vector<512x512xf32>
    %broadcast_in_dim3A_392 = vector.broadcast %jit3A_390 : f32 to vector<512x512xf32>
    %select_n3A_393 = arith.select %gt3A_388, %broadcast_in_dim3A_391, %broadcast_in_dim3A_392 : vector<512x512xi1>, vector<512x512xf32>
    %add3A_394 = arith.addf %scan3A_380, %select_n3A_393 : vector<512x512xf32>
    %scan3A_395 = arith.constant 1 : i32
    %dot_general3A_396 = arith.constant dense<0.000000e+00> : vector<512x1xf32>
    %dot_general3A_397 = tpu.matmul %add3A_394, %broadcast_in_dim3A_0, %dot_general3A_396 {dimension_numbers = #tpu.dot_dimension_numbers<[1], [0], [0], [1], [0, 0, 1, 1], [], []>, transpose_lhs_hint = false} : vector<512x512xf32>, vector<512x1xf32>, vector<512x1xf32> -> vector<512x1xf32>
    %dot_general3A_398 = arith.constant dense<0.000000e+00> : vector<1x512xf32>
    %dot_general3A_399 = tpu.matmul %dot_general3A_397, %select_n3A, %dot_general3A_398 {dimension_numbers = #tpu.dot_dimension_numbers<[0], [0], [1], [1], [0, 1, 1, 1], [], []>, precision = #tpu.contract_precision<fp32>, transpose_lhs_hint = false} : vector<512x1xf32>, vector<512x512xf32>, vector<1x512xf32> -> vector<1x512xf32>
    %convert_element_type3A_400 = arith.fptosi %dot_general3A_399 : vector<1x512xf32> to vector<1x512xi32>
    %swap3A_401 = arith.constant 8 : index
    %swap3A_402 = arith.constant 0 : index
    %swap3A_403 = vector.load %arg1[%swap3A_401, %swap3A_402] : memref<10x512xi32, #tpu.memory_space<vmem>>, vector<1x512xi32>
    tpu.vector_store %arg1[%swap3A_401, %swap3A_402], %convert_element_type3A_400 {strides = array<i32>} : memref<10x512xi32, #tpu.memory_space<vmem>>, vector<1x512xi32>,
    %get3A_404 = arith.constant 9 : index
    %get3A_405 = arith.constant 0 : index
    %get3A_406 = vector.load %arg0[%get3A_404, %get3A_405] : memref<10x512xf32, #tpu.memory_space<vmem>>, vector<1x512xf32>
    %dot_general3A_407 = arith.constant dense<0.000000e+00> : vector<512x1xf32>
    %dot_general3A_408 = tpu.matmul %select_n3A, %get3A_406, %dot_general3A_407 {dimension_numbers = #tpu.dot_dimension_numbers<[1], [1], [0], [0], [0, 0, 1, 0], [], []>, precision = #tpu.contract_precision<fp32>, transpose_lhs_hint = false} : vector<512x512xf32>, vector<1x512xf32>, vector<512x1xf32> -> vector<512x1xf32>
    %get3A_409 = arith.constant 9 : index
    %get3A_410 = arith.constant 0 : index
    %get3A_411 = vector.load %arg0[%get3A_409, %get3A_410] : memref<10x512xf32, #tpu.memory_space<vmem>>, vector<1x512xf32>
    %iota3A_412 = tpu.iota {dimensions = array<i32: 1>} : vector<512x512xi32>
    %iota3A_413 = tpu.iota {dimensions = array<i32: 0>} : vector<512x512xi32>
    %lt3A_414 = arith.cmpi slt, %iota3A_412, %iota3A_413 : vector<512x512xi32>
    %gt3A_415 = vector.broadcast %get3A_411 : vector<1x512xf32> to vector<512x512xf32>
    %gt3A_416 = vector.broadcast %dot_general3A_408 : vector<512x1xf32> to vector<512x512xf32>
    %gt3A_417 = arith.cmpf ogt, %gt3A_415, %gt3A_416 : vector<512x512xf32>
    %eq3A_418 = vector.broadcast %get3A_411 : vector<1x512xf32> to vector<512x512xf32>
    %eq3A_419 = vector.broadcast %dot_general3A_408 : vector<512x1xf32> to vector<512x512xf32>
    %eq3A_420 = arith.cmpf oeq, %eq3A_418, %eq3A_419 : vector<512x512xf32>
    %and3A_421 = arith.andi %eq3A_420, %lt3A_414 : vector<512x512xi1>
    %or3A_422 = arith.ori %gt3A_417, %and3A_421 : vector<512x512xi1>
    %jit3A_423 = arith.constant 1.000000e+00 : f32
    %jit3A_424 = arith.constant 0.000000e+00 : f32
    %broadcast_in_dim3A_425 = vector.broadcast %jit3A_423 : f32 to vector<512x512xf32>
    %broadcast_in_dim3A_426 = vector.broadcast %jit3A_424 : f32 to vector<512x512xf32>
    %select_n3A_427 = arith.select %or3A_422, %broadcast_in_dim3A_425, %broadcast_in_dim3A_426 : vector<512x512xi1>, vector<512x512xf32>
    %scan3A_428 = arith.constant 0 : i32
    %scan3A_429 = arith.constant 9 : i32
    %scan3A_430 = arith.addi %scan3A_428, %scan3A_429 : i32
    %scan3A_431 = arith.constant 1 : i32
    %scan3A_432 = scf.for %scan3A_446 = %scan3A_428 to %scan3A_430 step %scan3A_431 iter_args(%scan3A_447 = %select_n3A_427) -> (vector<512x512xf32>)  : i32 {
      %get3A_448 = arith.index_cast %scan3A_446 : i32 to index
      %get3A_449 = arith.constant 0 : index
      %get3A_450 = vector.load %arg0[%get3A_448, %get3A_449] : memref<10x512xf32, #tpu.memory_space<vmem>>, vector<1x512xf32>
      %ge3A_451 = vector.broadcast %get3A_450 : vector<1x512xf32> to vector<512x512xf32>
      %ge3A_452 = vector.broadcast %dot_general3A_408 : vector<512x1xf32> to vector<512x512xf32>
      %ge3A_453 = arith.cmpf oge, %ge3A_451, %ge3A_452 : vector<512x512xf32>
      %jit3A_454 = arith.constant 1.000000e+00 : f32
      %jit3A_455 = arith.constant 0.000000e+00 : f32
      %broadcast_in_dim3A_456 = vector.broadcast %jit3A_454 : f32 to vector<512x512xf32>
      %broadcast_in_dim3A_457 = vector.broadcast %jit3A_455 : f32 to vector<512x512xf32>
      %select_n3A_458 = arith.select %ge3A_453, %broadcast_in_dim3A_456, %broadcast_in_dim3A_457 : vector<512x512xi1>, vector<512x512xf32>
      %add3A_459 = arith.addf %scan3A_447, %select_n3A_458 : vector<512x512xf32>
      scf.yield %add3A_459 : vector<512x512xf32>
    }
    %scan3A_433 = arith.constant 9 : i32
    %scan3A_434 = arith.constant 10 : i32
    %scan3A_435 = arith.constant 0 : i32
    %scan3A_436 = arith.addi %scan3A_434, %scan3A_435 : i32
    %scan3A_437 = arith.constant 0 : i32
    %dot_general3A_438 = arith.constant dense<0.000000e+00> : vector<512x1xf32>
    %dot_general3A_439 = tpu.matmul %scan3A_432, %broadcast_in_dim3A_0, %dot_general3A_438 {dimension_numbers = #tpu.dot_dimension_numbers<[1], [0], [0], [1], [0, 0, 1, 1], [], []>, transpose_lhs_hint = false} : vector<512x512xf32>, vector<512x1xf32>, vector<512x1xf32> -> vector<512x1xf32>
    %dot_general3A_440 = arith.constant dense<0.000000e+00> : vector<1x512xf32>
    %dot_general3A_441 = tpu.matmul %dot_general3A_439, %select_n3A, %dot_general3A_440 {dimension_numbers = #tpu.dot_dimension_numbers<[0], [0], [1], [1], [0, 1, 1, 1], [], []>, precision = #tpu.contract_precision<fp32>, transpose_lhs_hint = false} : vector<512x1xf32>, vector<512x512xf32>, vector<1x512xf32> -> vector<1x512xf32>
    %convert_element_type3A_442 = arith.fptosi %dot_general3A_441 : vector<1x512xf32> to vector<1x512xi32>
    %swap3A_443 = arith.constant 9 : index
    %swap3A_444 = arith.constant 0 : index
    %swap3A_445 = vector.load %arg1[%swap3A_443, %swap3A_444] : memref<10x512xi32, #tpu.memory_space<vmem>>, vector<1x512xi32>
    tpu.vector_store %arg1[%swap3A_443, %swap3A_444], %convert_element_type3A_442 {strides = array<i32>} : memref<10x512xi32, #tpu.memory_space<vmem>>, vector<1x512xi32>,
    return
  }
}

module attributes {stable_mosaic.version = 14 : i64} {
  func.func @_nms_body(%arg0: memref<10x512xf32, #tpu.memory_space<vmem>>, %arg1: memref<10x512xf32, #tpu.memory_space<vmem>>, %arg2: memref<10x512xf32, #tpu.memory_space<vmem>>, %arg3: memref<10x512xf32, #tpu.memory_space<vmem>>, %arg4: memref<10x512xf32, #tpu.memory_space<vmem>>, %arg5: memref<10x512xf32, #tpu.memory_space<vmem>>, %arg6: memref<10x512xf32, #tpu.memory_space<vmem>>, %arg7: memref<512x512xf32, #tpu.memory_space<vmem>>) attributes {dimension_semantics = [], scalar_prefetch = 0 : i64, scratch_operands = 2 : i64, tpu.core_type = #tpu.core_type<tc>} {
    %iota3A = tpu.iota {dimensions = array<i32: 0>} : vector<10x512xi32>
    %mul3A = arith.constant 512 : i32
    %mul3A_0 = vector.broadcast %mul3A : i32 to vector<10x512xi32>
    %mul3A_1 = arith.muli %iota3A, %mul3A_0 : vector<10x512xi32>
    %iota3A_2 = tpu.iota {dimensions = array<i32: 1>} : vector<10x512xi32>
    %add3A = arith.addi %mul3A_1, %iota3A_2 : vector<10x512xi32>
    %lt3A = arith.constant 5000 : i32
    %lt3A_3 = vector.broadcast %lt3A : i32 to vector<10x512xi32>
    %lt3A_4 = arith.cmpi slt, %add3A, %lt3A_3 : vector<10x512xi32>
    %jit3A = arith.constant 1.000000e+00 : f32
    %jit3A_5 = arith.constant 0.000000e+00 : f32
    %broadcast_in_dim3A = vector.broadcast %jit3A : f32 to vector<10x512xf32>
    %broadcast_in_dim3A_6 = vector.broadcast %jit3A_5 : f32 to vector<10x512xf32>
    %select_n3A = arith.select %lt3A_4, %broadcast_in_dim3A, %broadcast_in_dim3A_6 : vector<10x512xi1>, vector<10x512xf32>
    %swap3A = arith.constant 0 : index
    %swap3A_7 = arith.constant 0 : index
    %swap3A_8 = vector.load %arg6[%swap3A, %swap3A_7] : memref<10x512xf32, #tpu.memory_space<vmem>>, vector<10x512xf32>
    tpu.vector_store %arg6[%swap3A, %swap3A_7], %select_n3A {strides = array<i32>} : memref<10x512xf32, #tpu.memory_space<vmem>>, vector<10x512xf32>,
    %iota3A_9 = tpu.iota {dimensions = array<i32: 0>} : vector<512x512xi32>
    %iota3A_10 = tpu.iota {dimensions = array<i32: 1>} : vector<512x512xi32>
    %eq3A = arith.cmpi eq, %iota3A_9, %iota3A_10 : vector<512x512xi32>
    %jit3A_11 = arith.constant 1.000000e+00 : f32
    %jit3A_12 = arith.constant 0.000000e+00 : f32
    %broadcast_in_dim3A_13 = vector.broadcast %jit3A_11 : f32 to vector<512x512xf32>
    %broadcast_in_dim3A_14 = vector.broadcast %jit3A_12 : f32 to vector<512x512xf32>
    %select_n3A_15 = arith.select %eq3A, %broadcast_in_dim3A_13, %broadcast_in_dim3A_14 : vector<512x512xi1>, vector<512x512xf32>
    %get3A = arith.constant 0 : index
    %get3A_16 = arith.constant 0 : index
    %get3A_17 = vector.load %arg0[%get3A, %get3A_16] : memref<10x512xf32, #tpu.memory_space<vmem>>, vector<1x512xf32>
    %dot_general3A = arith.constant dense<0.000000e+00> : vector<512x1xf32>
    %dot_general3A_18 = tpu.matmul %select_n3A_15, %get3A_17, %dot_general3A {dimension_numbers = #tpu.dot_dimension_numbers<[1], [1], [0], [0], [0, 0, 1, 0], [], []>, precision = #tpu.contract_precision<fp32>, transpose_lhs_hint = false} : vector<512x512xf32>, vector<1x512xf32>, vector<512x1xf32> -> vector<512x1xf32>
    %get3A_19 = arith.constant 0 : index
    %get3A_20 = arith.constant 0 : index
    %get3A_21 = vector.load %arg1[%get3A_19, %get3A_20] : memref<10x512xf32, #tpu.memory_space<vmem>>, vector<1x512xf32>
    %dot_general3A_22 = arith.constant dense<0.000000e+00> : vector<512x1xf32>
    %dot_general3A_23 = tpu.matmul %select_n3A_15, %get3A_21, %dot_general3A_22 {dimension_numbers = #tpu.dot_dimension_numbers<[1], [1], [0], [0], [0, 0, 1, 0], [], []>, precision = #tpu.contract_precision<fp32>, transpose_lhs_hint = false} : vector<512x512xf32>, vector<1x512xf32>, vector<512x1xf32> -> vector<512x1xf32>
    %get3A_24 = arith.constant 0 : index
    %get3A_25 = arith.constant 0 : index
    %get3A_26 = vector.load %arg2[%get3A_24, %get3A_25] : memref<10x512xf32, #tpu.memory_space<vmem>>, vector<1x512xf32>
    %dot_general3A_27 = arith.constant dense<0.000000e+00> : vector<512x1xf32>
    %dot_general3A_28 = tpu.matmul %select_n3A_15, %get3A_26, %dot_general3A_27 {dimension_numbers = #tpu.dot_dimension_numbers<[1], [1], [0], [0], [0, 0, 1, 0], [], []>, precision = #tpu.contract_precision<fp32>, transpose_lhs_hint = false} : vector<512x512xf32>, vector<1x512xf32>, vector<512x1xf32> -> vector<512x1xf32>
    %get3A_29 = arith.constant 0 : index
    %get3A_30 = arith.constant 0 : index
    %get3A_31 = vector.load %arg3[%get3A_29, %get3A_30] : memref<10x512xf32, #tpu.memory_space<vmem>>, vector<1x512xf32>
    %dot_general3A_32 = arith.constant dense<0.000000e+00> : vector<512x1xf32>
    %dot_general3A_33 = tpu.matmul %select_n3A_15, %get3A_31, %dot_general3A_32 {dimension_numbers = #tpu.dot_dimension_numbers<[1], [1], [0], [0], [0, 0, 1, 0], [], []>, precision = #tpu.contract_precision<fp32>, transpose_lhs_hint = false} : vector<512x512xf32>, vector<1x512xf32>, vector<512x1xf32> -> vector<512x1xf32>
    %get3A_34 = arith.constant 0 : index
    %get3A_35 = arith.constant 0 : index
    %get3A_36 = vector.load %arg4[%get3A_34, %get3A_35] : memref<10x512xf32, #tpu.memory_space<vmem>>, vector<1x512xf32>
    %dot_general3A_37 = arith.constant dense<0.000000e+00> : vector<512x1xf32>
    %dot_general3A_38 = tpu.matmul %select_n3A_15, %get3A_36, %dot_general3A_37 {dimension_numbers = #tpu.dot_dimension_numbers<[1], [1], [0], [0], [0, 0, 1, 0], [], []>, precision = #tpu.contract_precision<fp32>, transpose_lhs_hint = false} : vector<512x512xf32>, vector<1x512xf32>, vector<512x1xf32> -> vector<512x1xf32>
    %get3A_39 = arith.constant 0 : index
    %get3A_40 = arith.constant 0 : index
    %get3A_41 = vector.load %arg0[%get3A_39, %get3A_40] : memref<10x512xf32, #tpu.memory_space<vmem>>, vector<1x512xf32>
    %get3A_42 = arith.constant 0 : index
    %get3A_43 = arith.constant 0 : index
    %get3A_44 = vector.load %arg1[%get3A_42, %get3A_43] : memref<10x512xf32, #tpu.memory_space<vmem>>, vector<1x512xf32>
    %get3A_45 = arith.constant 0 : index
    %get3A_46 = arith.constant 0 : index
    %get3A_47 = vector.load %arg2[%get3A_45, %get3A_46] : memref<10x512xf32, #tpu.memory_space<vmem>>, vector<1x512xf32>
    %get3A_48 = arith.constant 0 : index
    %get3A_49 = arith.constant 0 : index
    %get3A_50 = vector.load %arg3[%get3A_48, %get3A_49] : memref<10x512xf32, #tpu.memory_space<vmem>>, vector<1x512xf32>
    %get3A_51 = arith.constant 0 : index
    %get3A_52 = arith.constant 0 : index
    %get3A_53 = vector.load %arg4[%get3A_51, %get3A_52] : memref<10x512xf32, #tpu.memory_space<vmem>>, vector<1x512xf32>
    %max3A = vector.broadcast %dot_general3A_18 : vector<512x1xf32> to vector<512x512xf32>
    %max3A_54 = vector.broadcast %get3A_41 : vector<1x512xf32> to vector<512x512xf32>
    %max3A_55 = arith.maximumf %max3A, %max3A_54 : vector<512x512xf32>
    %max3A_56 = vector.broadcast %dot_general3A_23 : vector<512x1xf32> to vector<512x512xf32>
    %max3A_57 = vector.broadcast %get3A_44 : vector<1x512xf32> to vector<512x512xf32>
    %max3A_58 = arith.maximumf %max3A_56, %max3A_57 : vector<512x512xf32>
    %min3A = vector.broadcast %dot_general3A_28 : vector<512x1xf32> to vector<512x512xf32>
    %min3A_59 = vector.broadcast %get3A_47 : vector<1x512xf32> to vector<512x512xf32>
    %min3A_60 = arith.minimumf %min3A, %min3A_59 : vector<512x512xf32>
    %min3A_61 = vector.broadcast %dot_general3A_33 : vector<512x1xf32> to vector<512x512xf32>
    %min3A_62 = vector.broadcast %get3A_50 : vector<1x512xf32> to vector<512x512xf32>
    %min3A_63 = arith.minimumf %min3A_61, %min3A_62 : vector<512x512xf32>
    %sub3A = arith.subf %min3A_60, %max3A_55 : vector<512x512xf32>
    %max3A_64 = arith.constant 0.000000e+00 : f32
    %max3A_65 = vector.broadcast %max3A_64 : f32 to vector<512x512xf32>
    %max3A_66 = arith.maximumf %sub3A, %max3A_65 : vector<512x512xf32>
    %sub3A_67 = arith.subf %min3A_63, %max3A_58 : vector<512x512xf32>
    %max3A_68 = arith.constant 0.000000e+00 : f32
    %max3A_69 = vector.broadcast %max3A_68 : f32 to vector<512x512xf32>
    %max3A_70 = arith.maximumf %sub3A_67, %max3A_69 : vector<512x512xf32>
    %mul3A_71 = arith.mulf %max3A_66, %max3A_70 : vector<512x512xf32>
    %add3A_72 = vector.broadcast %dot_general3A_38 : vector<512x1xf32> to vector<512x512xf32>
    %add3A_73 = vector.broadcast %get3A_53 : vector<1x512xf32> to vector<512x512xf32>
    %add3A_74 = arith.addf %add3A_72, %add3A_73 : vector<512x512xf32>
    %sub3A_75 = arith.subf %add3A_74, %mul3A_71 : vector<512x512xf32>
    %add3A_76 = arith.constant 9.99999971E-10 : f32
    %add3A_77 = vector.broadcast %add3A_76 : f32 to vector<512x512xf32>
    %add3A_78 = arith.addf %sub3A_75, %add3A_77 : vector<512x512xf32>
    %div3A = arith.divf %mul3A_71, %add3A_78 : vector<512x512xf32>
    %iota3A_79 = tpu.iota {dimensions = array<i32: 0>} : vector<512x512xi32>
    %iota3A_80 = tpu.iota {dimensions = array<i32: 1>} : vector<512x512xi32>
    %lt3A_81 = arith.cmpi slt, %iota3A_79, %iota3A_80 : vector<512x512xi32>
    %gt3A = arith.constant 5.000000e-01 : f32
    %gt3A_82 = vector.broadcast %gt3A : f32 to vector<512x512xf32>
    %gt3A_83 = arith.cmpf ogt, %div3A, %gt3A_82 : vector<512x512xf32>
    %and3A = arith.andi %gt3A_83, %lt3A_81 : vector<512x512xi1>
    %jit3A_84 = arith.constant 1.000000e+00 : f32
    %jit3A_85 = arith.constant 0.000000e+00 : f32
    %broadcast_in_dim3A_86 = vector.broadcast %jit3A_84 : f32 to vector<512x512xf32>
    %broadcast_in_dim3A_87 = vector.broadcast %jit3A_85 : f32 to vector<512x512xf32>
    %select_n3A_88 = arith.select %and3A, %broadcast_in_dim3A_86, %broadcast_in_dim3A_87 : vector<512x512xi1>, vector<512x512xf32>
    %swap3A_89 = arith.constant 0 : index
    %swap3A_90 = arith.constant 0 : index
    %swap3A_91 = vector.load %arg7[%swap3A_89, %swap3A_90] : memref<512x512xf32, #tpu.memory_space<vmem>>, vector<512x512xf32>
    tpu.vector_store %arg7[%swap3A_89, %swap3A_90], %select_n3A_88 {strides = array<i32>} : memref<512x512xf32, #tpu.memory_space<vmem>>, vector<512x512xf32>,
    %get3A_92 = arith.constant 0 : index
    %get3A_93 = arith.constant 0 : index
    %get3A_94 = vector.load %arg6[%get3A_92, %get3A_93] : memref<10x512xf32, #tpu.memory_space<vmem>>, vector<1x512xf32>
    %while3A = arith.constant true
    %while3A_95:2 = scf.while (%while3A_1041 = %get3A_94, %while3A_1042 = %while3A) : (vector<1x512xf32>, i1) -> (vector<1x512xf32>, i1) {
      scf.condition(%while3A_1042) %while3A_1041, %while3A_1042 : vector<1x512xf32>, i1
    } do {
    ^bb0(%while3A_1041: vector<1x512xf32>, %while3A_1042: i1):
      %get3A_1043 = arith.constant 0 : index
      %get3A_1044 = arith.constant 0 : index
      %get3A_1045 = vector.load %arg7[%get3A_1043, %get3A_1044] : memref<512x512xf32, #tpu.memory_space<vmem>>, vector<512x512xf32>
      %dot_general3A_1046 = arith.constant dense<0.000000e+00> : vector<1x512xf32>
      %dot_general3A_1047 = tpu.matmul %while3A_1041, %get3A_1045, %dot_general3A_1046 {dimension_numbers = #tpu.dot_dimension_numbers<[1], [0], [0], [1], [0, 0, 1, 1], [], []>, transpose_lhs_hint = false} : vector<1x512xf32>, vector<512x512xf32>, vector<1x512xf32> -> vector<1x512xf32>
      %lt3A_1048 = arith.constant 5.000000e-01 : f32
      %lt3A_1049 = vector.broadcast %lt3A_1048 : f32 to vector<1x512xf32>
      %lt3A_1050 = arith.cmpf olt, %dot_general3A_1047, %lt3A_1049 : vector<1x512xf32>
      %jit3A_1051 = arith.constant 1.000000e+00 : f32
      %jit3A_1052 = arith.constant 0.000000e+00 : f32
      %broadcast_in_dim3A_1053 = vector.broadcast %jit3A_1051 : f32 to vector<1x512xf32>
      %broadcast_in_dim3A_1054 = vector.broadcast %jit3A_1052 : f32 to vector<1x512xf32>
      %select_n3A_1055 = arith.select %lt3A_1050, %broadcast_in_dim3A_1053, %broadcast_in_dim3A_1054 : vector<1x512xi1>, vector<1x512xf32>
      %mul3A_1056 = arith.mulf %get3A_94, %select_n3A_1055 : vector<1x512xf32>
      %get3A_1057 = arith.constant 0 : index
      %get3A_1058 = arith.constant 0 : index
      %get3A_1059 = vector.load %arg7[%get3A_1057, %get3A_1058] : memref<512x512xf32, #tpu.memory_space<vmem>>, vector<512x512xf32>
      %dot_general3A_1060 = arith.constant dense<0.000000e+00> : vector<1x512xf32>
      %dot_general3A_1061 = tpu.matmul %mul3A_1056, %get3A_1059, %dot_general3A_1060 {dimension_numbers = #tpu.dot_dimension_numbers<[1], [0], [0], [1], [0, 0, 1, 1], [], []>, transpose_lhs_hint = false} : vector<1x512xf32>, vector<512x512xf32>, vector<1x512xf32> -> vector<1x512xf32>
      %lt3A_1062 = arith.constant 5.000000e-01 : f32
      %lt3A_1063 = vector.broadcast %lt3A_1062 : f32 to vector<1x512xf32>
      %lt3A_1064 = arith.cmpf olt, %dot_general3A_1061, %lt3A_1063 : vector<1x512xf32>
      %jit3A_1065 = arith.constant 1.000000e+00 : f32
      %jit3A_1066 = arith.constant 0.000000e+00 : f32
      %broadcast_in_dim3A_1067 = vector.broadcast %jit3A_1065 : f32 to vector<1x512xf32>
      %broadcast_in_dim3A_1068 = vector.broadcast %jit3A_1066 : f32 to vector<1x512xf32>
      %select_n3A_1069 = arith.select %lt3A_1064, %broadcast_in_dim3A_1067, %broadcast_in_dim3A_1068 : vector<1x512xi1>, vector<1x512xf32>
      %mul3A_1070 = arith.mulf %get3A_94, %select_n3A_1069 : vector<1x512xf32>
      %ne3A = arith.cmpf one, %mul3A_1070, %mul3A_1056 : vector<1x512xf32>
      %reduce_or3A = arith.constant 1.000000e+00 : f32
      %reduce_or3A_1071 = arith.constant 0.000000e+00 : f32
      %reduce_or3A_1072 = vector.broadcast %reduce_or3A : f32 to vector<1x512xf32>
      %reduce_or3A_1073 = vector.broadcast %reduce_or3A_1071 : f32 to vector<1x512xf32>
      %reduce_or3A_1074 = arith.select %ne3A, %reduce_or3A_1072, %reduce_or3A_1073 : vector<1x512xi1>, vector<1x512xf32>
      %reduce_or3A_1075 = vector.shape_cast %reduce_or3A_1074 : vector<1x512xf32> to vector<1x1x512xf32>
      %reduce_or3A_1076 = arith.constant dense<0xFF800000> : vector<1xf32>
      %reduce_or3A_1077 = vector.multi_reduction <maximumf>, %reduce_or3A_1075, %reduce_or3A_1076 [1, 2] : vector<1x1x512xf32> to vector<1xf32>
      %reduce_or3A_1078 = vector.shape_cast %reduce_or3A_1077 : vector<1xf32> to vector<1x1x1xf32>
      %reduce_or3A_1079 = vector.extract %reduce_or3A_1078[0, 0, 0] : f32 from vector<1x1x1xf32>
      %reduce_or3A_1080 = arith.constant 0.000000e+00 : f32
      %reduce_or3A_1081 = arith.cmpf ogt, %reduce_or3A_1079, %reduce_or3A_1080 : f32
      scf.yield %mul3A_1070, %reduce_or3A_1081 : vector<1x512xf32>, i1
    }
    %swap3A_96 = arith.constant 0 : index
    %swap3A_97 = arith.constant 0 : index
    %swap3A_98 = vector.load %arg5[%swap3A_96, %swap3A_97] : memref<10x512xf32, #tpu.memory_space<vmem>>, vector<1x512xf32>
    tpu.vector_store %arg5[%swap3A_96, %swap3A_97], %while3A_95#0 {strides = array<i32>} : memref<10x512xf32, #tpu.memory_space<vmem>>, vector<1x512xf32>,
    %scan3A = arith.constant 1 : i32
    %scan3A_99 = arith.constant 9 : i32
    %scan3A_100 = arith.addi %scan3A, %scan3A_99 : i32
    %scan3A_101 = arith.constant 1 : i32
    scf.for %scan3A_1041 = %scan3A to %scan3A_100 step %scan3A_101  : i32 {
      %get3A_1042 = arith.index_cast %scan3A_1041 : i32 to index
      %get3A_1043 = arith.constant 0 : index
      %get3A_1044 = vector.load %arg0[%get3A_1042, %get3A_1043] : memref<10x512xf32, #tpu.memory_space<vmem>>, vector<1x512xf32>
      %get3A_1045 = arith.index_cast %scan3A_1041 : i32 to index
      %get3A_1046 = arith.constant 0 : index
      %get3A_1047 = vector.load %arg1[%get3A_1045, %get3A_1046] : memref<10x512xf32, #tpu.memory_space<vmem>>, vector<1x512xf32>
      %get3A_1048 = arith.index_cast %scan3A_1041 : i32 to index
      %get3A_1049 = arith.constant 0 : index
      %get3A_1050 = vector.load %arg2[%get3A_1048, %get3A_1049] : memref<10x512xf32, #tpu.memory_space<vmem>>, vector<1x512xf32>
      %get3A_1051 = arith.index_cast %scan3A_1041 : i32 to index
      %get3A_1052 = arith.constant 0 : index
      %get3A_1053 = vector.load %arg3[%get3A_1051, %get3A_1052] : memref<10x512xf32, #tpu.memory_space<vmem>>, vector<1x512xf32>
      %get3A_1054 = arith.index_cast %scan3A_1041 : i32 to index
      %get3A_1055 = arith.constant 0 : index
      %get3A_1056 = vector.load %arg4[%get3A_1054, %get3A_1055] : memref<10x512xf32, #tpu.memory_space<vmem>>, vector<1x512xf32>
      %max3A_1057 = vector.broadcast %dot_general3A_18 : vector<512x1xf32> to vector<512x512xf32>
      %max3A_1058 = vector.broadcast %get3A_1044 : vector<1x512xf32> to vector<512x512xf32>
      %max3A_1059 = arith.maximumf %max3A_1057, %max3A_1058 : vector<512x512xf32>
      %max3A_1060 = vector.broadcast %dot_general3A_23 : vector<512x1xf32> to vector<512x512xf32>
      %max3A_1061 = vector.broadcast %get3A_1047 : vector<1x512xf32> to vector<512x512xf32>
      %max3A_1062 = arith.maximumf %max3A_1060, %max3A_1061 : vector<512x512xf32>
      %min3A_1063 = vector.broadcast %dot_general3A_28 : vector<512x1xf32> to vector<512x512xf32>
      %min3A_1064 = vector.broadcast %get3A_1050 : vector<1x512xf32> to vector<512x512xf32>
      %min3A_1065 = arith.minimumf %min3A_1063, %min3A_1064 : vector<512x512xf32>
      %min3A_1066 = vector.broadcast %dot_general3A_33 : vector<512x1xf32> to vector<512x512xf32>
      %min3A_1067 = vector.broadcast %get3A_1053 : vector<1x512xf32> to vector<512x512xf32>
      %min3A_1068 = arith.minimumf %min3A_1066, %min3A_1067 : vector<512x512xf32>
      %sub3A_1069 = arith.subf %min3A_1065, %max3A_1059 : vector<512x512xf32>
      %max3A_1070 = arith.constant 0.000000e+00 : f32
      %max3A_1071 = vector.broadcast %max3A_1070 : f32 to vector<512x512xf32>
      %max3A_1072 = arith.maximumf %sub3A_1069, %max3A_1071 : vector<512x512xf32>
      %sub3A_1073 = arith.subf %min3A_1068, %max3A_1062 : vector<512x512xf32>
      %max3A_1074 = arith.constant 0.000000e+00 : f32
      %max3A_1075 = vector.broadcast %max3A_1074 : f32 to vector<512x512xf32>
      %max3A_1076 = arith.maximumf %sub3A_1073, %max3A_1075 : vector<512x512xf32>
      %mul3A_1077 = arith.mulf %max3A_1072, %max3A_1076 : vector<512x512xf32>
      %add3A_1078 = vector.broadcast %dot_general3A_38 : vector<512x1xf32> to vector<512x512xf32>
      %add3A_1079 = vector.broadcast %get3A_1056 : vector<1x512xf32> to vector<512x512xf32>
      %add3A_1080 = arith.addf %add3A_1078, %add3A_1079 : vector<512x512xf32>
      %sub3A_1081 = arith.subf %add3A_1080, %mul3A_1077 : vector<512x512xf32>
      %add3A_1082 = arith.constant 9.99999971E-10 : f32
      %add3A_1083 = vector.broadcast %add3A_1082 : f32 to vector<512x512xf32>
      %add3A_1084 = arith.addf %sub3A_1081, %add3A_1083 : vector<512x512xf32>
      %div3A_1085 = arith.divf %mul3A_1077, %add3A_1084 : vector<512x512xf32>
      %gt3A_1086 = arith.constant 5.000000e-01 : f32
      %gt3A_1087 = vector.broadcast %gt3A_1086 : f32 to vector<512x512xf32>
      %gt3A_1088 = arith.cmpf ogt, %div3A_1085, %gt3A_1087 : vector<512x512xf32>
      %jit3A_1089 = arith.constant 1.000000e+00 : f32
      %jit3A_1090 = arith.constant 0.000000e+00 : f32
      %broadcast_in_dim3A_1091 = vector.broadcast %jit3A_1089 : f32 to vector<512x512xf32>
      %broadcast_in_dim3A_1092 = vector.broadcast %jit3A_1090 : f32 to vector<512x512xf32>
      %select_n3A_1093 = arith.select %gt3A_1088, %broadcast_in_dim3A_1091, %broadcast_in_dim3A_1092 : vector<512x512xi1>, vector<512x512xf32>
      %dot_general3A_1094 = arith.constant dense<0.000000e+00> : vector<1x512xf32>
      %dot_general3A_1095 = tpu.matmul %while3A_95#0, %select_n3A_1093, %dot_general3A_1094 {dimension_numbers = #tpu.dot_dimension_numbers<[1], [0], [0], [1], [0, 0, 1, 1], [], []>, transpose_lhs_hint = false} : vector<1x512xf32>, vector<512x512xf32>, vector<1x512xf32> -> vector<1x512xf32>
      %get3A_1096 = arith.index_cast %scan3A_1041 : i32 to index
      %get3A_1097 = arith.constant 0 : index
      %get3A_1098 = vector.load %arg6[%get3A_1096, %get3A_1097] : memref<10x512xf32, #tpu.memory_space<vmem>>, vector<1x512xf32>
      %lt3A_1099 = arith.constant 5.000000e-01 : f32
      %lt3A_1100 = vector.broadcast %lt3A_1099 : f32 to vector<1x512xf32>
      %lt3A_1101 = arith.cmpf olt, %dot_general3A_1095, %lt3A_1100 : vector<1x512xf32>
      %jit3A_1102 = arith.constant 1.000000e+00 : f32
      %jit3A_1103 = arith.constant 0.000000e+00 : f32
      %broadcast_in_dim3A_1104 = vector.broadcast %jit3A_1102 : f32 to vector<1x512xf32>
      %broadcast_in_dim3A_1105 = vector.broadcast %jit3A_1103 : f32 to vector<1x512xf32>
      %select_n3A_1106 = arith.select %lt3A_1101, %broadcast_in_dim3A_1104, %broadcast_in_dim3A_1105 : vector<1x512xi1>, vector<1x512xf32>
      %mul3A_1107 = arith.mulf %get3A_1098, %select_n3A_1106 : vector<1x512xf32>
      %swap3A_1108 = arith.index_cast %scan3A_1041 : i32 to index
      %swap3A_1109 = arith.constant 0 : index
      %swap3A_1110 = vector.load %arg6[%swap3A_1108, %swap3A_1109] : memref<10x512xf32, #tpu.memory_space<vmem>>, vector<1x512xf32>
      tpu.vector_store %arg6[%swap3A_1108, %swap3A_1109], %mul3A_1107 {strides = array<i32>} : memref<10x512xf32, #tpu.memory_space<vmem>>, vector<1x512xf32>,
    }
    %scan3A_102 = arith.constant 9 : i32
    %get3A_103 = arith.constant 1 : index
    %get3A_104 = arith.constant 0 : index
    %get3A_105 = vector.load %arg0[%get3A_103, %get3A_104] : memref<10x512xf32, #tpu.memory_space<vmem>>, vector<1x512xf32>
    %dot_general3A_106 = arith.constant dense<0.000000e+00> : vector<512x1xf32>
    %dot_general3A_107 = tpu.matmul %select_n3A_15, %get3A_105, %dot_general3A_106 {dimension_numbers = #tpu.dot_dimension_numbers<[1], [1], [0], [0], [0, 0, 1, 0], [], []>, precision = #tpu.contract_precision<fp32>, transpose_lhs_hint = false} : vector<512x512xf32>, vector<1x512xf32>, vector<512x1xf32> -> vector<512x1xf32>
    %get3A_108 = arith.constant 1 : index
    %get3A_109 = arith.constant 0 : index
    %get3A_110 = vector.load %arg1[%get3A_108, %get3A_109] : memref<10x512xf32, #tpu.memory_space<vmem>>, vector<1x512xf32>
    %dot_general3A_111 = arith.constant dense<0.000000e+00> : vector<512x1xf32>
    %dot_general3A_112 = tpu.matmul %select_n3A_15, %get3A_110, %dot_general3A_111 {dimension_numbers = #tpu.dot_dimension_numbers<[1], [1], [0], [0], [0, 0, 1, 0], [], []>, precision = #tpu.contract_precision<fp32>, transpose_lhs_hint = false} : vector<512x512xf32>, vector<1x512xf32>, vector<512x1xf32> -> vector<512x1xf32>
    %get3A_113 = arith.constant 1 : index
    %get3A_114 = arith.constant 0 : index
    %get3A_115 = vector.load %arg2[%get3A_113, %get3A_114] : memref<10x512xf32, #tpu.memory_space<vmem>>, vector<1x512xf32>
    %dot_general3A_116 = arith.constant dense<0.000000e+00> : vector<512x1xf32>
    %dot_general3A_117 = tpu.matmul %select_n3A_15, %get3A_115, %dot_general3A_116 {dimension_numbers = #tpu.dot_dimension_numbers<[1], [1], [0], [0], [0, 0, 1, 0], [], []>, precision = #tpu.contract_precision<fp32>, transpose_lhs_hint = false} : vector<512x512xf32>, vector<1x512xf32>, vector<512x1xf32> -> vector<512x1xf32>
    %get3A_118 = arith.constant 1 : index
    %get3A_119 = arith.constant 0 : index
    %get3A_120 = vector.load %arg3[%get3A_118, %get3A_119] : memref<10x512xf32, #tpu.memory_space<vmem>>, vector<1x512xf32>
    %dot_general3A_121 = arith.constant dense<0.000000e+00> : vector<512x1xf32>
    %dot_general3A_122 = tpu.matmul %select_n3A_15, %get3A_120, %dot_general3A_121 {dimension_numbers = #tpu.dot_dimension_numbers<[1], [1], [0], [0], [0, 0, 1, 0], [], []>, precision = #tpu.contract_precision<fp32>, transpose_lhs_hint = false} : vector<512x512xf32>, vector<1x512xf32>, vector<512x1xf32> -> vector<512x1xf32>
    %get3A_123 = arith.constant 1 : index
    %get3A_124 = arith.constant 0 : index
    %get3A_125 = vector.load %arg4[%get3A_123, %get3A_124] : memref<10x512xf32, #tpu.memory_space<vmem>>, vector<1x512xf32>
    %dot_general3A_126 = arith.constant dense<0.000000e+00> : vector<512x1xf32>
    %dot_general3A_127 = tpu.matmul %select_n3A_15, %get3A_125, %dot_general3A_126 {dimension_numbers = #tpu.dot_dimension_numbers<[1], [1], [0], [0], [0, 0, 1, 0], [], []>, precision = #tpu.contract_precision<fp32>, transpose_lhs_hint = false} : vector<512x512xf32>, vector<1x512xf32>, vector<512x1xf32> -> vector<512x1xf32>
    %get3A_128 = arith.constant 1 : index
    %get3A_129 = arith.constant 0 : index
    %get3A_130 = vector.load %arg0[%get3A_128, %get3A_129] : memref<10x512xf32, #tpu.memory_space<vmem>>, vector<1x512xf32>
    %get3A_131 = arith.constant 1 : index
    %get3A_132 = arith.constant 0 : index
    %get3A_133 = vector.load %arg1[%get3A_131, %get3A_132] : memref<10x512xf32, #tpu.memory_space<vmem>>, vector<1x512xf32>
    %get3A_134 = arith.constant 1 : index
    %get3A_135 = arith.constant 0 : index
    %get3A_136 = vector.load %arg2[%get3A_134, %get3A_135] : memref<10x512xf32, #tpu.memory_space<vmem>>, vector<1x512xf32>
    %get3A_137 = arith.constant 1 : index
    %get3A_138 = arith.constant 0 : index
    %get3A_139 = vector.load %arg3[%get3A_137, %get3A_138] : memref<10x512xf32, #tpu.memory_space<vmem>>, vector<1x512xf32>
    %get3A_140 = arith.constant 1 : index
    %get3A_141 = arith.constant 0 : index
    %get3A_142 = vector.load %arg4[%get3A_140, %get3A_141] : memref<10x512xf32, #tpu.memory_space<vmem>>, vector<1x512xf32>
    %max3A_143 = vector.broadcast %dot_general3A_107 : vector<512x1xf32> to vector<512x512xf32>
    %max3A_144 = vector.broadcast %get3A_130 : vector<1x512xf32> to vector<512x512xf32>
    %max3A_145 = arith.maximumf %max3A_143, %max3A_144 : vector<512x512xf32>
    %max3A_146 = vector.broadcast %dot_general3A_112 : vector<512x1xf32> to vector<512x512xf32>
    %max3A_147 = vector.broadcast %get3A_133 : vector<1x512xf32> to vector<512x512xf32>
    %max3A_148 = arith.maximumf %max3A_146, %max3A_147 : vector<512x512xf32>
    %min3A_149 = vector.broadcast %dot_general3A_117 : vector<512x1xf32> to vector<512x512xf32>
    %min3A_150 = vector.broadcast %get3A_136 : vector<1x512xf32> to vector<512x512xf32>
    %min3A_151 = arith.minimumf %min3A_149, %min3A_150 : vector<512x512xf32>
    %min3A_152 = vector.broadcast %dot_general3A_122 : vector<512x1xf32> to vector<512x512xf32>
    %min3A_153 = vector.broadcast %get3A_139 : vector<1x512xf32> to vector<512x512xf32>
    %min3A_154 = arith.minimumf %min3A_152, %min3A_153 : vector<512x512xf32>
    %sub3A_155 = arith.subf %min3A_151, %max3A_145 : vector<512x512xf32>
    %max3A_156 = arith.constant 0.000000e+00 : f32
    %max3A_157 = vector.broadcast %max3A_156 : f32 to vector<512x512xf32>
    %max3A_158 = arith.maximumf %sub3A_155, %max3A_157 : vector<512x512xf32>
    %sub3A_159 = arith.subf %min3A_154, %max3A_148 : vector<512x512xf32>
    %max3A_160 = arith.constant 0.000000e+00 : f32
    %max3A_161 = vector.broadcast %max3A_160 : f32 to vector<512x512xf32>
    %max3A_162 = arith.maximumf %sub3A_159, %max3A_161 : vector<512x512xf32>
    %mul3A_163 = arith.mulf %max3A_158, %max3A_162 : vector<512x512xf32>
    %add3A_164 = vector.broadcast %dot_general3A_127 : vector<512x1xf32> to vector<512x512xf32>
    %add3A_165 = vector.broadcast %get3A_142 : vector<1x512xf32> to vector<512x512xf32>
    %add3A_166 = arith.addf %add3A_164, %add3A_165 : vector<512x512xf32>
    %sub3A_167 = arith.subf %add3A_166, %mul3A_163 : vector<512x512xf32>
    %add3A_168 = arith.constant 9.99999971E-10 : f32
    %add3A_169 = vector.broadcast %add3A_168 : f32 to vector<512x512xf32>
    %add3A_170 = arith.addf %sub3A_167, %add3A_169 : vector<512x512xf32>
    %div3A_171 = arith.divf %mul3A_163, %add3A_170 : vector<512x512xf32>
    %iota3A_172 = tpu.iota {dimensions = array<i32: 0>} : vector<512x512xi32>
    %iota3A_173 = tpu.iota {dimensions = array<i32: 1>} : vector<512x512xi32>
    %lt3A_174 = arith.cmpi slt, %iota3A_172, %iota3A_173 : vector<512x512xi32>
    %gt3A_175 = arith.constant 5.000000e-01 : f32
    %gt3A_176 = vector.broadcast %gt3A_175 : f32 to vector<512x512xf32>
    %gt3A_177 = arith.cmpf ogt, %div3A_171, %gt3A_176 : vector<512x512xf32>
    %and3A_178 = arith.andi %gt3A_177, %lt3A_174 : vector<512x512xi1>
    %jit3A_179 = arith.constant 1.000000e+00 : f32
    %jit3A_180 = arith.constant 0.000000e+00 : f32
    %broadcast_in_dim3A_181 = vector.broadcast %jit3A_179 : f32 to vector<512x512xf32>
    %broadcast_in_dim3A_182 = vector.broadcast %jit3A_180 : f32 to vector<512x512xf32>
    %select_n3A_183 = arith.select %and3A_178, %broadcast_in_dim3A_181, %broadcast_in_dim3A_182 : vector<512x512xi1>, vector<512x512xf32>
    %swap3A_184 = arith.constant 0 : index
    %swap3A_185 = arith.constant 0 : index
    %swap3A_186 = vector.load %arg7[%swap3A_184, %swap3A_185] : memref<512x512xf32, #tpu.memory_space<vmem>>, vector<512x512xf32>
    tpu.vector_store %arg7[%swap3A_184, %swap3A_185], %select_n3A_183 {strides = array<i32>} : memref<512x512xf32, #tpu.memory_space<vmem>>, vector<512x512xf32>,
    %get3A_187 = arith.constant 1 : index
    %get3A_188 = arith.constant 0 : index
    %get3A_189 = vector.load %arg6[%get3A_187, %get3A_188] : memref<10x512xf32, #tpu.memory_space<vmem>>, vector<1x512xf32>
    %while3A_190 = arith.constant true
    %while3A_191:2 = scf.while (%while3A_1041 = %get3A_189, %while3A_1042 = %while3A_190) : (vector<1x512xf32>, i1) -> (vector<1x512xf32>, i1) {
      scf.condition(%while3A_1042) %while3A_1041, %while3A_1042 : vector<1x512xf32>, i1
    } do {
    ^bb0(%while3A_1041: vector<1x512xf32>, %while3A_1042: i1):
      %get3A_1043 = arith.constant 0 : index
      %get3A_1044 = arith.constant 0 : index
      %get3A_1045 = vector.load %arg7[%get3A_1043, %get3A_1044] : memref<512x512xf32, #tpu.memory_space<vmem>>, vector<512x512xf32>
      %dot_general3A_1046 = arith.constant dense<0.000000e+00> : vector<1x512xf32>
      %dot_general3A_1047 = tpu.matmul %while3A_1041, %get3A_1045, %dot_general3A_1046 {dimension_numbers = #tpu.dot_dimension_numbers<[1], [0], [0], [1], [0, 0, 1, 1], [], []>, transpose_lhs_hint = false} : vector<1x512xf32>, vector<512x512xf32>, vector<1x512xf32> -> vector<1x512xf32>
      %lt3A_1048 = arith.constant 5.000000e-01 : f32
      %lt3A_1049 = vector.broadcast %lt3A_1048 : f32 to vector<1x512xf32>
      %lt3A_1050 = arith.cmpf olt, %dot_general3A_1047, %lt3A_1049 : vector<1x512xf32>
      %jit3A_1051 = arith.constant 1.000000e+00 : f32
      %jit3A_1052 = arith.constant 0.000000e+00 : f32
      %broadcast_in_dim3A_1053 = vector.broadcast %jit3A_1051 : f32 to vector<1x512xf32>
      %broadcast_in_dim3A_1054 = vector.broadcast %jit3A_1052 : f32 to vector<1x512xf32>
      %select_n3A_1055 = arith.select %lt3A_1050, %broadcast_in_dim3A_1053, %broadcast_in_dim3A_1054 : vector<1x512xi1>, vector<1x512xf32>
      %mul3A_1056 = arith.mulf %get3A_189, %select_n3A_1055 : vector<1x512xf32>
      %get3A_1057 = arith.constant 0 : index
      %get3A_1058 = arith.constant 0 : index
      %get3A_1059 = vector.load %arg7[%get3A_1057, %get3A_1058] : memref<512x512xf32, #tpu.memory_space<vmem>>, vector<512x512xf32>
      %dot_general3A_1060 = arith.constant dense<0.000000e+00> : vector<1x512xf32>
      %dot_general3A_1061 = tpu.matmul %mul3A_1056, %get3A_1059, %dot_general3A_1060 {dimension_numbers = #tpu.dot_dimension_numbers<[1], [0], [0], [1], [0, 0, 1, 1], [], []>, transpose_lhs_hint = false} : vector<1x512xf32>, vector<512x512xf32>, vector<1x512xf32> -> vector<1x512xf32>
      %lt3A_1062 = arith.constant 5.000000e-01 : f32
      %lt3A_1063 = vector.broadcast %lt3A_1062 : f32 to vector<1x512xf32>
      %lt3A_1064 = arith.cmpf olt, %dot_general3A_1061, %lt3A_1063 : vector<1x512xf32>
      %jit3A_1065 = arith.constant 1.000000e+00 : f32
      %jit3A_1066 = arith.constant 0.000000e+00 : f32
      %broadcast_in_dim3A_1067 = vector.broadcast %jit3A_1065 : f32 to vector<1x512xf32>
      %broadcast_in_dim3A_1068 = vector.broadcast %jit3A_1066 : f32 to vector<1x512xf32>
      %select_n3A_1069 = arith.select %lt3A_1064, %broadcast_in_dim3A_1067, %broadcast_in_dim3A_1068 : vector<1x512xi1>, vector<1x512xf32>
      %mul3A_1070 = arith.mulf %get3A_189, %select_n3A_1069 : vector<1x512xf32>
      %ne3A = arith.cmpf one, %mul3A_1070, %mul3A_1056 : vector<1x512xf32>
      %reduce_or3A = arith.constant 1.000000e+00 : f32
      %reduce_or3A_1071 = arith.constant 0.000000e+00 : f32
      %reduce_or3A_1072 = vector.broadcast %reduce_or3A : f32 to vector<1x512xf32>
      %reduce_or3A_1073 = vector.broadcast %reduce_or3A_1071 : f32 to vector<1x512xf32>
      %reduce_or3A_1074 = arith.select %ne3A, %reduce_or3A_1072, %reduce_or3A_1073 : vector<1x512xi1>, vector<1x512xf32>
      %reduce_or3A_1075 = vector.shape_cast %reduce_or3A_1074 : vector<1x512xf32> to vector<1x1x512xf32>
      %reduce_or3A_1076 = arith.constant dense<0xFF800000> : vector<1xf32>
      %reduce_or3A_1077 = vector.multi_reduction <maximumf>, %reduce_or3A_1075, %reduce_or3A_1076 [1, 2] : vector<1x1x512xf32> to vector<1xf32>
      %reduce_or3A_1078 = vector.shape_cast %reduce_or3A_1077 : vector<1xf32> to vector<1x1x1xf32>
      %reduce_or3A_1079 = vector.extract %reduce_or3A_1078[0, 0, 0] : f32 from vector<1x1x1xf32>
      %reduce_or3A_1080 = arith.constant 0.000000e+00 : f32
      %reduce_or3A_1081 = arith.cmpf ogt, %reduce_or3A_1079, %reduce_or3A_1080 : f32
      scf.yield %mul3A_1070, %reduce_or3A_1081 : vector<1x512xf32>, i1
    }
    %swap3A_192 = arith.constant 1 : index
    %swap3A_193 = arith.constant 0 : index
    %swap3A_194 = vector.load %arg5[%swap3A_192, %swap3A_193] : memref<10x512xf32, #tpu.memory_space<vmem>>, vector<1x512xf32>
    tpu.vector_store %arg5[%swap3A_192, %swap3A_193], %while3A_191#0 {strides = array<i32>} : memref<10x512xf32, #tpu.memory_space<vmem>>, vector<1x512xf32>,
    %scan3A_195 = arith.constant 2 : i32
    %scan3A_196 = arith.constant 8 : i32
    %scan3A_197 = arith.addi %scan3A_195, %scan3A_196 : i32
    %scan3A_198 = arith.constant 1 : i32
    scf.for %scan3A_1041 = %scan3A_195 to %scan3A_197 step %scan3A_198  : i32 {
      %get3A_1042 = arith.index_cast %scan3A_1041 : i32 to index
      %get3A_1043 = arith.constant 0 : index
      %get3A_1044 = vector.load %arg0[%get3A_1042, %get3A_1043] : memref<10x512xf32, #tpu.memory_space<vmem>>, vector<1x512xf32>
      %get3A_1045 = arith.index_cast %scan3A_1041 : i32 to index
      %get3A_1046 = arith.constant 0 : index
      %get3A_1047 = vector.load %arg1[%get3A_1045, %get3A_1046] : memref<10x512xf32, #tpu.memory_space<vmem>>, vector<1x512xf32>
      %get3A_1048 = arith.index_cast %scan3A_1041 : i32 to index
      %get3A_1049 = arith.constant 0 : index
      %get3A_1050 = vector.load %arg2[%get3A_1048, %get3A_1049] : memref<10x512xf32, #tpu.memory_space<vmem>>, vector<1x512xf32>
      %get3A_1051 = arith.index_cast %scan3A_1041 : i32 to index
      %get3A_1052 = arith.constant 0 : index
      %get3A_1053 = vector.load %arg3[%get3A_1051, %get3A_1052] : memref<10x512xf32, #tpu.memory_space<vmem>>, vector<1x512xf32>
      %get3A_1054 = arith.index_cast %scan3A_1041 : i32 to index
      %get3A_1055 = arith.constant 0 : index
      %get3A_1056 = vector.load %arg4[%get3A_1054, %get3A_1055] : memref<10x512xf32, #tpu.memory_space<vmem>>, vector<1x512xf32>
      %max3A_1057 = vector.broadcast %dot_general3A_107 : vector<512x1xf32> to vector<512x512xf32>
      %max3A_1058 = vector.broadcast %get3A_1044 : vector<1x512xf32> to vector<512x512xf32>
      %max3A_1059 = arith.maximumf %max3A_1057, %max3A_1058 : vector<512x512xf32>
      %max3A_1060 = vector.broadcast %dot_general3A_112 : vector<512x1xf32> to vector<512x512xf32>
      %max3A_1061 = vector.broadcast %get3A_1047 : vector<1x512xf32> to vector<512x512xf32>
      %max3A_1062 = arith.maximumf %max3A_1060, %max3A_1061 : vector<512x512xf32>
      %min3A_1063 = vector.broadcast %dot_general3A_117 : vector<512x1xf32> to vector<512x512xf32>
      %min3A_1064 = vector.broadcast %get3A_1050 : vector<1x512xf32> to vector<512x512xf32>
      %min3A_1065 = arith.minimumf %min3A_1063, %min3A_1064 : vector<512x512xf32>
      %min3A_1066 = vector.broadcast %dot_general3A_122 : vector<512x1xf32> to vector<512x512xf32>
      %min3A_1067 = vector.broadcast %get3A_1053 : vector<1x512xf32> to vector<512x512xf32>
      %min3A_1068 = arith.minimumf %min3A_1066, %min3A_1067 : vector<512x512xf32>
      %sub3A_1069 = arith.subf %min3A_1065, %max3A_1059 : vector<512x512xf32>
      %max3A_1070 = arith.constant 0.000000e+00 : f32
      %max3A_1071 = vector.broadcast %max3A_1070 : f32 to vector<512x512xf32>
      %max3A_1072 = arith.maximumf %sub3A_1069, %max3A_1071 : vector<512x512xf32>
      %sub3A_1073 = arith.subf %min3A_1068, %max3A_1062 : vector<512x512xf32>
      %max3A_1074 = arith.constant 0.000000e+00 : f32
      %max3A_1075 = vector.broadcast %max3A_1074 : f32 to vector<512x512xf32>
      %max3A_1076 = arith.maximumf %sub3A_1073, %max3A_1075 : vector<512x512xf32>
      %mul3A_1077 = arith.mulf %max3A_1072, %max3A_1076 : vector<512x512xf32>
      %add3A_1078 = vector.broadcast %dot_general3A_127 : vector<512x1xf32> to vector<512x512xf32>
      %add3A_1079 = vector.broadcast %get3A_1056 : vector<1x512xf32> to vector<512x512xf32>
      %add3A_1080 = arith.addf %add3A_1078, %add3A_1079 : vector<512x512xf32>
      %sub3A_1081 = arith.subf %add3A_1080, %mul3A_1077 : vector<512x512xf32>
      %add3A_1082 = arith.constant 9.99999971E-10 : f32
      %add3A_1083 = vector.broadcast %add3A_1082 : f32 to vector<512x512xf32>
      %add3A_1084 = arith.addf %sub3A_1081, %add3A_1083 : vector<512x512xf32>
      %div3A_1085 = arith.divf %mul3A_1077, %add3A_1084 : vector<512x512xf32>
      %gt3A_1086 = arith.constant 5.000000e-01 : f32
      %gt3A_1087 = vector.broadcast %gt3A_1086 : f32 to vector<512x512xf32>
      %gt3A_1088 = arith.cmpf ogt, %div3A_1085, %gt3A_1087 : vector<512x512xf32>
      %jit3A_1089 = arith.constant 1.000000e+00 : f32
      %jit3A_1090 = arith.constant 0.000000e+00 : f32
      %broadcast_in_dim3A_1091 = vector.broadcast %jit3A_1089 : f32 to vector<512x512xf32>
      %broadcast_in_dim3A_1092 = vector.broadcast %jit3A_1090 : f32 to vector<512x512xf32>
      %select_n3A_1093 = arith.select %gt3A_1088, %broadcast_in_dim3A_1091, %broadcast_in_dim3A_1092 : vector<512x512xi1>, vector<512x512xf32>
      %dot_general3A_1094 = arith.constant dense<0.000000e+00> : vector<1x512xf32>
      %dot_general3A_1095 = tpu.matmul %while3A_191#0, %select_n3A_1093, %dot_general3A_1094 {dimension_numbers = #tpu.dot_dimension_numbers<[1], [0], [0], [1], [0, 0, 1, 1], [], []>, transpose_lhs_hint = false} : vector<1x512xf32>, vector<512x512xf32>, vector<1x512xf32> -> vector<1x512xf32>
      %get3A_1096 = arith.index_cast %scan3A_1041 : i32 to index
      %get3A_1097 = arith.constant 0 : index
      %get3A_1098 = vector.load %arg6[%get3A_1096, %get3A_1097] : memref<10x512xf32, #tpu.memory_space<vmem>>, vector<1x512xf32>
      %lt3A_1099 = arith.constant 5.000000e-01 : f32
      %lt3A_1100 = vector.broadcast %lt3A_1099 : f32 to vector<1x512xf32>
      %lt3A_1101 = arith.cmpf olt, %dot_general3A_1095, %lt3A_1100 : vector<1x512xf32>
      %jit3A_1102 = arith.constant 1.000000e+00 : f32
      %jit3A_1103 = arith.constant 0.000000e+00 : f32
      %broadcast_in_dim3A_1104 = vector.broadcast %jit3A_1102 : f32 to vector<1x512xf32>
      %broadcast_in_dim3A_1105 = vector.broadcast %jit3A_1103 : f32 to vector<1x512xf32>
      %select_n3A_1106 = arith.select %lt3A_1101, %broadcast_in_dim3A_1104, %broadcast_in_dim3A_1105 : vector<1x512xi1>, vector<1x512xf32>
      %mul3A_1107 = arith.mulf %get3A_1098, %select_n3A_1106 : vector<1x512xf32>
      %swap3A_1108 = arith.index_cast %scan3A_1041 : i32 to index
      %swap3A_1109 = arith.constant 0 : index
      %swap3A_1110 = vector.load %arg6[%swap3A_1108, %swap3A_1109] : memref<10x512xf32, #tpu.memory_space<vmem>>, vector<1x512xf32>
      tpu.vector_store %arg6[%swap3A_1108, %swap3A_1109], %mul3A_1107 {strides = array<i32>} : memref<10x512xf32, #tpu.memory_space<vmem>>, vector<1x512xf32>,
    }
    %scan3A_199 = arith.constant 8 : i32
    %get3A_200 = arith.constant 2 : index
    %get3A_201 = arith.constant 0 : index
    %get3A_202 = vector.load %arg0[%get3A_200, %get3A_201] : memref<10x512xf32, #tpu.memory_space<vmem>>, vector<1x512xf32>
    %dot_general3A_203 = arith.constant dense<0.000000e+00> : vector<512x1xf32>
    %dot_general3A_204 = tpu.matmul %select_n3A_15, %get3A_202, %dot_general3A_203 {dimension_numbers = #tpu.dot_dimension_numbers<[1], [1], [0], [0], [0, 0, 1, 0], [], []>, precision = #tpu.contract_precision<fp32>, transpose_lhs_hint = false} : vector<512x512xf32>, vector<1x512xf32>, vector<512x1xf32> -> vector<512x1xf32>
    %get3A_205 = arith.constant 2 : index
    %get3A_206 = arith.constant 0 : index
    %get3A_207 = vector.load %arg1[%get3A_205, %get3A_206] : memref<10x512xf32, #tpu.memory_space<vmem>>, vector<1x512xf32>
    %dot_general3A_208 = arith.constant dense<0.000000e+00> : vector<512x1xf32>
    %dot_general3A_209 = tpu.matmul %select_n3A_15, %get3A_207, %dot_general3A_208 {dimension_numbers = #tpu.dot_dimension_numbers<[1], [1], [0], [0], [0, 0, 1, 0], [], []>, precision = #tpu.contract_precision<fp32>, transpose_lhs_hint = false} : vector<512x512xf32>, vector<1x512xf32>, vector<512x1xf32> -> vector<512x1xf32>
    %get3A_210 = arith.constant 2 : index
    %get3A_211 = arith.constant 0 : index
    %get3A_212 = vector.load %arg2[%get3A_210, %get3A_211] : memref<10x512xf32, #tpu.memory_space<vmem>>, vector<1x512xf32>
    %dot_general3A_213 = arith.constant dense<0.000000e+00> : vector<512x1xf32>
    %dot_general3A_214 = tpu.matmul %select_n3A_15, %get3A_212, %dot_general3A_213 {dimension_numbers = #tpu.dot_dimension_numbers<[1], [1], [0], [0], [0, 0, 1, 0], [], []>, precision = #tpu.contract_precision<fp32>, transpose_lhs_hint = false} : vector<512x512xf32>, vector<1x512xf32>, vector<512x1xf32> -> vector<512x1xf32>
    %get3A_215 = arith.constant 2 : index
    %get3A_216 = arith.constant 0 : index
    %get3A_217 = vector.load %arg3[%get3A_215, %get3A_216] : memref<10x512xf32, #tpu.memory_space<vmem>>, vector<1x512xf32>
    %dot_general3A_218 = arith.constant dense<0.000000e+00> : vector<512x1xf32>
    %dot_general3A_219 = tpu.matmul %select_n3A_15, %get3A_217, %dot_general3A_218 {dimension_numbers = #tpu.dot_dimension_numbers<[1], [1], [0], [0], [0, 0, 1, 0], [], []>, precision = #tpu.contract_precision<fp32>, transpose_lhs_hint = false} : vector<512x512xf32>, vector<1x512xf32>, vector<512x1xf32> -> vector<512x1xf32>
    %get3A_220 = arith.constant 2 : index
    %get3A_221 = arith.constant 0 : index
    %get3A_222 = vector.load %arg4[%get3A_220, %get3A_221] : memref<10x512xf32, #tpu.memory_space<vmem>>, vector<1x512xf32>
    %dot_general3A_223 = arith.constant dense<0.000000e+00> : vector<512x1xf32>
    %dot_general3A_224 = tpu.matmul %select_n3A_15, %get3A_222, %dot_general3A_223 {dimension_numbers = #tpu.dot_dimension_numbers<[1], [1], [0], [0], [0, 0, 1, 0], [], []>, precision = #tpu.contract_precision<fp32>, transpose_lhs_hint = false} : vector<512x512xf32>, vector<1x512xf32>, vector<512x1xf32> -> vector<512x1xf32>
    %get3A_225 = arith.constant 2 : index
    %get3A_226 = arith.constant 0 : index
    %get3A_227 = vector.load %arg0[%get3A_225, %get3A_226] : memref<10x512xf32, #tpu.memory_space<vmem>>, vector<1x512xf32>
    %get3A_228 = arith.constant 2 : index
    %get3A_229 = arith.constant 0 : index
    %get3A_230 = vector.load %arg1[%get3A_228, %get3A_229] : memref<10x512xf32, #tpu.memory_space<vmem>>, vector<1x512xf32>
    %get3A_231 = arith.constant 2 : index
    %get3A_232 = arith.constant 0 : index
    %get3A_233 = vector.load %arg2[%get3A_231, %get3A_232] : memref<10x512xf32, #tpu.memory_space<vmem>>, vector<1x512xf32>
    %get3A_234 = arith.constant 2 : index
    %get3A_235 = arith.constant 0 : index
    %get3A_236 = vector.load %arg3[%get3A_234, %get3A_235] : memref<10x512xf32, #tpu.memory_space<vmem>>, vector<1x512xf32>
    %get3A_237 = arith.constant 2 : index
    %get3A_238 = arith.constant 0 : index
    %get3A_239 = vector.load %arg4[%get3A_237, %get3A_238] : memref<10x512xf32, #tpu.memory_space<vmem>>, vector<1x512xf32>
    %max3A_240 = vector.broadcast %dot_general3A_204 : vector<512x1xf32> to vector<512x512xf32>
    %max3A_241 = vector.broadcast %get3A_227 : vector<1x512xf32> to vector<512x512xf32>
    %max3A_242 = arith.maximumf %max3A_240, %max3A_241 : vector<512x512xf32>
    %max3A_243 = vector.broadcast %dot_general3A_209 : vector<512x1xf32> to vector<512x512xf32>
    %max3A_244 = vector.broadcast %get3A_230 : vector<1x512xf32> to vector<512x512xf32>
    %max3A_245 = arith.maximumf %max3A_243, %max3A_244 : vector<512x512xf32>
    %min3A_246 = vector.broadcast %dot_general3A_214 : vector<512x1xf32> to vector<512x512xf32>
    %min3A_247 = vector.broadcast %get3A_233 : vector<1x512xf32> to vector<512x512xf32>
    %min3A_248 = arith.minimumf %min3A_246, %min3A_247 : vector<512x512xf32>
    %min3A_249 = vector.broadcast %dot_general3A_219 : vector<512x1xf32> to vector<512x512xf32>
    %min3A_250 = vector.broadcast %get3A_236 : vector<1x512xf32> to vector<512x512xf32>
    %min3A_251 = arith.minimumf %min3A_249, %min3A_250 : vector<512x512xf32>
    %sub3A_252 = arith.subf %min3A_248, %max3A_242 : vector<512x512xf32>
    %max3A_253 = arith.constant 0.000000e+00 : f32
    %max3A_254 = vector.broadcast %max3A_253 : f32 to vector<512x512xf32>
    %max3A_255 = arith.maximumf %sub3A_252, %max3A_254 : vector<512x512xf32>
    %sub3A_256 = arith.subf %min3A_251, %max3A_245 : vector<512x512xf32>
    %max3A_257 = arith.constant 0.000000e+00 : f32
    %max3A_258 = vector.broadcast %max3A_257 : f32 to vector<512x512xf32>
    %max3A_259 = arith.maximumf %sub3A_256, %max3A_258 : vector<512x512xf32>
    %mul3A_260 = arith.mulf %max3A_255, %max3A_259 : vector<512x512xf32>
    %add3A_261 = vector.broadcast %dot_general3A_224 : vector<512x1xf32> to vector<512x512xf32>
    %add3A_262 = vector.broadcast %get3A_239 : vector<1x512xf32> to vector<512x512xf32>
    %add3A_263 = arith.addf %add3A_261, %add3A_262 : vector<512x512xf32>
    %sub3A_264 = arith.subf %add3A_263, %mul3A_260 : vector<512x512xf32>
    %add3A_265 = arith.constant 9.99999971E-10 : f32
    %add3A_266 = vector.broadcast %add3A_265 : f32 to vector<512x512xf32>
    %add3A_267 = arith.addf %sub3A_264, %add3A_266 : vector<512x512xf32>
    %div3A_268 = arith.divf %mul3A_260, %add3A_267 : vector<512x512xf32>
    %iota3A_269 = tpu.iota {dimensions = array<i32: 0>} : vector<512x512xi32>
    %iota3A_270 = tpu.iota {dimensions = array<i32: 1>} : vector<512x512xi32>
    %lt3A_271 = arith.cmpi slt, %iota3A_269, %iota3A_270 : vector<512x512xi32>
    %gt3A_272 = arith.constant 5.000000e-01 : f32
    %gt3A_273 = vector.broadcast %gt3A_272 : f32 to vector<512x512xf32>
    %gt3A_274 = arith.cmpf ogt, %div3A_268, %gt3A_273 : vector<512x512xf32>
    %and3A_275 = arith.andi %gt3A_274, %lt3A_271 : vector<512x512xi1>
    %jit3A_276 = arith.constant 1.000000e+00 : f32
    %jit3A_277 = arith.constant 0.000000e+00 : f32
    %broadcast_in_dim3A_278 = vector.broadcast %jit3A_276 : f32 to vector<512x512xf32>
    %broadcast_in_dim3A_279 = vector.broadcast %jit3A_277 : f32 to vector<512x512xf32>
    %select_n3A_280 = arith.select %and3A_275, %broadcast_in_dim3A_278, %broadcast_in_dim3A_279 : vector<512x512xi1>, vector<512x512xf32>
    %swap3A_281 = arith.constant 0 : index
    %swap3A_282 = arith.constant 0 : index
    %swap3A_283 = vector.load %arg7[%swap3A_281, %swap3A_282] : memref<512x512xf32, #tpu.memory_space<vmem>>, vector<512x512xf32>
    tpu.vector_store %arg7[%swap3A_281, %swap3A_282], %select_n3A_280 {strides = array<i32>} : memref<512x512xf32, #tpu.memory_space<vmem>>, vector<512x512xf32>,
    %get3A_284 = arith.constant 2 : index
    %get3A_285 = arith.constant 0 : index
    %get3A_286 = vector.load %arg6[%get3A_284, %get3A_285] : memref<10x512xf32, #tpu.memory_space<vmem>>, vector<1x512xf32>
    %while3A_287 = arith.constant true
    %while3A_288:2 = scf.while (%while3A_1041 = %get3A_286, %while3A_1042 = %while3A_287) : (vector<1x512xf32>, i1) -> (vector<1x512xf32>, i1) {
      scf.condition(%while3A_1042) %while3A_1041, %while3A_1042 : vector<1x512xf32>, i1
    } do {
    ^bb0(%while3A_1041: vector<1x512xf32>, %while3A_1042: i1):
      %get3A_1043 = arith.constant 0 : index
      %get3A_1044 = arith.constant 0 : index
      %get3A_1045 = vector.load %arg7[%get3A_1043, %get3A_1044] : memref<512x512xf32, #tpu.memory_space<vmem>>, vector<512x512xf32>
      %dot_general3A_1046 = arith.constant dense<0.000000e+00> : vector<1x512xf32>
      %dot_general3A_1047 = tpu.matmul %while3A_1041, %get3A_1045, %dot_general3A_1046 {dimension_numbers = #tpu.dot_dimension_numbers<[1], [0], [0], [1], [0, 0, 1, 1], [], []>, transpose_lhs_hint = false} : vector<1x512xf32>, vector<512x512xf32>, vector<1x512xf32> -> vector<1x512xf32>
      %lt3A_1048 = arith.constant 5.000000e-01 : f32
      %lt3A_1049 = vector.broadcast %lt3A_1048 : f32 to vector<1x512xf32>
      %lt3A_1050 = arith.cmpf olt, %dot_general3A_1047, %lt3A_1049 : vector<1x512xf32>
      %jit3A_1051 = arith.constant 1.000000e+00 : f32
      %jit3A_1052 = arith.constant 0.000000e+00 : f32
      %broadcast_in_dim3A_1053 = vector.broadcast %jit3A_1051 : f32 to vector<1x512xf32>
      %broadcast_in_dim3A_1054 = vector.broadcast %jit3A_1052 : f32 to vector<1x512xf32>
      %select_n3A_1055 = arith.select %lt3A_1050, %broadcast_in_dim3A_1053, %broadcast_in_dim3A_1054 : vector<1x512xi1>, vector<1x512xf32>
      %mul3A_1056 = arith.mulf %get3A_286, %select_n3A_1055 : vector<1x512xf32>
      %get3A_1057 = arith.constant 0 : index
      %get3A_1058 = arith.constant 0 : index
      %get3A_1059 = vector.load %arg7[%get3A_1057, %get3A_1058] : memref<512x512xf32, #tpu.memory_space<vmem>>, vector<512x512xf32>
      %dot_general3A_1060 = arith.constant dense<0.000000e+00> : vector<1x512xf32>
      %dot_general3A_1061 = tpu.matmul %mul3A_1056, %get3A_1059, %dot_general3A_1060 {dimension_numbers = #tpu.dot_dimension_numbers<[1], [0], [0], [1], [0, 0, 1, 1], [], []>, transpose_lhs_hint = false} : vector<1x512xf32>, vector<512x512xf32>, vector<1x512xf32> -> vector<1x512xf32>
      %lt3A_1062 = arith.constant 5.000000e-01 : f32
      %lt3A_1063 = vector.broadcast %lt3A_1062 : f32 to vector<1x512xf32>
      %lt3A_1064 = arith.cmpf olt, %dot_general3A_1061, %lt3A_1063 : vector<1x512xf32>
      %jit3A_1065 = arith.constant 1.000000e+00 : f32
      %jit3A_1066 = arith.constant 0.000000e+00 : f32
      %broadcast_in_dim3A_1067 = vector.broadcast %jit3A_1065 : f32 to vector<1x512xf32>
      %broadcast_in_dim3A_1068 = vector.broadcast %jit3A_1066 : f32 to vector<1x512xf32>
      %select_n3A_1069 = arith.select %lt3A_1064, %broadcast_in_dim3A_1067, %broadcast_in_dim3A_1068 : vector<1x512xi1>, vector<1x512xf32>
      %mul3A_1070 = arith.mulf %get3A_286, %select_n3A_1069 : vector<1x512xf32>
      %ne3A = arith.cmpf one, %mul3A_1070, %mul3A_1056 : vector<1x512xf32>
      %reduce_or3A = arith.constant 1.000000e+00 : f32
      %reduce_or3A_1071 = arith.constant 0.000000e+00 : f32
      %reduce_or3A_1072 = vector.broadcast %reduce_or3A : f32 to vector<1x512xf32>
      %reduce_or3A_1073 = vector.broadcast %reduce_or3A_1071 : f32 to vector<1x512xf32>
      %reduce_or3A_1074 = arith.select %ne3A, %reduce_or3A_1072, %reduce_or3A_1073 : vector<1x512xi1>, vector<1x512xf32>
      %reduce_or3A_1075 = vector.shape_cast %reduce_or3A_1074 : vector<1x512xf32> to vector<1x1x512xf32>
      %reduce_or3A_1076 = arith.constant dense<0xFF800000> : vector<1xf32>
      %reduce_or3A_1077 = vector.multi_reduction <maximumf>, %reduce_or3A_1075, %reduce_or3A_1076 [1, 2] : vector<1x1x512xf32> to vector<1xf32>
      %reduce_or3A_1078 = vector.shape_cast %reduce_or3A_1077 : vector<1xf32> to vector<1x1x1xf32>
      %reduce_or3A_1079 = vector.extract %reduce_or3A_1078[0, 0, 0] : f32 from vector<1x1x1xf32>
      %reduce_or3A_1080 = arith.constant 0.000000e+00 : f32
      %reduce_or3A_1081 = arith.cmpf ogt, %reduce_or3A_1079, %reduce_or3A_1080 : f32
      scf.yield %mul3A_1070, %reduce_or3A_1081 : vector<1x512xf32>, i1
    }
    %swap3A_289 = arith.constant 2 : index
    %swap3A_290 = arith.constant 0 : index
    %swap3A_291 = vector.load %arg5[%swap3A_289, %swap3A_290] : memref<10x512xf32, #tpu.memory_space<vmem>>, vector<1x512xf32>
    tpu.vector_store %arg5[%swap3A_289, %swap3A_290], %while3A_288#0 {strides = array<i32>} : memref<10x512xf32, #tpu.memory_space<vmem>>, vector<1x512xf32>,
    %scan3A_292 = arith.constant 3 : i32
    %scan3A_293 = arith.constant 7 : i32
    %scan3A_294 = arith.addi %scan3A_292, %scan3A_293 : i32
    %scan3A_295 = arith.constant 1 : i32
    scf.for %scan3A_1041 = %scan3A_292 to %scan3A_294 step %scan3A_295  : i32 {
      %get3A_1042 = arith.index_cast %scan3A_1041 : i32 to index
      %get3A_1043 = arith.constant 0 : index
      %get3A_1044 = vector.load %arg0[%get3A_1042, %get3A_1043] : memref<10x512xf32, #tpu.memory_space<vmem>>, vector<1x512xf32>
      %get3A_1045 = arith.index_cast %scan3A_1041 : i32 to index
      %get3A_1046 = arith.constant 0 : index
      %get3A_1047 = vector.load %arg1[%get3A_1045, %get3A_1046] : memref<10x512xf32, #tpu.memory_space<vmem>>, vector<1x512xf32>
      %get3A_1048 = arith.index_cast %scan3A_1041 : i32 to index
      %get3A_1049 = arith.constant 0 : index
      %get3A_1050 = vector.load %arg2[%get3A_1048, %get3A_1049] : memref<10x512xf32, #tpu.memory_space<vmem>>, vector<1x512xf32>
      %get3A_1051 = arith.index_cast %scan3A_1041 : i32 to index
      %get3A_1052 = arith.constant 0 : index
      %get3A_1053 = vector.load %arg3[%get3A_1051, %get3A_1052] : memref<10x512xf32, #tpu.memory_space<vmem>>, vector<1x512xf32>
      %get3A_1054 = arith.index_cast %scan3A_1041 : i32 to index
      %get3A_1055 = arith.constant 0 : index
      %get3A_1056 = vector.load %arg4[%get3A_1054, %get3A_1055] : memref<10x512xf32, #tpu.memory_space<vmem>>, vector<1x512xf32>
      %max3A_1057 = vector.broadcast %dot_general3A_204 : vector<512x1xf32> to vector<512x512xf32>
      %max3A_1058 = vector.broadcast %get3A_1044 : vector<1x512xf32> to vector<512x512xf32>
      %max3A_1059 = arith.maximumf %max3A_1057, %max3A_1058 : vector<512x512xf32>
      %max3A_1060 = vector.broadcast %dot_general3A_209 : vector<512x1xf32> to vector<512x512xf32>
      %max3A_1061 = vector.broadcast %get3A_1047 : vector<1x512xf32> to vector<512x512xf32>
      %max3A_1062 = arith.maximumf %max3A_1060, %max3A_1061 : vector<512x512xf32>
      %min3A_1063 = vector.broadcast %dot_general3A_214 : vector<512x1xf32> to vector<512x512xf32>
      %min3A_1064 = vector.broadcast %get3A_1050 : vector<1x512xf32> to vector<512x512xf32>
      %min3A_1065 = arith.minimumf %min3A_1063, %min3A_1064 : vector<512x512xf32>
      %min3A_1066 = vector.broadcast %dot_general3A_219 : vector<512x1xf32> to vector<512x512xf32>
      %min3A_1067 = vector.broadcast %get3A_1053 : vector<1x512xf32> to vector<512x512xf32>
      %min3A_1068 = arith.minimumf %min3A_1066, %min3A_1067 : vector<512x512xf32>
      %sub3A_1069 = arith.subf %min3A_1065, %max3A_1059 : vector<512x512xf32>
      %max3A_1070 = arith.constant 0.000000e+00 : f32
      %max3A_1071 = vector.broadcast %max3A_1070 : f32 to vector<512x512xf32>
      %max3A_1072 = arith.maximumf %sub3A_1069, %max3A_1071 : vector<512x512xf32>
      %sub3A_1073 = arith.subf %min3A_1068, %max3A_1062 : vector<512x512xf32>
      %max3A_1074 = arith.constant 0.000000e+00 : f32
      %max3A_1075 = vector.broadcast %max3A_1074 : f32 to vector<512x512xf32>
      %max3A_1076 = arith.maximumf %sub3A_1073, %max3A_1075 : vector<512x512xf32>
      %mul3A_1077 = arith.mulf %max3A_1072, %max3A_1076 : vector<512x512xf32>
      %add3A_1078 = vector.broadcast %dot_general3A_224 : vector<512x1xf32> to vector<512x512xf32>
      %add3A_1079 = vector.broadcast %get3A_1056 : vector<1x512xf32> to vector<512x512xf32>
      %add3A_1080 = arith.addf %add3A_1078, %add3A_1079 : vector<512x512xf32>
      %sub3A_1081 = arith.subf %add3A_1080, %mul3A_1077 : vector<512x512xf32>
      %add3A_1082 = arith.constant 9.99999971E-10 : f32
      %add3A_1083 = vector.broadcast %add3A_1082 : f32 to vector<512x512xf32>
      %add3A_1084 = arith.addf %sub3A_1081, %add3A_1083 : vector<512x512xf32>
      %div3A_1085 = arith.divf %mul3A_1077, %add3A_1084 : vector<512x512xf32>
      %gt3A_1086 = arith.constant 5.000000e-01 : f32
      %gt3A_1087 = vector.broadcast %gt3A_1086 : f32 to vector<512x512xf32>
      %gt3A_1088 = arith.cmpf ogt, %div3A_1085, %gt3A_1087 : vector<512x512xf32>
      %jit3A_1089 = arith.constant 1.000000e+00 : f32
      %jit3A_1090 = arith.constant 0.000000e+00 : f32
      %broadcast_in_dim3A_1091 = vector.broadcast %jit3A_1089 : f32 to vector<512x512xf32>
      %broadcast_in_dim3A_1092 = vector.broadcast %jit3A_1090 : f32 to vector<512x512xf32>
      %select_n3A_1093 = arith.select %gt3A_1088, %broadcast_in_dim3A_1091, %broadcast_in_dim3A_1092 : vector<512x512xi1>, vector<512x512xf32>
      %dot_general3A_1094 = arith.constant dense<0.000000e+00> : vector<1x512xf32>
      %dot_general3A_1095 = tpu.matmul %while3A_288#0, %select_n3A_1093, %dot_general3A_1094 {dimension_numbers = #tpu.dot_dimension_numbers<[1], [0], [0], [1], [0, 0, 1, 1], [], []>, transpose_lhs_hint = false} : vector<1x512xf32>, vector<512x512xf32>, vector<1x512xf32> -> vector<1x512xf32>
      %get3A_1096 = arith.index_cast %scan3A_1041 : i32 to index
      %get3A_1097 = arith.constant 0 : index
      %get3A_1098 = vector.load %arg6[%get3A_1096, %get3A_1097] : memref<10x512xf32, #tpu.memory_space<vmem>>, vector<1x512xf32>
      %lt3A_1099 = arith.constant 5.000000e-01 : f32
      %lt3A_1100 = vector.broadcast %lt3A_1099 : f32 to vector<1x512xf32>
      %lt3A_1101 = arith.cmpf olt, %dot_general3A_1095, %lt3A_1100 : vector<1x512xf32>
      %jit3A_1102 = arith.constant 1.000000e+00 : f32
      %jit3A_1103 = arith.constant 0.000000e+00 : f32
      %broadcast_in_dim3A_1104 = vector.broadcast %jit3A_1102 : f32 to vector<1x512xf32>
      %broadcast_in_dim3A_1105 = vector.broadcast %jit3A_1103 : f32 to vector<1x512xf32>
      %select_n3A_1106 = arith.select %lt3A_1101, %broadcast_in_dim3A_1104, %broadcast_in_dim3A_1105 : vector<1x512xi1>, vector<1x512xf32>
      %mul3A_1107 = arith.mulf %get3A_1098, %select_n3A_1106 : vector<1x512xf32>
      %swap3A_1108 = arith.index_cast %scan3A_1041 : i32 to index
      %swap3A_1109 = arith.constant 0 : index
      %swap3A_1110 = vector.load %arg6[%swap3A_1108, %swap3A_1109] : memref<10x512xf32, #tpu.memory_space<vmem>>, vector<1x512xf32>
      tpu.vector_store %arg6[%swap3A_1108, %swap3A_1109], %mul3A_1107 {strides = array<i32>} : memref<10x512xf32, #tpu.memory_space<vmem>>, vector<1x512xf32>,
    }
    %scan3A_296 = arith.constant 7 : i32
    %get3A_297 = arith.constant 3 : index
    %get3A_298 = arith.constant 0 : index
    %get3A_299 = vector.load %arg0[%get3A_297, %get3A_298] : memref<10x512xf32, #tpu.memory_space<vmem>>, vector<1x512xf32>
    %dot_general3A_300 = arith.constant dense<0.000000e+00> : vector<512x1xf32>
    %dot_general3A_301 = tpu.matmul %select_n3A_15, %get3A_299, %dot_general3A_300 {dimension_numbers = #tpu.dot_dimension_numbers<[1], [1], [0], [0], [0, 0, 1, 0], [], []>, precision = #tpu.contract_precision<fp32>, transpose_lhs_hint = false} : vector<512x512xf32>, vector<1x512xf32>, vector<512x1xf32> -> vector<512x1xf32>
    %get3A_302 = arith.constant 3 : index
    %get3A_303 = arith.constant 0 : index
    %get3A_304 = vector.load %arg1[%get3A_302, %get3A_303] : memref<10x512xf32, #tpu.memory_space<vmem>>, vector<1x512xf32>
    %dot_general3A_305 = arith.constant dense<0.000000e+00> : vector<512x1xf32>
    %dot_general3A_306 = tpu.matmul %select_n3A_15, %get3A_304, %dot_general3A_305 {dimension_numbers = #tpu.dot_dimension_numbers<[1], [1], [0], [0], [0, 0, 1, 0], [], []>, precision = #tpu.contract_precision<fp32>, transpose_lhs_hint = false} : vector<512x512xf32>, vector<1x512xf32>, vector<512x1xf32> -> vector<512x1xf32>
    %get3A_307 = arith.constant 3 : index
    %get3A_308 = arith.constant 0 : index
    %get3A_309 = vector.load %arg2[%get3A_307, %get3A_308] : memref<10x512xf32, #tpu.memory_space<vmem>>, vector<1x512xf32>
    %dot_general3A_310 = arith.constant dense<0.000000e+00> : vector<512x1xf32>
    %dot_general3A_311 = tpu.matmul %select_n3A_15, %get3A_309, %dot_general3A_310 {dimension_numbers = #tpu.dot_dimension_numbers<[1], [1], [0], [0], [0, 0, 1, 0], [], []>, precision = #tpu.contract_precision<fp32>, transpose_lhs_hint = false} : vector<512x512xf32>, vector<1x512xf32>, vector<512x1xf32> -> vector<512x1xf32>
    %get3A_312 = arith.constant 3 : index
    %get3A_313 = arith.constant 0 : index
    %get3A_314 = vector.load %arg3[%get3A_312, %get3A_313] : memref<10x512xf32, #tpu.memory_space<vmem>>, vector<1x512xf32>
    %dot_general3A_315 = arith.constant dense<0.000000e+00> : vector<512x1xf32>
    %dot_general3A_316 = tpu.matmul %select_n3A_15, %get3A_314, %dot_general3A_315 {dimension_numbers = #tpu.dot_dimension_numbers<[1], [1], [0], [0], [0, 0, 1, 0], [], []>, precision = #tpu.contract_precision<fp32>, transpose_lhs_hint = false} : vector<512x512xf32>, vector<1x512xf32>, vector<512x1xf32> -> vector<512x1xf32>
    %get3A_317 = arith.constant 3 : index
    %get3A_318 = arith.constant 0 : index
    %get3A_319 = vector.load %arg4[%get3A_317, %get3A_318] : memref<10x512xf32, #tpu.memory_space<vmem>>, vector<1x512xf32>
    %dot_general3A_320 = arith.constant dense<0.000000e+00> : vector<512x1xf32>
    %dot_general3A_321 = tpu.matmul %select_n3A_15, %get3A_319, %dot_general3A_320 {dimension_numbers = #tpu.dot_dimension_numbers<[1], [1], [0], [0], [0, 0, 1, 0], [], []>, precision = #tpu.contract_precision<fp32>, transpose_lhs_hint = false} : vector<512x512xf32>, vector<1x512xf32>, vector<512x1xf32> -> vector<512x1xf32>
    %get3A_322 = arith.constant 3 : index
    %get3A_323 = arith.constant 0 : index
    %get3A_324 = vector.load %arg0[%get3A_322, %get3A_323] : memref<10x512xf32, #tpu.memory_space<vmem>>, vector<1x512xf32>
    %get3A_325 = arith.constant 3 : index
    %get3A_326 = arith.constant 0 : index
    %get3A_327 = vector.load %arg1[%get3A_325, %get3A_326] : memref<10x512xf32, #tpu.memory_space<vmem>>, vector<1x512xf32>
    %get3A_328 = arith.constant 3 : index
    %get3A_329 = arith.constant 0 : index
    %get3A_330 = vector.load %arg2[%get3A_328, %get3A_329] : memref<10x512xf32, #tpu.memory_space<vmem>>, vector<1x512xf32>
    %get3A_331 = arith.constant 3 : index
    %get3A_332 = arith.constant 0 : index
    %get3A_333 = vector.load %arg3[%get3A_331, %get3A_332] : memref<10x512xf32, #tpu.memory_space<vmem>>, vector<1x512xf32>
    %get3A_334 = arith.constant 3 : index
    %get3A_335 = arith.constant 0 : index
    %get3A_336 = vector.load %arg4[%get3A_334, %get3A_335] : memref<10x512xf32, #tpu.memory_space<vmem>>, vector<1x512xf32>
    %max3A_337 = vector.broadcast %dot_general3A_301 : vector<512x1xf32> to vector<512x512xf32>
    %max3A_338 = vector.broadcast %get3A_324 : vector<1x512xf32> to vector<512x512xf32>
    %max3A_339 = arith.maximumf %max3A_337, %max3A_338 : vector<512x512xf32>
    %max3A_340 = vector.broadcast %dot_general3A_306 : vector<512x1xf32> to vector<512x512xf32>
    %max3A_341 = vector.broadcast %get3A_327 : vector<1x512xf32> to vector<512x512xf32>
    %max3A_342 = arith.maximumf %max3A_340, %max3A_341 : vector<512x512xf32>
    %min3A_343 = vector.broadcast %dot_general3A_311 : vector<512x1xf32> to vector<512x512xf32>
    %min3A_344 = vector.broadcast %get3A_330 : vector<1x512xf32> to vector<512x512xf32>
    %min3A_345 = arith.minimumf %min3A_343, %min3A_344 : vector<512x512xf32>
    %min3A_346 = vector.broadcast %dot_general3A_316 : vector<512x1xf32> to vector<512x512xf32>
    %min3A_347 = vector.broadcast %get3A_333 : vector<1x512xf32> to vector<512x512xf32>
    %min3A_348 = arith.minimumf %min3A_346, %min3A_347 : vector<512x512xf32>
    %sub3A_349 = arith.subf %min3A_345, %max3A_339 : vector<512x512xf32>
    %max3A_350 = arith.constant 0.000000e+00 : f32
    %max3A_351 = vector.broadcast %max3A_350 : f32 to vector<512x512xf32>
    %max3A_352 = arith.maximumf %sub3A_349, %max3A_351 : vector<512x512xf32>
    %sub3A_353 = arith.subf %min3A_348, %max3A_342 : vector<512x512xf32>
    %max3A_354 = arith.constant 0.000000e+00 : f32
    %max3A_355 = vector.broadcast %max3A_354 : f32 to vector<512x512xf32>
    %max3A_356 = arith.maximumf %sub3A_353, %max3A_355 : vector<512x512xf32>
    %mul3A_357 = arith.mulf %max3A_352, %max3A_356 : vector<512x512xf32>
    %add3A_358 = vector.broadcast %dot_general3A_321 : vector<512x1xf32> to vector<512x512xf32>
    %add3A_359 = vector.broadcast %get3A_336 : vector<1x512xf32> to vector<512x512xf32>
    %add3A_360 = arith.addf %add3A_358, %add3A_359 : vector<512x512xf32>
    %sub3A_361 = arith.subf %add3A_360, %mul3A_357 : vector<512x512xf32>
    %add3A_362 = arith.constant 9.99999971E-10 : f32
    %add3A_363 = vector.broadcast %add3A_362 : f32 to vector<512x512xf32>
    %add3A_364 = arith.addf %sub3A_361, %add3A_363 : vector<512x512xf32>
    %div3A_365 = arith.divf %mul3A_357, %add3A_364 : vector<512x512xf32>
    %iota3A_366 = tpu.iota {dimensions = array<i32: 0>} : vector<512x512xi32>
    %iota3A_367 = tpu.iota {dimensions = array<i32: 1>} : vector<512x512xi32>
    %lt3A_368 = arith.cmpi slt, %iota3A_366, %iota3A_367 : vector<512x512xi32>
    %gt3A_369 = arith.constant 5.000000e-01 : f32
    %gt3A_370 = vector.broadcast %gt3A_369 : f32 to vector<512x512xf32>
    %gt3A_371 = arith.cmpf ogt, %div3A_365, %gt3A_370 : vector<512x512xf32>
    %and3A_372 = arith.andi %gt3A_371, %lt3A_368 : vector<512x512xi1>
    %jit3A_373 = arith.constant 1.000000e+00 : f32
    %jit3A_374 = arith.constant 0.000000e+00 : f32
    %broadcast_in_dim3A_375 = vector.broadcast %jit3A_373 : f32 to vector<512x512xf32>
    %broadcast_in_dim3A_376 = vector.broadcast %jit3A_374 : f32 to vector<512x512xf32>
    %select_n3A_377 = arith.select %and3A_372, %broadcast_in_dim3A_375, %broadcast_in_dim3A_376 : vector<512x512xi1>, vector<512x512xf32>
    %swap3A_378 = arith.constant 0 : index
    %swap3A_379 = arith.constant 0 : index
    %swap3A_380 = vector.load %arg7[%swap3A_378, %swap3A_379] : memref<512x512xf32, #tpu.memory_space<vmem>>, vector<512x512xf32>
    tpu.vector_store %arg7[%swap3A_378, %swap3A_379], %select_n3A_377 {strides = array<i32>} : memref<512x512xf32, #tpu.memory_space<vmem>>, vector<512x512xf32>,
    %get3A_381 = arith.constant 3 : index
    %get3A_382 = arith.constant 0 : index
    %get3A_383 = vector.load %arg6[%get3A_381, %get3A_382] : memref<10x512xf32, #tpu.memory_space<vmem>>, vector<1x512xf32>
    %while3A_384 = arith.constant true
    %while3A_385:2 = scf.while (%while3A_1041 = %get3A_383, %while3A_1042 = %while3A_384) : (vector<1x512xf32>, i1) -> (vector<1x512xf32>, i1) {
      scf.condition(%while3A_1042) %while3A_1041, %while3A_1042 : vector<1x512xf32>, i1
    } do {
    ^bb0(%while3A_1041: vector<1x512xf32>, %while3A_1042: i1):
      %get3A_1043 = arith.constant 0 : index
      %get3A_1044 = arith.constant 0 : index
      %get3A_1045 = vector.load %arg7[%get3A_1043, %get3A_1044] : memref<512x512xf32, #tpu.memory_space<vmem>>, vector<512x512xf32>
      %dot_general3A_1046 = arith.constant dense<0.000000e+00> : vector<1x512xf32>
      %dot_general3A_1047 = tpu.matmul %while3A_1041, %get3A_1045, %dot_general3A_1046 {dimension_numbers = #tpu.dot_dimension_numbers<[1], [0], [0], [1], [0, 0, 1, 1], [], []>, transpose_lhs_hint = false} : vector<1x512xf32>, vector<512x512xf32>, vector<1x512xf32> -> vector<1x512xf32>
      %lt3A_1048 = arith.constant 5.000000e-01 : f32
      %lt3A_1049 = vector.broadcast %lt3A_1048 : f32 to vector<1x512xf32>
      %lt3A_1050 = arith.cmpf olt, %dot_general3A_1047, %lt3A_1049 : vector<1x512xf32>
      %jit3A_1051 = arith.constant 1.000000e+00 : f32
      %jit3A_1052 = arith.constant 0.000000e+00 : f32
      %broadcast_in_dim3A_1053 = vector.broadcast %jit3A_1051 : f32 to vector<1x512xf32>
      %broadcast_in_dim3A_1054 = vector.broadcast %jit3A_1052 : f32 to vector<1x512xf32>
      %select_n3A_1055 = arith.select %lt3A_1050, %broadcast_in_dim3A_1053, %broadcast_in_dim3A_1054 : vector<1x512xi1>, vector<1x512xf32>
      %mul3A_1056 = arith.mulf %get3A_383, %select_n3A_1055 : vector<1x512xf32>
      %get3A_1057 = arith.constant 0 : index
      %get3A_1058 = arith.constant 0 : index
      %get3A_1059 = vector.load %arg7[%get3A_1057, %get3A_1058] : memref<512x512xf32, #tpu.memory_space<vmem>>, vector<512x512xf32>
      %dot_general3A_1060 = arith.constant dense<0.000000e+00> : vector<1x512xf32>
      %dot_general3A_1061 = tpu.matmul %mul3A_1056, %get3A_1059, %dot_general3A_1060 {dimension_numbers = #tpu.dot_dimension_numbers<[1], [0], [0], [1], [0, 0, 1, 1], [], []>, transpose_lhs_hint = false} : vector<1x512xf32>, vector<512x512xf32>, vector<1x512xf32> -> vector<1x512xf32>
      %lt3A_1062 = arith.constant 5.000000e-01 : f32
      %lt3A_1063 = vector.broadcast %lt3A_1062 : f32 to vector<1x512xf32>
      %lt3A_1064 = arith.cmpf olt, %dot_general3A_1061, %lt3A_1063 : vector<1x512xf32>
      %jit3A_1065 = arith.constant 1.000000e+00 : f32
      %jit3A_1066 = arith.constant 0.000000e+00 : f32
      %broadcast_in_dim3A_1067 = vector.broadcast %jit3A_1065 : f32 to vector<1x512xf32>
      %broadcast_in_dim3A_1068 = vector.broadcast %jit3A_1066 : f32 to vector<1x512xf32>
      %select_n3A_1069 = arith.select %lt3A_1064, %broadcast_in_dim3A_1067, %broadcast_in_dim3A_1068 : vector<1x512xi1>, vector<1x512xf32>
      %mul3A_1070 = arith.mulf %get3A_383, %select_n3A_1069 : vector<1x512xf32>
      %ne3A = arith.cmpf one, %mul3A_1070, %mul3A_1056 : vector<1x512xf32>
      %reduce_or3A = arith.constant 1.000000e+00 : f32
      %reduce_or3A_1071 = arith.constant 0.000000e+00 : f32
      %reduce_or3A_1072 = vector.broadcast %reduce_or3A : f32 to vector<1x512xf32>
      %reduce_or3A_1073 = vector.broadcast %reduce_or3A_1071 : f32 to vector<1x512xf32>
      %reduce_or3A_1074 = arith.select %ne3A, %reduce_or3A_1072, %reduce_or3A_1073 : vector<1x512xi1>, vector<1x512xf32>
      %reduce_or3A_1075 = vector.shape_cast %reduce_or3A_1074 : vector<1x512xf32> to vector<1x1x512xf32>
      %reduce_or3A_1076 = arith.constant dense<0xFF800000> : vector<1xf32>
      %reduce_or3A_1077 = vector.multi_reduction <maximumf>, %reduce_or3A_1075, %reduce_or3A_1076 [1, 2] : vector<1x1x512xf32> to vector<1xf32>
      %reduce_or3A_1078 = vector.shape_cast %reduce_or3A_1077 : vector<1xf32> to vector<1x1x1xf32>
      %reduce_or3A_1079 = vector.extract %reduce_or3A_1078[0, 0, 0] : f32 from vector<1x1x1xf32>
      %reduce_or3A_1080 = arith.constant 0.000000e+00 : f32
      %reduce_or3A_1081 = arith.cmpf ogt, %reduce_or3A_1079, %reduce_or3A_1080 : f32
      scf.yield %mul3A_1070, %reduce_or3A_1081 : vector<1x512xf32>, i1
    }
    %swap3A_386 = arith.constant 3 : index
    %swap3A_387 = arith.constant 0 : index
    %swap3A_388 = vector.load %arg5[%swap3A_386, %swap3A_387] : memref<10x512xf32, #tpu.memory_space<vmem>>, vector<1x512xf32>
    tpu.vector_store %arg5[%swap3A_386, %swap3A_387], %while3A_385#0 {strides = array<i32>} : memref<10x512xf32, #tpu.memory_space<vmem>>, vector<1x512xf32>,
    %scan3A_389 = arith.constant 4 : i32
    %scan3A_390 = arith.constant 6 : i32
    %scan3A_391 = arith.addi %scan3A_389, %scan3A_390 : i32
    %scan3A_392 = arith.constant 1 : i32
    scf.for %scan3A_1041 = %scan3A_389 to %scan3A_391 step %scan3A_392  : i32 {
      %get3A_1042 = arith.index_cast %scan3A_1041 : i32 to index
      %get3A_1043 = arith.constant 0 : index
      %get3A_1044 = vector.load %arg0[%get3A_1042, %get3A_1043] : memref<10x512xf32, #tpu.memory_space<vmem>>, vector<1x512xf32>
      %get3A_1045 = arith.index_cast %scan3A_1041 : i32 to index
      %get3A_1046 = arith.constant 0 : index
      %get3A_1047 = vector.load %arg1[%get3A_1045, %get3A_1046] : memref<10x512xf32, #tpu.memory_space<vmem>>, vector<1x512xf32>
      %get3A_1048 = arith.index_cast %scan3A_1041 : i32 to index
      %get3A_1049 = arith.constant 0 : index
      %get3A_1050 = vector.load %arg2[%get3A_1048, %get3A_1049] : memref<10x512xf32, #tpu.memory_space<vmem>>, vector<1x512xf32>
      %get3A_1051 = arith.index_cast %scan3A_1041 : i32 to index
      %get3A_1052 = arith.constant 0 : index
      %get3A_1053 = vector.load %arg3[%get3A_1051, %get3A_1052] : memref<10x512xf32, #tpu.memory_space<vmem>>, vector<1x512xf32>
      %get3A_1054 = arith.index_cast %scan3A_1041 : i32 to index
      %get3A_1055 = arith.constant 0 : index
      %get3A_1056 = vector.load %arg4[%get3A_1054, %get3A_1055] : memref<10x512xf32, #tpu.memory_space<vmem>>, vector<1x512xf32>
      %max3A_1057 = vector.broadcast %dot_general3A_301 : vector<512x1xf32> to vector<512x512xf32>
      %max3A_1058 = vector.broadcast %get3A_1044 : vector<1x512xf32> to vector<512x512xf32>
      %max3A_1059 = arith.maximumf %max3A_1057, %max3A_1058 : vector<512x512xf32>
      %max3A_1060 = vector.broadcast %dot_general3A_306 : vector<512x1xf32> to vector<512x512xf32>
      %max3A_1061 = vector.broadcast %get3A_1047 : vector<1x512xf32> to vector<512x512xf32>
      %max3A_1062 = arith.maximumf %max3A_1060, %max3A_1061 : vector<512x512xf32>
      %min3A_1063 = vector.broadcast %dot_general3A_311 : vector<512x1xf32> to vector<512x512xf32>
      %min3A_1064 = vector.broadcast %get3A_1050 : vector<1x512xf32> to vector<512x512xf32>
      %min3A_1065 = arith.minimumf %min3A_1063, %min3A_1064 : vector<512x512xf32>
      %min3A_1066 = vector.broadcast %dot_general3A_316 : vector<512x1xf32> to vector<512x512xf32>
      %min3A_1067 = vector.broadcast %get3A_1053 : vector<1x512xf32> to vector<512x512xf32>
      %min3A_1068 = arith.minimumf %min3A_1066, %min3A_1067 : vector<512x512xf32>
      %sub3A_1069 = arith.subf %min3A_1065, %max3A_1059 : vector<512x512xf32>
      %max3A_1070 = arith.constant 0.000000e+00 : f32
      %max3A_1071 = vector.broadcast %max3A_1070 : f32 to vector<512x512xf32>
      %max3A_1072 = arith.maximumf %sub3A_1069, %max3A_1071 : vector<512x512xf32>
      %sub3A_1073 = arith.subf %min3A_1068, %max3A_1062 : vector<512x512xf32>
      %max3A_1074 = arith.constant 0.000000e+00 : f32
      %max3A_1075 = vector.broadcast %max3A_1074 : f32 to vector<512x512xf32>
      %max3A_1076 = arith.maximumf %sub3A_1073, %max3A_1075 : vector<512x512xf32>
      %mul3A_1077 = arith.mulf %max3A_1072, %max3A_1076 : vector<512x512xf32>
      %add3A_1078 = vector.broadcast %dot_general3A_321 : vector<512x1xf32> to vector<512x512xf32>
      %add3A_1079 = vector.broadcast %get3A_1056 : vector<1x512xf32> to vector<512x512xf32>
      %add3A_1080 = arith.addf %add3A_1078, %add3A_1079 : vector<512x512xf32>
      %sub3A_1081 = arith.subf %add3A_1080, %mul3A_1077 : vector<512x512xf32>
      %add3A_1082 = arith.constant 9.99999971E-10 : f32
      %add3A_1083 = vector.broadcast %add3A_1082 : f32 to vector<512x512xf32>
      %add3A_1084 = arith.addf %sub3A_1081, %add3A_1083 : vector<512x512xf32>
      %div3A_1085 = arith.divf %mul3A_1077, %add3A_1084 : vector<512x512xf32>
      %gt3A_1086 = arith.constant 5.000000e-01 : f32
      %gt3A_1087 = vector.broadcast %gt3A_1086 : f32 to vector<512x512xf32>
      %gt3A_1088 = arith.cmpf ogt, %div3A_1085, %gt3A_1087 : vector<512x512xf32>
      %jit3A_1089 = arith.constant 1.000000e+00 : f32
      %jit3A_1090 = arith.constant 0.000000e+00 : f32
      %broadcast_in_dim3A_1091 = vector.broadcast %jit3A_1089 : f32 to vector<512x512xf32>
      %broadcast_in_dim3A_1092 = vector.broadcast %jit3A_1090 : f32 to vector<512x512xf32>
      %select_n3A_1093 = arith.select %gt3A_1088, %broadcast_in_dim3A_1091, %broadcast_in_dim3A_1092 : vector<512x512xi1>, vector<512x512xf32>
      %dot_general3A_1094 = arith.constant dense<0.000000e+00> : vector<1x512xf32>
      %dot_general3A_1095 = tpu.matmul %while3A_385#0, %select_n3A_1093, %dot_general3A_1094 {dimension_numbers = #tpu.dot_dimension_numbers<[1], [0], [0], [1], [0, 0, 1, 1], [], []>, transpose_lhs_hint = false} : vector<1x512xf32>, vector<512x512xf32>, vector<1x512xf32> -> vector<1x512xf32>
      %get3A_1096 = arith.index_cast %scan3A_1041 : i32 to index
      %get3A_1097 = arith.constant 0 : index
      %get3A_1098 = vector.load %arg6[%get3A_1096, %get3A_1097] : memref<10x512xf32, #tpu.memory_space<vmem>>, vector<1x512xf32>
      %lt3A_1099 = arith.constant 5.000000e-01 : f32
      %lt3A_1100 = vector.broadcast %lt3A_1099 : f32 to vector<1x512xf32>
      %lt3A_1101 = arith.cmpf olt, %dot_general3A_1095, %lt3A_1100 : vector<1x512xf32>
      %jit3A_1102 = arith.constant 1.000000e+00 : f32
      %jit3A_1103 = arith.constant 0.000000e+00 : f32
      %broadcast_in_dim3A_1104 = vector.broadcast %jit3A_1102 : f32 to vector<1x512xf32>
      %broadcast_in_dim3A_1105 = vector.broadcast %jit3A_1103 : f32 to vector<1x512xf32>
      %select_n3A_1106 = arith.select %lt3A_1101, %broadcast_in_dim3A_1104, %broadcast_in_dim3A_1105 : vector<1x512xi1>, vector<1x512xf32>
      %mul3A_1107 = arith.mulf %get3A_1098, %select_n3A_1106 : vector<1x512xf32>
      %swap3A_1108 = arith.index_cast %scan3A_1041 : i32 to index
      %swap3A_1109 = arith.constant 0 : index
      %swap3A_1110 = vector.load %arg6[%swap3A_1108, %swap3A_1109] : memref<10x512xf32, #tpu.memory_space<vmem>>, vector<1x512xf32>
      tpu.vector_store %arg6[%swap3A_1108, %swap3A_1109], %mul3A_1107 {strides = array<i32>} : memref<10x512xf32, #tpu.memory_space<vmem>>, vector<1x512xf32>,
    }
    %scan3A_393 = arith.constant 6 : i32
    %get3A_394 = arith.constant 4 : index
    %get3A_395 = arith.constant 0 : index
    %get3A_396 = vector.load %arg0[%get3A_394, %get3A_395] : memref<10x512xf32, #tpu.memory_space<vmem>>, vector<1x512xf32>
    %dot_general3A_397 = arith.constant dense<0.000000e+00> : vector<512x1xf32>
    %dot_general3A_398 = tpu.matmul %select_n3A_15, %get3A_396, %dot_general3A_397 {dimension_numbers = #tpu.dot_dimension_numbers<[1], [1], [0], [0], [0, 0, 1, 0], [], []>, precision = #tpu.contract_precision<fp32>, transpose_lhs_hint = false} : vector<512x512xf32>, vector<1x512xf32>, vector<512x1xf32> -> vector<512x1xf32>
    %get3A_399 = arith.constant 4 : index
    %get3A_400 = arith.constant 0 : index
    %get3A_401 = vector.load %arg1[%get3A_399, %get3A_400] : memref<10x512xf32, #tpu.memory_space<vmem>>, vector<1x512xf32>
    %dot_general3A_402 = arith.constant dense<0.000000e+00> : vector<512x1xf32>
    %dot_general3A_403 = tpu.matmul %select_n3A_15, %get3A_401, %dot_general3A_402 {dimension_numbers = #tpu.dot_dimension_numbers<[1], [1], [0], [0], [0, 0, 1, 0], [], []>, precision = #tpu.contract_precision<fp32>, transpose_lhs_hint = false} : vector<512x512xf32>, vector<1x512xf32>, vector<512x1xf32> -> vector<512x1xf32>
    %get3A_404 = arith.constant 4 : index
    %get3A_405 = arith.constant 0 : index
    %get3A_406 = vector.load %arg2[%get3A_404, %get3A_405] : memref<10x512xf32, #tpu.memory_space<vmem>>, vector<1x512xf32>
    %dot_general3A_407 = arith.constant dense<0.000000e+00> : vector<512x1xf32>
    %dot_general3A_408 = tpu.matmul %select_n3A_15, %get3A_406, %dot_general3A_407 {dimension_numbers = #tpu.dot_dimension_numbers<[1], [1], [0], [0], [0, 0, 1, 0], [], []>, precision = #tpu.contract_precision<fp32>, transpose_lhs_hint = false} : vector<512x512xf32>, vector<1x512xf32>, vector<512x1xf32> -> vector<512x1xf32>
    %get3A_409 = arith.constant 4 : index
    %get3A_410 = arith.constant 0 : index
    %get3A_411 = vector.load %arg3[%get3A_409, %get3A_410] : memref<10x512xf32, #tpu.memory_space<vmem>>, vector<1x512xf32>
    %dot_general3A_412 = arith.constant dense<0.000000e+00> : vector<512x1xf32>
    %dot_general3A_413 = tpu.matmul %select_n3A_15, %get3A_411, %dot_general3A_412 {dimension_numbers = #tpu.dot_dimension_numbers<[1], [1], [0], [0], [0, 0, 1, 0], [], []>, precision = #tpu.contract_precision<fp32>, transpose_lhs_hint = false} : vector<512x512xf32>, vector<1x512xf32>, vector<512x1xf32> -> vector<512x1xf32>
    %get3A_414 = arith.constant 4 : index
    %get3A_415 = arith.constant 0 : index
    %get3A_416 = vector.load %arg4[%get3A_414, %get3A_415] : memref<10x512xf32, #tpu.memory_space<vmem>>, vector<1x512xf32>
    %dot_general3A_417 = arith.constant dense<0.000000e+00> : vector<512x1xf32>
    %dot_general3A_418 = tpu.matmul %select_n3A_15, %get3A_416, %dot_general3A_417 {dimension_numbers = #tpu.dot_dimension_numbers<[1], [1], [0], [0], [0, 0, 1, 0], [], []>, precision = #tpu.contract_precision<fp32>, transpose_lhs_hint = false} : vector<512x512xf32>, vector<1x512xf32>, vector<512x1xf32> -> vector<512x1xf32>
    %get3A_419 = arith.constant 4 : index
    %get3A_420 = arith.constant 0 : index
    %get3A_421 = vector.load %arg0[%get3A_419, %get3A_420] : memref<10x512xf32, #tpu.memory_space<vmem>>, vector<1x512xf32>
    %get3A_422 = arith.constant 4 : index
    %get3A_423 = arith.constant 0 : index
    %get3A_424 = vector.load %arg1[%get3A_422, %get3A_423] : memref<10x512xf32, #tpu.memory_space<vmem>>, vector<1x512xf32>
    %get3A_425 = arith.constant 4 : index
    %get3A_426 = arith.constant 0 : index
    %get3A_427 = vector.load %arg2[%get3A_425, %get3A_426] : memref<10x512xf32, #tpu.memory_space<vmem>>, vector<1x512xf32>
    %get3A_428 = arith.constant 4 : index
    %get3A_429 = arith.constant 0 : index
    %get3A_430 = vector.load %arg3[%get3A_428, %get3A_429] : memref<10x512xf32, #tpu.memory_space<vmem>>, vector<1x512xf32>
    %get3A_431 = arith.constant 4 : index
    %get3A_432 = arith.constant 0 : index
    %get3A_433 = vector.load %arg4[%get3A_431, %get3A_432] : memref<10x512xf32, #tpu.memory_space<vmem>>, vector<1x512xf32>
    %max3A_434 = vector.broadcast %dot_general3A_398 : vector<512x1xf32> to vector<512x512xf32>
    %max3A_435 = vector.broadcast %get3A_421 : vector<1x512xf32> to vector<512x512xf32>
    %max3A_436 = arith.maximumf %max3A_434, %max3A_435 : vector<512x512xf32>
    %max3A_437 = vector.broadcast %dot_general3A_403 : vector<512x1xf32> to vector<512x512xf32>
    %max3A_438 = vector.broadcast %get3A_424 : vector<1x512xf32> to vector<512x512xf32>
    %max3A_439 = arith.maximumf %max3A_437, %max3A_438 : vector<512x512xf32>
    %min3A_440 = vector.broadcast %dot_general3A_408 : vector<512x1xf32> to vector<512x512xf32>
    %min3A_441 = vector.broadcast %get3A_427 : vector<1x512xf32> to vector<512x512xf32>
    %min3A_442 = arith.minimumf %min3A_440, %min3A_441 : vector<512x512xf32>
    %min3A_443 = vector.broadcast %dot_general3A_413 : vector<512x1xf32> to vector<512x512xf32>
    %min3A_444 = vector.broadcast %get3A_430 : vector<1x512xf32> to vector<512x512xf32>
    %min3A_445 = arith.minimumf %min3A_443, %min3A_444 : vector<512x512xf32>
    %sub3A_446 = arith.subf %min3A_442, %max3A_436 : vector<512x512xf32>
    %max3A_447 = arith.constant 0.000000e+00 : f32
    %max3A_448 = vector.broadcast %max3A_447 : f32 to vector<512x512xf32>
    %max3A_449 = arith.maximumf %sub3A_446, %max3A_448 : vector<512x512xf32>
    %sub3A_450 = arith.subf %min3A_445, %max3A_439 : vector<512x512xf32>
    %max3A_451 = arith.constant 0.000000e+00 : f32
    %max3A_452 = vector.broadcast %max3A_451 : f32 to vector<512x512xf32>
    %max3A_453 = arith.maximumf %sub3A_450, %max3A_452 : vector<512x512xf32>
    %mul3A_454 = arith.mulf %max3A_449, %max3A_453 : vector<512x512xf32>
    %add3A_455 = vector.broadcast %dot_general3A_418 : vector<512x1xf32> to vector<512x512xf32>
    %add3A_456 = vector.broadcast %get3A_433 : vector<1x512xf32> to vector<512x512xf32>
    %add3A_457 = arith.addf %add3A_455, %add3A_456 : vector<512x512xf32>
    %sub3A_458 = arith.subf %add3A_457, %mul3A_454 : vector<512x512xf32>
    %add3A_459 = arith.constant 9.99999971E-10 : f32
    %add3A_460 = vector.broadcast %add3A_459 : f32 to vector<512x512xf32>
    %add3A_461 = arith.addf %sub3A_458, %add3A_460 : vector<512x512xf32>
    %div3A_462 = arith.divf %mul3A_454, %add3A_461 : vector<512x512xf32>
    %iota3A_463 = tpu.iota {dimensions = array<i32: 0>} : vector<512x512xi32>
    %iota3A_464 = tpu.iota {dimensions = array<i32: 1>} : vector<512x512xi32>
    %lt3A_465 = arith.cmpi slt, %iota3A_463, %iota3A_464 : vector<512x512xi32>
    %gt3A_466 = arith.constant 5.000000e-01 : f32
    %gt3A_467 = vector.broadcast %gt3A_466 : f32 to vector<512x512xf32>
    %gt3A_468 = arith.cmpf ogt, %div3A_462, %gt3A_467 : vector<512x512xf32>
    %and3A_469 = arith.andi %gt3A_468, %lt3A_465 : vector<512x512xi1>
    %jit3A_470 = arith.constant 1.000000e+00 : f32
    %jit3A_471 = arith.constant 0.000000e+00 : f32
    %broadcast_in_dim3A_472 = vector.broadcast %jit3A_470 : f32 to vector<512x512xf32>
    %broadcast_in_dim3A_473 = vector.broadcast %jit3A_471 : f32 to vector<512x512xf32>
    %select_n3A_474 = arith.select %and3A_469, %broadcast_in_dim3A_472, %broadcast_in_dim3A_473 : vector<512x512xi1>, vector<512x512xf32>
    %swap3A_475 = arith.constant 0 : index
    %swap3A_476 = arith.constant 0 : index
    %swap3A_477 = vector.load %arg7[%swap3A_475, %swap3A_476] : memref<512x512xf32, #tpu.memory_space<vmem>>, vector<512x512xf32>
    tpu.vector_store %arg7[%swap3A_475, %swap3A_476], %select_n3A_474 {strides = array<i32>} : memref<512x512xf32, #tpu.memory_space<vmem>>, vector<512x512xf32>,
    %get3A_478 = arith.constant 4 : index
    %get3A_479 = arith.constant 0 : index
    %get3A_480 = vector.load %arg6[%get3A_478, %get3A_479] : memref<10x512xf32, #tpu.memory_space<vmem>>, vector<1x512xf32>
    %while3A_481 = arith.constant true
    %while3A_482:2 = scf.while (%while3A_1041 = %get3A_480, %while3A_1042 = %while3A_481) : (vector<1x512xf32>, i1) -> (vector<1x512xf32>, i1) {
      scf.condition(%while3A_1042) %while3A_1041, %while3A_1042 : vector<1x512xf32>, i1
    } do {
    ^bb0(%while3A_1041: vector<1x512xf32>, %while3A_1042: i1):
      %get3A_1043 = arith.constant 0 : index
      %get3A_1044 = arith.constant 0 : index
      %get3A_1045 = vector.load %arg7[%get3A_1043, %get3A_1044] : memref<512x512xf32, #tpu.memory_space<vmem>>, vector<512x512xf32>
      %dot_general3A_1046 = arith.constant dense<0.000000e+00> : vector<1x512xf32>
      %dot_general3A_1047 = tpu.matmul %while3A_1041, %get3A_1045, %dot_general3A_1046 {dimension_numbers = #tpu.dot_dimension_numbers<[1], [0], [0], [1], [0, 0, 1, 1], [], []>, transpose_lhs_hint = false} : vector<1x512xf32>, vector<512x512xf32>, vector<1x512xf32> -> vector<1x512xf32>
      %lt3A_1048 = arith.constant 5.000000e-01 : f32
      %lt3A_1049 = vector.broadcast %lt3A_1048 : f32 to vector<1x512xf32>
      %lt3A_1050 = arith.cmpf olt, %dot_general3A_1047, %lt3A_1049 : vector<1x512xf32>
      %jit3A_1051 = arith.constant 1.000000e+00 : f32
      %jit3A_1052 = arith.constant 0.000000e+00 : f32
      %broadcast_in_dim3A_1053 = vector.broadcast %jit3A_1051 : f32 to vector<1x512xf32>
      %broadcast_in_dim3A_1054 = vector.broadcast %jit3A_1052 : f32 to vector<1x512xf32>
      %select_n3A_1055 = arith.select %lt3A_1050, %broadcast_in_dim3A_1053, %broadcast_in_dim3A_1054 : vector<1x512xi1>, vector<1x512xf32>
      %mul3A_1056 = arith.mulf %get3A_480, %select_n3A_1055 : vector<1x512xf32>
      %get3A_1057 = arith.constant 0 : index
      %get3A_1058 = arith.constant 0 : index
      %get3A_1059 = vector.load %arg7[%get3A_1057, %get3A_1058] : memref<512x512xf32, #tpu.memory_space<vmem>>, vector<512x512xf32>
      %dot_general3A_1060 = arith.constant dense<0.000000e+00> : vector<1x512xf32>
      %dot_general3A_1061 = tpu.matmul %mul3A_1056, %get3A_1059, %dot_general3A_1060 {dimension_numbers = #tpu.dot_dimension_numbers<[1], [0], [0], [1], [0, 0, 1, 1], [], []>, transpose_lhs_hint = false} : vector<1x512xf32>, vector<512x512xf32>, vector<1x512xf32> -> vector<1x512xf32>
      %lt3A_1062 = arith.constant 5.000000e-01 : f32
      %lt3A_1063 = vector.broadcast %lt3A_1062 : f32 to vector<1x512xf32>
      %lt3A_1064 = arith.cmpf olt, %dot_general3A_1061, %lt3A_1063 : vector<1x512xf32>
      %jit3A_1065 = arith.constant 1.000000e+00 : f32
      %jit3A_1066 = arith.constant 0.000000e+00 : f32
      %broadcast_in_dim3A_1067 = vector.broadcast %jit3A_1065 : f32 to vector<1x512xf32>
      %broadcast_in_dim3A_1068 = vector.broadcast %jit3A_1066 : f32 to vector<1x512xf32>
      %select_n3A_1069 = arith.select %lt3A_1064, %broadcast_in_dim3A_1067, %broadcast_in_dim3A_1068 : vector<1x512xi1>, vector<1x512xf32>
      %mul3A_1070 = arith.mulf %get3A_480, %select_n3A_1069 : vector<1x512xf32>
      %ne3A = arith.cmpf one, %mul3A_1070, %mul3A_1056 : vector<1x512xf32>
      %reduce_or3A = arith.constant 1.000000e+00 : f32
      %reduce_or3A_1071 = arith.constant 0.000000e+00 : f32
      %reduce_or3A_1072 = vector.broadcast %reduce_or3A : f32 to vector<1x512xf32>
      %reduce_or3A_1073 = vector.broadcast %reduce_or3A_1071 : f32 to vector<1x512xf32>
      %reduce_or3A_1074 = arith.select %ne3A, %reduce_or3A_1072, %reduce_or3A_1073 : vector<1x512xi1>, vector<1x512xf32>
      %reduce_or3A_1075 = vector.shape_cast %reduce_or3A_1074 : vector<1x512xf32> to vector<1x1x512xf32>
      %reduce_or3A_1076 = arith.constant dense<0xFF800000> : vector<1xf32>
      %reduce_or3A_1077 = vector.multi_reduction <maximumf>, %reduce_or3A_1075, %reduce_or3A_1076 [1, 2] : vector<1x1x512xf32> to vector<1xf32>
      %reduce_or3A_1078 = vector.shape_cast %reduce_or3A_1077 : vector<1xf32> to vector<1x1x1xf32>
      %reduce_or3A_1079 = vector.extract %reduce_or3A_1078[0, 0, 0] : f32 from vector<1x1x1xf32>
      %reduce_or3A_1080 = arith.constant 0.000000e+00 : f32
      %reduce_or3A_1081 = arith.cmpf ogt, %reduce_or3A_1079, %reduce_or3A_1080 : f32
      scf.yield %mul3A_1070, %reduce_or3A_1081 : vector<1x512xf32>, i1
    }
    %swap3A_483 = arith.constant 4 : index
    %swap3A_484 = arith.constant 0 : index
    %swap3A_485 = vector.load %arg5[%swap3A_483, %swap3A_484] : memref<10x512xf32, #tpu.memory_space<vmem>>, vector<1x512xf32>
    tpu.vector_store %arg5[%swap3A_483, %swap3A_484], %while3A_482#0 {strides = array<i32>} : memref<10x512xf32, #tpu.memory_space<vmem>>, vector<1x512xf32>,
    %scan3A_486 = arith.constant 5 : i32
    %scan3A_487 = arith.constant 5 : i32
    %scan3A_488 = arith.addi %scan3A_486, %scan3A_487 : i32
    %scan3A_489 = arith.constant 1 : i32
    scf.for %scan3A_1041 = %scan3A_486 to %scan3A_488 step %scan3A_489  : i32 {
      %get3A_1042 = arith.index_cast %scan3A_1041 : i32 to index
      %get3A_1043 = arith.constant 0 : index
      %get3A_1044 = vector.load %arg0[%get3A_1042, %get3A_1043] : memref<10x512xf32, #tpu.memory_space<vmem>>, vector<1x512xf32>
      %get3A_1045 = arith.index_cast %scan3A_1041 : i32 to index
      %get3A_1046 = arith.constant 0 : index
      %get3A_1047 = vector.load %arg1[%get3A_1045, %get3A_1046] : memref<10x512xf32, #tpu.memory_space<vmem>>, vector<1x512xf32>
      %get3A_1048 = arith.index_cast %scan3A_1041 : i32 to index
      %get3A_1049 = arith.constant 0 : index
      %get3A_1050 = vector.load %arg2[%get3A_1048, %get3A_1049] : memref<10x512xf32, #tpu.memory_space<vmem>>, vector<1x512xf32>
      %get3A_1051 = arith.index_cast %scan3A_1041 : i32 to index
      %get3A_1052 = arith.constant 0 : index
      %get3A_1053 = vector.load %arg3[%get3A_1051, %get3A_1052] : memref<10x512xf32, #tpu.memory_space<vmem>>, vector<1x512xf32>
      %get3A_1054 = arith.index_cast %scan3A_1041 : i32 to index
      %get3A_1055 = arith.constant 0 : index
      %get3A_1056 = vector.load %arg4[%get3A_1054, %get3A_1055] : memref<10x512xf32, #tpu.memory_space<vmem>>, vector<1x512xf32>
      %max3A_1057 = vector.broadcast %dot_general3A_398 : vector<512x1xf32> to vector<512x512xf32>
      %max3A_1058 = vector.broadcast %get3A_1044 : vector<1x512xf32> to vector<512x512xf32>
      %max3A_1059 = arith.maximumf %max3A_1057, %max3A_1058 : vector<512x512xf32>
      %max3A_1060 = vector.broadcast %dot_general3A_403 : vector<512x1xf32> to vector<512x512xf32>
      %max3A_1061 = vector.broadcast %get3A_1047 : vector<1x512xf32> to vector<512x512xf32>
      %max3A_1062 = arith.maximumf %max3A_1060, %max3A_1061 : vector<512x512xf32>
      %min3A_1063 = vector.broadcast %dot_general3A_408 : vector<512x1xf32> to vector<512x512xf32>
      %min3A_1064 = vector.broadcast %get3A_1050 : vector<1x512xf32> to vector<512x512xf32>
      %min3A_1065 = arith.minimumf %min3A_1063, %min3A_1064 : vector<512x512xf32>
      %min3A_1066 = vector.broadcast %dot_general3A_413 : vector<512x1xf32> to vector<512x512xf32>
      %min3A_1067 = vector.broadcast %get3A_1053 : vector<1x512xf32> to vector<512x512xf32>
      %min3A_1068 = arith.minimumf %min3A_1066, %min3A_1067 : vector<512x512xf32>
      %sub3A_1069 = arith.subf %min3A_1065, %max3A_1059 : vector<512x512xf32>
      %max3A_1070 = arith.constant 0.000000e+00 : f32
      %max3A_1071 = vector.broadcast %max3A_1070 : f32 to vector<512x512xf32>
      %max3A_1072 = arith.maximumf %sub3A_1069, %max3A_1071 : vector<512x512xf32>
      %sub3A_1073 = arith.subf %min3A_1068, %max3A_1062 : vector<512x512xf32>
      %max3A_1074 = arith.constant 0.000000e+00 : f32
      %max3A_1075 = vector.broadcast %max3A_1074 : f32 to vector<512x512xf32>
      %max3A_1076 = arith.maximumf %sub3A_1073, %max3A_1075 : vector<512x512xf32>
      %mul3A_1077 = arith.mulf %max3A_1072, %max3A_1076 : vector<512x512xf32>
      %add3A_1078 = vector.broadcast %dot_general3A_418 : vector<512x1xf32> to vector<512x512xf32>
      %add3A_1079 = vector.broadcast %get3A_1056 : vector<1x512xf32> to vector<512x512xf32>
      %add3A_1080 = arith.addf %add3A_1078, %add3A_1079 : vector<512x512xf32>
      %sub3A_1081 = arith.subf %add3A_1080, %mul3A_1077 : vector<512x512xf32>
      %add3A_1082 = arith.constant 9.99999971E-10 : f32
      %add3A_1083 = vector.broadcast %add3A_1082 : f32 to vector<512x512xf32>
      %add3A_1084 = arith.addf %sub3A_1081, %add3A_1083 : vector<512x512xf32>
      %div3A_1085 = arith.divf %mul3A_1077, %add3A_1084 : vector<512x512xf32>
      %gt3A_1086 = arith.constant 5.000000e-01 : f32
      %gt3A_1087 = vector.broadcast %gt3A_1086 : f32 to vector<512x512xf32>
      %gt3A_1088 = arith.cmpf ogt, %div3A_1085, %gt3A_1087 : vector<512x512xf32>
      %jit3A_1089 = arith.constant 1.000000e+00 : f32
      %jit3A_1090 = arith.constant 0.000000e+00 : f32
      %broadcast_in_dim3A_1091 = vector.broadcast %jit3A_1089 : f32 to vector<512x512xf32>
      %broadcast_in_dim3A_1092 = vector.broadcast %jit3A_1090 : f32 to vector<512x512xf32>
      %select_n3A_1093 = arith.select %gt3A_1088, %broadcast_in_dim3A_1091, %broadcast_in_dim3A_1092 : vector<512x512xi1>, vector<512x512xf32>
      %dot_general3A_1094 = arith.constant dense<0.000000e+00> : vector<1x512xf32>
      %dot_general3A_1095 = tpu.matmul %while3A_482#0, %select_n3A_1093, %dot_general3A_1094 {dimension_numbers = #tpu.dot_dimension_numbers<[1], [0], [0], [1], [0, 0, 1, 1], [], []>, transpose_lhs_hint = false} : vector<1x512xf32>, vector<512x512xf32>, vector<1x512xf32> -> vector<1x512xf32>
      %get3A_1096 = arith.index_cast %scan3A_1041 : i32 to index
      %get3A_1097 = arith.constant 0 : index
      %get3A_1098 = vector.load %arg6[%get3A_1096, %get3A_1097] : memref<10x512xf32, #tpu.memory_space<vmem>>, vector<1x512xf32>
      %lt3A_1099 = arith.constant 5.000000e-01 : f32
      %lt3A_1100 = vector.broadcast %lt3A_1099 : f32 to vector<1x512xf32>
      %lt3A_1101 = arith.cmpf olt, %dot_general3A_1095, %lt3A_1100 : vector<1x512xf32>
      %jit3A_1102 = arith.constant 1.000000e+00 : f32
      %jit3A_1103 = arith.constant 0.000000e+00 : f32
      %broadcast_in_dim3A_1104 = vector.broadcast %jit3A_1102 : f32 to vector<1x512xf32>
      %broadcast_in_dim3A_1105 = vector.broadcast %jit3A_1103 : f32 to vector<1x512xf32>
      %select_n3A_1106 = arith.select %lt3A_1101, %broadcast_in_dim3A_1104, %broadcast_in_dim3A_1105 : vector<1x512xi1>, vector<1x512xf32>
      %mul3A_1107 = arith.mulf %get3A_1098, %select_n3A_1106 : vector<1x512xf32>
      %swap3A_1108 = arith.index_cast %scan3A_1041 : i32 to index
      %swap3A_1109 = arith.constant 0 : index
      %swap3A_1110 = vector.load %arg6[%swap3A_1108, %swap3A_1109] : memref<10x512xf32, #tpu.memory_space<vmem>>, vector<1x512xf32>
      tpu.vector_store %arg6[%swap3A_1108, %swap3A_1109], %mul3A_1107 {strides = array<i32>} : memref<10x512xf32, #tpu.memory_space<vmem>>, vector<1x512xf32>,
    }
    %scan3A_490 = arith.constant 5 : i32
    %get3A_491 = arith.constant 5 : index
    %get3A_492 = arith.constant 0 : index
    %get3A_493 = vector.load %arg0[%get3A_491, %get3A_492] : memref<10x512xf32, #tpu.memory_space<vmem>>, vector<1x512xf32>
    %dot_general3A_494 = arith.constant dense<0.000000e+00> : vector<512x1xf32>
    %dot_general3A_495 = tpu.matmul %select_n3A_15, %get3A_493, %dot_general3A_494 {dimension_numbers = #tpu.dot_dimension_numbers<[1], [1], [0], [0], [0, 0, 1, 0], [], []>, precision = #tpu.contract_precision<fp32>, transpose_lhs_hint = false} : vector<512x512xf32>, vector<1x512xf32>, vector<512x1xf32> -> vector<512x1xf32>
    %get3A_496 = arith.constant 5 : index
    %get3A_497 = arith.constant 0 : index
    %get3A_498 = vector.load %arg1[%get3A_496, %get3A_497] : memref<10x512xf32, #tpu.memory_space<vmem>>, vector<1x512xf32>
    %dot_general3A_499 = arith.constant dense<0.000000e+00> : vector<512x1xf32>
    %dot_general3A_500 = tpu.matmul %select_n3A_15, %get3A_498, %dot_general3A_499 {dimension_numbers = #tpu.dot_dimension_numbers<[1], [1], [0], [0], [0, 0, 1, 0], [], []>, precision = #tpu.contract_precision<fp32>, transpose_lhs_hint = false} : vector<512x512xf32>, vector<1x512xf32>, vector<512x1xf32> -> vector<512x1xf32>
    %get3A_501 = arith.constant 5 : index
    %get3A_502 = arith.constant 0 : index
    %get3A_503 = vector.load %arg2[%get3A_501, %get3A_502] : memref<10x512xf32, #tpu.memory_space<vmem>>, vector<1x512xf32>
    %dot_general3A_504 = arith.constant dense<0.000000e+00> : vector<512x1xf32>
    %dot_general3A_505 = tpu.matmul %select_n3A_15, %get3A_503, %dot_general3A_504 {dimension_numbers = #tpu.dot_dimension_numbers<[1], [1], [0], [0], [0, 0, 1, 0], [], []>, precision = #tpu.contract_precision<fp32>, transpose_lhs_hint = false} : vector<512x512xf32>, vector<1x512xf32>, vector<512x1xf32> -> vector<512x1xf32>
    %get3A_506 = arith.constant 5 : index
    %get3A_507 = arith.constant 0 : index
    %get3A_508 = vector.load %arg3[%get3A_506, %get3A_507] : memref<10x512xf32, #tpu.memory_space<vmem>>, vector<1x512xf32>
    %dot_general3A_509 = arith.constant dense<0.000000e+00> : vector<512x1xf32>
    %dot_general3A_510 = tpu.matmul %select_n3A_15, %get3A_508, %dot_general3A_509 {dimension_numbers = #tpu.dot_dimension_numbers<[1], [1], [0], [0], [0, 0, 1, 0], [], []>, precision = #tpu.contract_precision<fp32>, transpose_lhs_hint = false} : vector<512x512xf32>, vector<1x512xf32>, vector<512x1xf32> -> vector<512x1xf32>
    %get3A_511 = arith.constant 5 : index
    %get3A_512 = arith.constant 0 : index
    %get3A_513 = vector.load %arg4[%get3A_511, %get3A_512] : memref<10x512xf32, #tpu.memory_space<vmem>>, vector<1x512xf32>
    %dot_general3A_514 = arith.constant dense<0.000000e+00> : vector<512x1xf32>
    %dot_general3A_515 = tpu.matmul %select_n3A_15, %get3A_513, %dot_general3A_514 {dimension_numbers = #tpu.dot_dimension_numbers<[1], [1], [0], [0], [0, 0, 1, 0], [], []>, precision = #tpu.contract_precision<fp32>, transpose_lhs_hint = false} : vector<512x512xf32>, vector<1x512xf32>, vector<512x1xf32> -> vector<512x1xf32>
    %get3A_516 = arith.constant 5 : index
    %get3A_517 = arith.constant 0 : index
    %get3A_518 = vector.load %arg0[%get3A_516, %get3A_517] : memref<10x512xf32, #tpu.memory_space<vmem>>, vector<1x512xf32>
    %get3A_519 = arith.constant 5 : index
    %get3A_520 = arith.constant 0 : index
    %get3A_521 = vector.load %arg1[%get3A_519, %get3A_520] : memref<10x512xf32, #tpu.memory_space<vmem>>, vector<1x512xf32>
    %get3A_522 = arith.constant 5 : index
    %get3A_523 = arith.constant 0 : index
    %get3A_524 = vector.load %arg2[%get3A_522, %get3A_523] : memref<10x512xf32, #tpu.memory_space<vmem>>, vector<1x512xf32>
    %get3A_525 = arith.constant 5 : index
    %get3A_526 = arith.constant 0 : index
    %get3A_527 = vector.load %arg3[%get3A_525, %get3A_526] : memref<10x512xf32, #tpu.memory_space<vmem>>, vector<1x512xf32>
    %get3A_528 = arith.constant 5 : index
    %get3A_529 = arith.constant 0 : index
    %get3A_530 = vector.load %arg4[%get3A_528, %get3A_529] : memref<10x512xf32, #tpu.memory_space<vmem>>, vector<1x512xf32>
    %max3A_531 = vector.broadcast %dot_general3A_495 : vector<512x1xf32> to vector<512x512xf32>
    %max3A_532 = vector.broadcast %get3A_518 : vector<1x512xf32> to vector<512x512xf32>
    %max3A_533 = arith.maximumf %max3A_531, %max3A_532 : vector<512x512xf32>
    %max3A_534 = vector.broadcast %dot_general3A_500 : vector<512x1xf32> to vector<512x512xf32>
    %max3A_535 = vector.broadcast %get3A_521 : vector<1x512xf32> to vector<512x512xf32>
    %max3A_536 = arith.maximumf %max3A_534, %max3A_535 : vector<512x512xf32>
    %min3A_537 = vector.broadcast %dot_general3A_505 : vector<512x1xf32> to vector<512x512xf32>
    %min3A_538 = vector.broadcast %get3A_524 : vector<1x512xf32> to vector<512x512xf32>
    %min3A_539 = arith.minimumf %min3A_537, %min3A_538 : vector<512x512xf32>
    %min3A_540 = vector.broadcast %dot_general3A_510 : vector<512x1xf32> to vector<512x512xf32>
    %min3A_541 = vector.broadcast %get3A_527 : vector<1x512xf32> to vector<512x512xf32>
    %min3A_542 = arith.minimumf %min3A_540, %min3A_541 : vector<512x512xf32>
    %sub3A_543 = arith.subf %min3A_539, %max3A_533 : vector<512x512xf32>
    %max3A_544 = arith.constant 0.000000e+00 : f32
    %max3A_545 = vector.broadcast %max3A_544 : f32 to vector<512x512xf32>
    %max3A_546 = arith.maximumf %sub3A_543, %max3A_545 : vector<512x512xf32>
    %sub3A_547 = arith.subf %min3A_542, %max3A_536 : vector<512x512xf32>
    %max3A_548 = arith.constant 0.000000e+00 : f32
    %max3A_549 = vector.broadcast %max3A_548 : f32 to vector<512x512xf32>
    %max3A_550 = arith.maximumf %sub3A_547, %max3A_549 : vector<512x512xf32>
    %mul3A_551 = arith.mulf %max3A_546, %max3A_550 : vector<512x512xf32>
    %add3A_552 = vector.broadcast %dot_general3A_515 : vector<512x1xf32> to vector<512x512xf32>
    %add3A_553 = vector.broadcast %get3A_530 : vector<1x512xf32> to vector<512x512xf32>
    %add3A_554 = arith.addf %add3A_552, %add3A_553 : vector<512x512xf32>
    %sub3A_555 = arith.subf %add3A_554, %mul3A_551 : vector<512x512xf32>
    %add3A_556 = arith.constant 9.99999971E-10 : f32
    %add3A_557 = vector.broadcast %add3A_556 : f32 to vector<512x512xf32>
    %add3A_558 = arith.addf %sub3A_555, %add3A_557 : vector<512x512xf32>
    %div3A_559 = arith.divf %mul3A_551, %add3A_558 : vector<512x512xf32>
    %iota3A_560 = tpu.iota {dimensions = array<i32: 0>} : vector<512x512xi32>
    %iota3A_561 = tpu.iota {dimensions = array<i32: 1>} : vector<512x512xi32>
    %lt3A_562 = arith.cmpi slt, %iota3A_560, %iota3A_561 : vector<512x512xi32>
    %gt3A_563 = arith.constant 5.000000e-01 : f32
    %gt3A_564 = vector.broadcast %gt3A_563 : f32 to vector<512x512xf32>
    %gt3A_565 = arith.cmpf ogt, %div3A_559, %gt3A_564 : vector<512x512xf32>
    %and3A_566 = arith.andi %gt3A_565, %lt3A_562 : vector<512x512xi1>
    %jit3A_567 = arith.constant 1.000000e+00 : f32
    %jit3A_568 = arith.constant 0.000000e+00 : f32
    %broadcast_in_dim3A_569 = vector.broadcast %jit3A_567 : f32 to vector<512x512xf32>
    %broadcast_in_dim3A_570 = vector.broadcast %jit3A_568 : f32 to vector<512x512xf32>
    %select_n3A_571 = arith.select %and3A_566, %broadcast_in_dim3A_569, %broadcast_in_dim3A_570 : vector<512x512xi1>, vector<512x512xf32>
    %swap3A_572 = arith.constant 0 : index
    %swap3A_573 = arith.constant 0 : index
    %swap3A_574 = vector.load %arg7[%swap3A_572, %swap3A_573] : memref<512x512xf32, #tpu.memory_space<vmem>>, vector<512x512xf32>
    tpu.vector_store %arg7[%swap3A_572, %swap3A_573], %select_n3A_571 {strides = array<i32>} : memref<512x512xf32, #tpu.memory_space<vmem>>, vector<512x512xf32>,
    %get3A_575 = arith.constant 5 : index
    %get3A_576 = arith.constant 0 : index
    %get3A_577 = vector.load %arg6[%get3A_575, %get3A_576] : memref<10x512xf32, #tpu.memory_space<vmem>>, vector<1x512xf32>
    %while3A_578 = arith.constant true
    %while3A_579:2 = scf.while (%while3A_1041 = %get3A_577, %while3A_1042 = %while3A_578) : (vector<1x512xf32>, i1) -> (vector<1x512xf32>, i1) {
      scf.condition(%while3A_1042) %while3A_1041, %while3A_1042 : vector<1x512xf32>, i1
    } do {
    ^bb0(%while3A_1041: vector<1x512xf32>, %while3A_1042: i1):
      %get3A_1043 = arith.constant 0 : index
      %get3A_1044 = arith.constant 0 : index
      %get3A_1045 = vector.load %arg7[%get3A_1043, %get3A_1044] : memref<512x512xf32, #tpu.memory_space<vmem>>, vector<512x512xf32>
      %dot_general3A_1046 = arith.constant dense<0.000000e+00> : vector<1x512xf32>
      %dot_general3A_1047 = tpu.matmul %while3A_1041, %get3A_1045, %dot_general3A_1046 {dimension_numbers = #tpu.dot_dimension_numbers<[1], [0], [0], [1], [0, 0, 1, 1], [], []>, transpose_lhs_hint = false} : vector<1x512xf32>, vector<512x512xf32>, vector<1x512xf32> -> vector<1x512xf32>
      %lt3A_1048 = arith.constant 5.000000e-01 : f32
      %lt3A_1049 = vector.broadcast %lt3A_1048 : f32 to vector<1x512xf32>
      %lt3A_1050 = arith.cmpf olt, %dot_general3A_1047, %lt3A_1049 : vector<1x512xf32>
      %jit3A_1051 = arith.constant 1.000000e+00 : f32
      %jit3A_1052 = arith.constant 0.000000e+00 : f32
      %broadcast_in_dim3A_1053 = vector.broadcast %jit3A_1051 : f32 to vector<1x512xf32>
      %broadcast_in_dim3A_1054 = vector.broadcast %jit3A_1052 : f32 to vector<1x512xf32>
      %select_n3A_1055 = arith.select %lt3A_1050, %broadcast_in_dim3A_1053, %broadcast_in_dim3A_1054 : vector<1x512xi1>, vector<1x512xf32>
      %mul3A_1056 = arith.mulf %get3A_577, %select_n3A_1055 : vector<1x512xf32>
      %get3A_1057 = arith.constant 0 : index
      %get3A_1058 = arith.constant 0 : index
      %get3A_1059 = vector.load %arg7[%get3A_1057, %get3A_1058] : memref<512x512xf32, #tpu.memory_space<vmem>>, vector<512x512xf32>
      %dot_general3A_1060 = arith.constant dense<0.000000e+00> : vector<1x512xf32>
      %dot_general3A_1061 = tpu.matmul %mul3A_1056, %get3A_1059, %dot_general3A_1060 {dimension_numbers = #tpu.dot_dimension_numbers<[1], [0], [0], [1], [0, 0, 1, 1], [], []>, transpose_lhs_hint = false} : vector<1x512xf32>, vector<512x512xf32>, vector<1x512xf32> -> vector<1x512xf32>
      %lt3A_1062 = arith.constant 5.000000e-01 : f32
      %lt3A_1063 = vector.broadcast %lt3A_1062 : f32 to vector<1x512xf32>
      %lt3A_1064 = arith.cmpf olt, %dot_general3A_1061, %lt3A_1063 : vector<1x512xf32>
      %jit3A_1065 = arith.constant 1.000000e+00 : f32
      %jit3A_1066 = arith.constant 0.000000e+00 : f32
      %broadcast_in_dim3A_1067 = vector.broadcast %jit3A_1065 : f32 to vector<1x512xf32>
      %broadcast_in_dim3A_1068 = vector.broadcast %jit3A_1066 : f32 to vector<1x512xf32>
      %select_n3A_1069 = arith.select %lt3A_1064, %broadcast_in_dim3A_1067, %broadcast_in_dim3A_1068 : vector<1x512xi1>, vector<1x512xf32>
      %mul3A_1070 = arith.mulf %get3A_577, %select_n3A_1069 : vector<1x512xf32>
      %ne3A = arith.cmpf one, %mul3A_1070, %mul3A_1056 : vector<1x512xf32>
      %reduce_or3A = arith.constant 1.000000e+00 : f32
      %reduce_or3A_1071 = arith.constant 0.000000e+00 : f32
      %reduce_or3A_1072 = vector.broadcast %reduce_or3A : f32 to vector<1x512xf32>
      %reduce_or3A_1073 = vector.broadcast %reduce_or3A_1071 : f32 to vector<1x512xf32>
      %reduce_or3A_1074 = arith.select %ne3A, %reduce_or3A_1072, %reduce_or3A_1073 : vector<1x512xi1>, vector<1x512xf32>
      %reduce_or3A_1075 = vector.shape_cast %reduce_or3A_1074 : vector<1x512xf32> to vector<1x1x512xf32>
      %reduce_or3A_1076 = arith.constant dense<0xFF800000> : vector<1xf32>
      %reduce_or3A_1077 = vector.multi_reduction <maximumf>, %reduce_or3A_1075, %reduce_or3A_1076 [1, 2] : vector<1x1x512xf32> to vector<1xf32>
      %reduce_or3A_1078 = vector.shape_cast %reduce_or3A_1077 : vector<1xf32> to vector<1x1x1xf32>
      %reduce_or3A_1079 = vector.extract %reduce_or3A_1078[0, 0, 0] : f32 from vector<1x1x1xf32>
      %reduce_or3A_1080 = arith.constant 0.000000e+00 : f32
      %reduce_or3A_1081 = arith.cmpf ogt, %reduce_or3A_1079, %reduce_or3A_1080 : f32
      scf.yield %mul3A_1070, %reduce_or3A_1081 : vector<1x512xf32>, i1
    }
    %swap3A_580 = arith.constant 5 : index
    %swap3A_581 = arith.constant 0 : index
    %swap3A_582 = vector.load %arg5[%swap3A_580, %swap3A_581] : memref<10x512xf32, #tpu.memory_space<vmem>>, vector<1x512xf32>
    tpu.vector_store %arg5[%swap3A_580, %swap3A_581], %while3A_579#0 {strides = array<i32>} : memref<10x512xf32, #tpu.memory_space<vmem>>, vector<1x512xf32>,
    %scan3A_583 = arith.constant 6 : i32
    %scan3A_584 = arith.constant 4 : i32
    %scan3A_585 = arith.addi %scan3A_583, %scan3A_584 : i32
    %scan3A_586 = arith.constant 1 : i32
    scf.for %scan3A_1041 = %scan3A_583 to %scan3A_585 step %scan3A_586  : i32 {
      %get3A_1042 = arith.index_cast %scan3A_1041 : i32 to index
      %get3A_1043 = arith.constant 0 : index
      %get3A_1044 = vector.load %arg0[%get3A_1042, %get3A_1043] : memref<10x512xf32, #tpu.memory_space<vmem>>, vector<1x512xf32>
      %get3A_1045 = arith.index_cast %scan3A_1041 : i32 to index
      %get3A_1046 = arith.constant 0 : index
      %get3A_1047 = vector.load %arg1[%get3A_1045, %get3A_1046] : memref<10x512xf32, #tpu.memory_space<vmem>>, vector<1x512xf32>
      %get3A_1048 = arith.index_cast %scan3A_1041 : i32 to index
      %get3A_1049 = arith.constant 0 : index
      %get3A_1050 = vector.load %arg2[%get3A_1048, %get3A_1049] : memref<10x512xf32, #tpu.memory_space<vmem>>, vector<1x512xf32>
      %get3A_1051 = arith.index_cast %scan3A_1041 : i32 to index
      %get3A_1052 = arith.constant 0 : index
      %get3A_1053 = vector.load %arg3[%get3A_1051, %get3A_1052] : memref<10x512xf32, #tpu.memory_space<vmem>>, vector<1x512xf32>
      %get3A_1054 = arith.index_cast %scan3A_1041 : i32 to index
      %get3A_1055 = arith.constant 0 : index
      %get3A_1056 = vector.load %arg4[%get3A_1054, %get3A_1055] : memref<10x512xf32, #tpu.memory_space<vmem>>, vector<1x512xf32>
      %max3A_1057 = vector.broadcast %dot_general3A_495 : vector<512x1xf32> to vector<512x512xf32>
      %max3A_1058 = vector.broadcast %get3A_1044 : vector<1x512xf32> to vector<512x512xf32>
      %max3A_1059 = arith.maximumf %max3A_1057, %max3A_1058 : vector<512x512xf32>
      %max3A_1060 = vector.broadcast %dot_general3A_500 : vector<512x1xf32> to vector<512x512xf32>
      %max3A_1061 = vector.broadcast %get3A_1047 : vector<1x512xf32> to vector<512x512xf32>
      %max3A_1062 = arith.maximumf %max3A_1060, %max3A_1061 : vector<512x512xf32>
      %min3A_1063 = vector.broadcast %dot_general3A_505 : vector<512x1xf32> to vector<512x512xf32>
      %min3A_1064 = vector.broadcast %get3A_1050 : vector<1x512xf32> to vector<512x512xf32>
      %min3A_1065 = arith.minimumf %min3A_1063, %min3A_1064 : vector<512x512xf32>
      %min3A_1066 = vector.broadcast %dot_general3A_510 : vector<512x1xf32> to vector<512x512xf32>
      %min3A_1067 = vector.broadcast %get3A_1053 : vector<1x512xf32> to vector<512x512xf32>
      %min3A_1068 = arith.minimumf %min3A_1066, %min3A_1067 : vector<512x512xf32>
      %sub3A_1069 = arith.subf %min3A_1065, %max3A_1059 : vector<512x512xf32>
      %max3A_1070 = arith.constant 0.000000e+00 : f32
      %max3A_1071 = vector.broadcast %max3A_1070 : f32 to vector<512x512xf32>
      %max3A_1072 = arith.maximumf %sub3A_1069, %max3A_1071 : vector<512x512xf32>
      %sub3A_1073 = arith.subf %min3A_1068, %max3A_1062 : vector<512x512xf32>
      %max3A_1074 = arith.constant 0.000000e+00 : f32
      %max3A_1075 = vector.broadcast %max3A_1074 : f32 to vector<512x512xf32>
      %max3A_1076 = arith.maximumf %sub3A_1073, %max3A_1075 : vector<512x512xf32>
      %mul3A_1077 = arith.mulf %max3A_1072, %max3A_1076 : vector<512x512xf32>
      %add3A_1078 = vector.broadcast %dot_general3A_515 : vector<512x1xf32> to vector<512x512xf32>
      %add3A_1079 = vector.broadcast %get3A_1056 : vector<1x512xf32> to vector<512x512xf32>
      %add3A_1080 = arith.addf %add3A_1078, %add3A_1079 : vector<512x512xf32>
      %sub3A_1081 = arith.subf %add3A_1080, %mul3A_1077 : vector<512x512xf32>
      %add3A_1082 = arith.constant 9.99999971E-10 : f32
      %add3A_1083 = vector.broadcast %add3A_1082 : f32 to vector<512x512xf32>
      %add3A_1084 = arith.addf %sub3A_1081, %add3A_1083 : vector<512x512xf32>
      %div3A_1085 = arith.divf %mul3A_1077, %add3A_1084 : vector<512x512xf32>
      %gt3A_1086 = arith.constant 5.000000e-01 : f32
      %gt3A_1087 = vector.broadcast %gt3A_1086 : f32 to vector<512x512xf32>
      %gt3A_1088 = arith.cmpf ogt, %div3A_1085, %gt3A_1087 : vector<512x512xf32>
      %jit3A_1089 = arith.constant 1.000000e+00 : f32
      %jit3A_1090 = arith.constant 0.000000e+00 : f32
      %broadcast_in_dim3A_1091 = vector.broadcast %jit3A_1089 : f32 to vector<512x512xf32>
      %broadcast_in_dim3A_1092 = vector.broadcast %jit3A_1090 : f32 to vector<512x512xf32>
      %select_n3A_1093 = arith.select %gt3A_1088, %broadcast_in_dim3A_1091, %broadcast_in_dim3A_1092 : vector<512x512xi1>, vector<512x512xf32>
      %dot_general3A_1094 = arith.constant dense<0.000000e+00> : vector<1x512xf32>
      %dot_general3A_1095 = tpu.matmul %while3A_579#0, %select_n3A_1093, %dot_general3A_1094 {dimension_numbers = #tpu.dot_dimension_numbers<[1], [0], [0], [1], [0, 0, 1, 1], [], []>, transpose_lhs_hint = false} : vector<1x512xf32>, vector<512x512xf32>, vector<1x512xf32> -> vector<1x512xf32>
      %get3A_1096 = arith.index_cast %scan3A_1041 : i32 to index
      %get3A_1097 = arith.constant 0 : index
      %get3A_1098 = vector.load %arg6[%get3A_1096, %get3A_1097] : memref<10x512xf32, #tpu.memory_space<vmem>>, vector<1x512xf32>
      %lt3A_1099 = arith.constant 5.000000e-01 : f32
      %lt3A_1100 = vector.broadcast %lt3A_1099 : f32 to vector<1x512xf32>
      %lt3A_1101 = arith.cmpf olt, %dot_general3A_1095, %lt3A_1100 : vector<1x512xf32>
      %jit3A_1102 = arith.constant 1.000000e+00 : f32
      %jit3A_1103 = arith.constant 0.000000e+00 : f32
      %broadcast_in_dim3A_1104 = vector.broadcast %jit3A_1102 : f32 to vector<1x512xf32>
      %broadcast_in_dim3A_1105 = vector.broadcast %jit3A_1103 : f32 to vector<1x512xf32>
      %select_n3A_1106 = arith.select %lt3A_1101, %broadcast_in_dim3A_1104, %broadcast_in_dim3A_1105 : vector<1x512xi1>, vector<1x512xf32>
      %mul3A_1107 = arith.mulf %get3A_1098, %select_n3A_1106 : vector<1x512xf32>
      %swap3A_1108 = arith.index_cast %scan3A_1041 : i32 to index
      %swap3A_1109 = arith.constant 0 : index
      %swap3A_1110 = vector.load %arg6[%swap3A_1108, %swap3A_1109] : memref<10x512xf32, #tpu.memory_space<vmem>>, vector<1x512xf32>
      tpu.vector_store %arg6[%swap3A_1108, %swap3A_1109], %mul3A_1107 {strides = array<i32>} : memref<10x512xf32, #tpu.memory_space<vmem>>, vector<1x512xf32>,
    }
    %scan3A_587 = arith.constant 4 : i32
    %get3A_588 = arith.constant 6 : index
    %get3A_589 = arith.constant 0 : index
    %get3A_590 = vector.load %arg0[%get3A_588, %get3A_589] : memref<10x512xf32, #tpu.memory_space<vmem>>, vector<1x512xf32>
    %dot_general3A_591 = arith.constant dense<0.000000e+00> : vector<512x1xf32>
    %dot_general3A_592 = tpu.matmul %select_n3A_15, %get3A_590, %dot_general3A_591 {dimension_numbers = #tpu.dot_dimension_numbers<[1], [1], [0], [0], [0, 0, 1, 0], [], []>, precision = #tpu.contract_precision<fp32>, transpose_lhs_hint = false} : vector<512x512xf32>, vector<1x512xf32>, vector<512x1xf32> -> vector<512x1xf32>
    %get3A_593 = arith.constant 6 : index
    %get3A_594 = arith.constant 0 : index
    %get3A_595 = vector.load %arg1[%get3A_593, %get3A_594] : memref<10x512xf32, #tpu.memory_space<vmem>>, vector<1x512xf32>
    %dot_general3A_596 = arith.constant dense<0.000000e+00> : vector<512x1xf32>
    %dot_general3A_597 = tpu.matmul %select_n3A_15, %get3A_595, %dot_general3A_596 {dimension_numbers = #tpu.dot_dimension_numbers<[1], [1], [0], [0], [0, 0, 1, 0], [], []>, precision = #tpu.contract_precision<fp32>, transpose_lhs_hint = false} : vector<512x512xf32>, vector<1x512xf32>, vector<512x1xf32> -> vector<512x1xf32>
    %get3A_598 = arith.constant 6 : index
    %get3A_599 = arith.constant 0 : index
    %get3A_600 = vector.load %arg2[%get3A_598, %get3A_599] : memref<10x512xf32, #tpu.memory_space<vmem>>, vector<1x512xf32>
    %dot_general3A_601 = arith.constant dense<0.000000e+00> : vector<512x1xf32>
    %dot_general3A_602 = tpu.matmul %select_n3A_15, %get3A_600, %dot_general3A_601 {dimension_numbers = #tpu.dot_dimension_numbers<[1], [1], [0], [0], [0, 0, 1, 0], [], []>, precision = #tpu.contract_precision<fp32>, transpose_lhs_hint = false} : vector<512x512xf32>, vector<1x512xf32>, vector<512x1xf32> -> vector<512x1xf32>
    %get3A_603 = arith.constant 6 : index
    %get3A_604 = arith.constant 0 : index
    %get3A_605 = vector.load %arg3[%get3A_603, %get3A_604] : memref<10x512xf32, #tpu.memory_space<vmem>>, vector<1x512xf32>
    %dot_general3A_606 = arith.constant dense<0.000000e+00> : vector<512x1xf32>
    %dot_general3A_607 = tpu.matmul %select_n3A_15, %get3A_605, %dot_general3A_606 {dimension_numbers = #tpu.dot_dimension_numbers<[1], [1], [0], [0], [0, 0, 1, 0], [], []>, precision = #tpu.contract_precision<fp32>, transpose_lhs_hint = false} : vector<512x512xf32>, vector<1x512xf32>, vector<512x1xf32> -> vector<512x1xf32>
    %get3A_608 = arith.constant 6 : index
    %get3A_609 = arith.constant 0 : index
    %get3A_610 = vector.load %arg4[%get3A_608, %get3A_609] : memref<10x512xf32, #tpu.memory_space<vmem>>, vector<1x512xf32>
    %dot_general3A_611 = arith.constant dense<0.000000e+00> : vector<512x1xf32>
    %dot_general3A_612 = tpu.matmul %select_n3A_15, %get3A_610, %dot_general3A_611 {dimension_numbers = #tpu.dot_dimension_numbers<[1], [1], [0], [0], [0, 0, 1, 0], [], []>, precision = #tpu.contract_precision<fp32>, transpose_lhs_hint = false} : vector<512x512xf32>, vector<1x512xf32>, vector<512x1xf32> -> vector<512x1xf32>
    %get3A_613 = arith.constant 6 : index
    %get3A_614 = arith.constant 0 : index
    %get3A_615 = vector.load %arg0[%get3A_613, %get3A_614] : memref<10x512xf32, #tpu.memory_space<vmem>>, vector<1x512xf32>
    %get3A_616 = arith.constant 6 : index
    %get3A_617 = arith.constant 0 : index
    %get3A_618 = vector.load %arg1[%get3A_616, %get3A_617] : memref<10x512xf32, #tpu.memory_space<vmem>>, vector<1x512xf32>
    %get3A_619 = arith.constant 6 : index
    %get3A_620 = arith.constant 0 : index
    %get3A_621 = vector.load %arg2[%get3A_619, %get3A_620] : memref<10x512xf32, #tpu.memory_space<vmem>>, vector<1x512xf32>
    %get3A_622 = arith.constant 6 : index
    %get3A_623 = arith.constant 0 : index
    %get3A_624 = vector.load %arg3[%get3A_622, %get3A_623] : memref<10x512xf32, #tpu.memory_space<vmem>>, vector<1x512xf32>
    %get3A_625 = arith.constant 6 : index
    %get3A_626 = arith.constant 0 : index
    %get3A_627 = vector.load %arg4[%get3A_625, %get3A_626] : memref<10x512xf32, #tpu.memory_space<vmem>>, vector<1x512xf32>
    %max3A_628 = vector.broadcast %dot_general3A_592 : vector<512x1xf32> to vector<512x512xf32>
    %max3A_629 = vector.broadcast %get3A_615 : vector<1x512xf32> to vector<512x512xf32>
    %max3A_630 = arith.maximumf %max3A_628, %max3A_629 : vector<512x512xf32>
    %max3A_631 = vector.broadcast %dot_general3A_597 : vector<512x1xf32> to vector<512x512xf32>
    %max3A_632 = vector.broadcast %get3A_618 : vector<1x512xf32> to vector<512x512xf32>
    %max3A_633 = arith.maximumf %max3A_631, %max3A_632 : vector<512x512xf32>
    %min3A_634 = vector.broadcast %dot_general3A_602 : vector<512x1xf32> to vector<512x512xf32>
    %min3A_635 = vector.broadcast %get3A_621 : vector<1x512xf32> to vector<512x512xf32>
    %min3A_636 = arith.minimumf %min3A_634, %min3A_635 : vector<512x512xf32>
    %min3A_637 = vector.broadcast %dot_general3A_607 : vector<512x1xf32> to vector<512x512xf32>
    %min3A_638 = vector.broadcast %get3A_624 : vector<1x512xf32> to vector<512x512xf32>
    %min3A_639 = arith.minimumf %min3A_637, %min3A_638 : vector<512x512xf32>
    %sub3A_640 = arith.subf %min3A_636, %max3A_630 : vector<512x512xf32>
    %max3A_641 = arith.constant 0.000000e+00 : f32
    %max3A_642 = vector.broadcast %max3A_641 : f32 to vector<512x512xf32>
    %max3A_643 = arith.maximumf %sub3A_640, %max3A_642 : vector<512x512xf32>
    %sub3A_644 = arith.subf %min3A_639, %max3A_633 : vector<512x512xf32>
    %max3A_645 = arith.constant 0.000000e+00 : f32
    %max3A_646 = vector.broadcast %max3A_645 : f32 to vector<512x512xf32>
    %max3A_647 = arith.maximumf %sub3A_644, %max3A_646 : vector<512x512xf32>
    %mul3A_648 = arith.mulf %max3A_643, %max3A_647 : vector<512x512xf32>
    %add3A_649 = vector.broadcast %dot_general3A_612 : vector<512x1xf32> to vector<512x512xf32>
    %add3A_650 = vector.broadcast %get3A_627 : vector<1x512xf32> to vector<512x512xf32>
    %add3A_651 = arith.addf %add3A_649, %add3A_650 : vector<512x512xf32>
    %sub3A_652 = arith.subf %add3A_651, %mul3A_648 : vector<512x512xf32>
    %add3A_653 = arith.constant 9.99999971E-10 : f32
    %add3A_654 = vector.broadcast %add3A_653 : f32 to vector<512x512xf32>
    %add3A_655 = arith.addf %sub3A_652, %add3A_654 : vector<512x512xf32>
    %div3A_656 = arith.divf %mul3A_648, %add3A_655 : vector<512x512xf32>
    %iota3A_657 = tpu.iota {dimensions = array<i32: 0>} : vector<512x512xi32>
    %iota3A_658 = tpu.iota {dimensions = array<i32: 1>} : vector<512x512xi32>
    %lt3A_659 = arith.cmpi slt, %iota3A_657, %iota3A_658 : vector<512x512xi32>
    %gt3A_660 = arith.constant 5.000000e-01 : f32
    %gt3A_661 = vector.broadcast %gt3A_660 : f32 to vector<512x512xf32>
    %gt3A_662 = arith.cmpf ogt, %div3A_656, %gt3A_661 : vector<512x512xf32>
    %and3A_663 = arith.andi %gt3A_662, %lt3A_659 : vector<512x512xi1>
    %jit3A_664 = arith.constant 1.000000e+00 : f32
    %jit3A_665 = arith.constant 0.000000e+00 : f32
    %broadcast_in_dim3A_666 = vector.broadcast %jit3A_664 : f32 to vector<512x512xf32>
    %broadcast_in_dim3A_667 = vector.broadcast %jit3A_665 : f32 to vector<512x512xf32>
    %select_n3A_668 = arith.select %and3A_663, %broadcast_in_dim3A_666, %broadcast_in_dim3A_667 : vector<512x512xi1>, vector<512x512xf32>
    %swap3A_669 = arith.constant 0 : index
    %swap3A_670 = arith.constant 0 : index
    %swap3A_671 = vector.load %arg7[%swap3A_669, %swap3A_670] : memref<512x512xf32, #tpu.memory_space<vmem>>, vector<512x512xf32>
    tpu.vector_store %arg7[%swap3A_669, %swap3A_670], %select_n3A_668 {strides = array<i32>} : memref<512x512xf32, #tpu.memory_space<vmem>>, vector<512x512xf32>,
    %get3A_672 = arith.constant 6 : index
    %get3A_673 = arith.constant 0 : index
    %get3A_674 = vector.load %arg6[%get3A_672, %get3A_673] : memref<10x512xf32, #tpu.memory_space<vmem>>, vector<1x512xf32>
    %while3A_675 = arith.constant true
    %while3A_676:2 = scf.while (%while3A_1041 = %get3A_674, %while3A_1042 = %while3A_675) : (vector<1x512xf32>, i1) -> (vector<1x512xf32>, i1) {
      scf.condition(%while3A_1042) %while3A_1041, %while3A_1042 : vector<1x512xf32>, i1
    } do {
    ^bb0(%while3A_1041: vector<1x512xf32>, %while3A_1042: i1):
      %get3A_1043 = arith.constant 0 : index
      %get3A_1044 = arith.constant 0 : index
      %get3A_1045 = vector.load %arg7[%get3A_1043, %get3A_1044] : memref<512x512xf32, #tpu.memory_space<vmem>>, vector<512x512xf32>
      %dot_general3A_1046 = arith.constant dense<0.000000e+00> : vector<1x512xf32>
      %dot_general3A_1047 = tpu.matmul %while3A_1041, %get3A_1045, %dot_general3A_1046 {dimension_numbers = #tpu.dot_dimension_numbers<[1], [0], [0], [1], [0, 0, 1, 1], [], []>, transpose_lhs_hint = false} : vector<1x512xf32>, vector<512x512xf32>, vector<1x512xf32> -> vector<1x512xf32>
      %lt3A_1048 = arith.constant 5.000000e-01 : f32
      %lt3A_1049 = vector.broadcast %lt3A_1048 : f32 to vector<1x512xf32>
      %lt3A_1050 = arith.cmpf olt, %dot_general3A_1047, %lt3A_1049 : vector<1x512xf32>
      %jit3A_1051 = arith.constant 1.000000e+00 : f32
      %jit3A_1052 = arith.constant 0.000000e+00 : f32
      %broadcast_in_dim3A_1053 = vector.broadcast %jit3A_1051 : f32 to vector<1x512xf32>
      %broadcast_in_dim3A_1054 = vector.broadcast %jit3A_1052 : f32 to vector<1x512xf32>
      %select_n3A_1055 = arith.select %lt3A_1050, %broadcast_in_dim3A_1053, %broadcast_in_dim3A_1054 : vector<1x512xi1>, vector<1x512xf32>
      %mul3A_1056 = arith.mulf %get3A_674, %select_n3A_1055 : vector<1x512xf32>
      %get3A_1057 = arith.constant 0 : index
      %get3A_1058 = arith.constant 0 : index
      %get3A_1059 = vector.load %arg7[%get3A_1057, %get3A_1058] : memref<512x512xf32, #tpu.memory_space<vmem>>, vector<512x512xf32>
      %dot_general3A_1060 = arith.constant dense<0.000000e+00> : vector<1x512xf32>
      %dot_general3A_1061 = tpu.matmul %mul3A_1056, %get3A_1059, %dot_general3A_1060 {dimension_numbers = #tpu.dot_dimension_numbers<[1], [0], [0], [1], [0, 0, 1, 1], [], []>, transpose_lhs_hint = false} : vector<1x512xf32>, vector<512x512xf32>, vector<1x512xf32> -> vector<1x512xf32>
      %lt3A_1062 = arith.constant 5.000000e-01 : f32
      %lt3A_1063 = vector.broadcast %lt3A_1062 : f32 to vector<1x512xf32>
      %lt3A_1064 = arith.cmpf olt, %dot_general3A_1061, %lt3A_1063 : vector<1x512xf32>
      %jit3A_1065 = arith.constant 1.000000e+00 : f32
      %jit3A_1066 = arith.constant 0.000000e+00 : f32
      %broadcast_in_dim3A_1067 = vector.broadcast %jit3A_1065 : f32 to vector<1x512xf32>
      %broadcast_in_dim3A_1068 = vector.broadcast %jit3A_1066 : f32 to vector<1x512xf32>
      %select_n3A_1069 = arith.select %lt3A_1064, %broadcast_in_dim3A_1067, %broadcast_in_dim3A_1068 : vector<1x512xi1>, vector<1x512xf32>
      %mul3A_1070 = arith.mulf %get3A_674, %select_n3A_1069 : vector<1x512xf32>
      %ne3A = arith.cmpf one, %mul3A_1070, %mul3A_1056 : vector<1x512xf32>
      %reduce_or3A = arith.constant 1.000000e+00 : f32
      %reduce_or3A_1071 = arith.constant 0.000000e+00 : f32
      %reduce_or3A_1072 = vector.broadcast %reduce_or3A : f32 to vector<1x512xf32>
      %reduce_or3A_1073 = vector.broadcast %reduce_or3A_1071 : f32 to vector<1x512xf32>
      %reduce_or3A_1074 = arith.select %ne3A, %reduce_or3A_1072, %reduce_or3A_1073 : vector<1x512xi1>, vector<1x512xf32>
      %reduce_or3A_1075 = vector.shape_cast %reduce_or3A_1074 : vector<1x512xf32> to vector<1x1x512xf32>
      %reduce_or3A_1076 = arith.constant dense<0xFF800000> : vector<1xf32>
      %reduce_or3A_1077 = vector.multi_reduction <maximumf>, %reduce_or3A_1075, %reduce_or3A_1076 [1, 2] : vector<1x1x512xf32> to vector<1xf32>
      %reduce_or3A_1078 = vector.shape_cast %reduce_or3A_1077 : vector<1xf32> to vector<1x1x1xf32>
      %reduce_or3A_1079 = vector.extract %reduce_or3A_1078[0, 0, 0] : f32 from vector<1x1x1xf32>
      %reduce_or3A_1080 = arith.constant 0.000000e+00 : f32
      %reduce_or3A_1081 = arith.cmpf ogt, %reduce_or3A_1079, %reduce_or3A_1080 : f32
      scf.yield %mul3A_1070, %reduce_or3A_1081 : vector<1x512xf32>, i1
    }
    %swap3A_677 = arith.constant 6 : index
    %swap3A_678 = arith.constant 0 : index
    %swap3A_679 = vector.load %arg5[%swap3A_677, %swap3A_678] : memref<10x512xf32, #tpu.memory_space<vmem>>, vector<1x512xf32>
    tpu.vector_store %arg5[%swap3A_677, %swap3A_678], %while3A_676#0 {strides = array<i32>} : memref<10x512xf32, #tpu.memory_space<vmem>>, vector<1x512xf32>,
    %scan3A_680 = arith.constant 7 : i32
    %scan3A_681 = arith.constant 3 : i32
    %scan3A_682 = arith.addi %scan3A_680, %scan3A_681 : i32
    %scan3A_683 = arith.constant 1 : i32
    scf.for %scan3A_1041 = %scan3A_680 to %scan3A_682 step %scan3A_683  : i32 {
      %get3A_1042 = arith.index_cast %scan3A_1041 : i32 to index
      %get3A_1043 = arith.constant 0 : index
      %get3A_1044 = vector.load %arg0[%get3A_1042, %get3A_1043] : memref<10x512xf32, #tpu.memory_space<vmem>>, vector<1x512xf32>
      %get3A_1045 = arith.index_cast %scan3A_1041 : i32 to index
      %get3A_1046 = arith.constant 0 : index
      %get3A_1047 = vector.load %arg1[%get3A_1045, %get3A_1046] : memref<10x512xf32, #tpu.memory_space<vmem>>, vector<1x512xf32>
      %get3A_1048 = arith.index_cast %scan3A_1041 : i32 to index
      %get3A_1049 = arith.constant 0 : index
      %get3A_1050 = vector.load %arg2[%get3A_1048, %get3A_1049] : memref<10x512xf32, #tpu.memory_space<vmem>>, vector<1x512xf32>
      %get3A_1051 = arith.index_cast %scan3A_1041 : i32 to index
      %get3A_1052 = arith.constant 0 : index
      %get3A_1053 = vector.load %arg3[%get3A_1051, %get3A_1052] : memref<10x512xf32, #tpu.memory_space<vmem>>, vector<1x512xf32>
      %get3A_1054 = arith.index_cast %scan3A_1041 : i32 to index
      %get3A_1055 = arith.constant 0 : index
      %get3A_1056 = vector.load %arg4[%get3A_1054, %get3A_1055] : memref<10x512xf32, #tpu.memory_space<vmem>>, vector<1x512xf32>
      %max3A_1057 = vector.broadcast %dot_general3A_592 : vector<512x1xf32> to vector<512x512xf32>
      %max3A_1058 = vector.broadcast %get3A_1044 : vector<1x512xf32> to vector<512x512xf32>
      %max3A_1059 = arith.maximumf %max3A_1057, %max3A_1058 : vector<512x512xf32>
      %max3A_1060 = vector.broadcast %dot_general3A_597 : vector<512x1xf32> to vector<512x512xf32>
      %max3A_1061 = vector.broadcast %get3A_1047 : vector<1x512xf32> to vector<512x512xf32>
      %max3A_1062 = arith.maximumf %max3A_1060, %max3A_1061 : vector<512x512xf32>
      %min3A_1063 = vector.broadcast %dot_general3A_602 : vector<512x1xf32> to vector<512x512xf32>
      %min3A_1064 = vector.broadcast %get3A_1050 : vector<1x512xf32> to vector<512x512xf32>
      %min3A_1065 = arith.minimumf %min3A_1063, %min3A_1064 : vector<512x512xf32>
      %min3A_1066 = vector.broadcast %dot_general3A_607 : vector<512x1xf32> to vector<512x512xf32>
      %min3A_1067 = vector.broadcast %get3A_1053 : vector<1x512xf32> to vector<512x512xf32>
      %min3A_1068 = arith.minimumf %min3A_1066, %min3A_1067 : vector<512x512xf32>
      %sub3A_1069 = arith.subf %min3A_1065, %max3A_1059 : vector<512x512xf32>
      %max3A_1070 = arith.constant 0.000000e+00 : f32
      %max3A_1071 = vector.broadcast %max3A_1070 : f32 to vector<512x512xf32>
      %max3A_1072 = arith.maximumf %sub3A_1069, %max3A_1071 : vector<512x512xf32>
      %sub3A_1073 = arith.subf %min3A_1068, %max3A_1062 : vector<512x512xf32>
      %max3A_1074 = arith.constant 0.000000e+00 : f32
      %max3A_1075 = vector.broadcast %max3A_1074 : f32 to vector<512x512xf32>
      %max3A_1076 = arith.maximumf %sub3A_1073, %max3A_1075 : vector<512x512xf32>
      %mul3A_1077 = arith.mulf %max3A_1072, %max3A_1076 : vector<512x512xf32>
      %add3A_1078 = vector.broadcast %dot_general3A_612 : vector<512x1xf32> to vector<512x512xf32>
      %add3A_1079 = vector.broadcast %get3A_1056 : vector<1x512xf32> to vector<512x512xf32>
      %add3A_1080 = arith.addf %add3A_1078, %add3A_1079 : vector<512x512xf32>
      %sub3A_1081 = arith.subf %add3A_1080, %mul3A_1077 : vector<512x512xf32>
      %add3A_1082 = arith.constant 9.99999971E-10 : f32
      %add3A_1083 = vector.broadcast %add3A_1082 : f32 to vector<512x512xf32>
      %add3A_1084 = arith.addf %sub3A_1081, %add3A_1083 : vector<512x512xf32>
      %div3A_1085 = arith.divf %mul3A_1077, %add3A_1084 : vector<512x512xf32>
      %gt3A_1086 = arith.constant 5.000000e-01 : f32
      %gt3A_1087 = vector.broadcast %gt3A_1086 : f32 to vector<512x512xf32>
      %gt3A_1088 = arith.cmpf ogt, %div3A_1085, %gt3A_1087 : vector<512x512xf32>
      %jit3A_1089 = arith.constant 1.000000e+00 : f32
      %jit3A_1090 = arith.constant 0.000000e+00 : f32
      %broadcast_in_dim3A_1091 = vector.broadcast %jit3A_1089 : f32 to vector<512x512xf32>
      %broadcast_in_dim3A_1092 = vector.broadcast %jit3A_1090 : f32 to vector<512x512xf32>
      %select_n3A_1093 = arith.select %gt3A_1088, %broadcast_in_dim3A_1091, %broadcast_in_dim3A_1092 : vector<512x512xi1>, vector<512x512xf32>
      %dot_general3A_1094 = arith.constant dense<0.000000e+00> : vector<1x512xf32>
      %dot_general3A_1095 = tpu.matmul %while3A_676#0, %select_n3A_1093, %dot_general3A_1094 {dimension_numbers = #tpu.dot_dimension_numbers<[1], [0], [0], [1], [0, 0, 1, 1], [], []>, transpose_lhs_hint = false} : vector<1x512xf32>, vector<512x512xf32>, vector<1x512xf32> -> vector<1x512xf32>
      %get3A_1096 = arith.index_cast %scan3A_1041 : i32 to index
      %get3A_1097 = arith.constant 0 : index
      %get3A_1098 = vector.load %arg6[%get3A_1096, %get3A_1097] : memref<10x512xf32, #tpu.memory_space<vmem>>, vector<1x512xf32>
      %lt3A_1099 = arith.constant 5.000000e-01 : f32
      %lt3A_1100 = vector.broadcast %lt3A_1099 : f32 to vector<1x512xf32>
      %lt3A_1101 = arith.cmpf olt, %dot_general3A_1095, %lt3A_1100 : vector<1x512xf32>
      %jit3A_1102 = arith.constant 1.000000e+00 : f32
      %jit3A_1103 = arith.constant 0.000000e+00 : f32
      %broadcast_in_dim3A_1104 = vector.broadcast %jit3A_1102 : f32 to vector<1x512xf32>
      %broadcast_in_dim3A_1105 = vector.broadcast %jit3A_1103 : f32 to vector<1x512xf32>
      %select_n3A_1106 = arith.select %lt3A_1101, %broadcast_in_dim3A_1104, %broadcast_in_dim3A_1105 : vector<1x512xi1>, vector<1x512xf32>
      %mul3A_1107 = arith.mulf %get3A_1098, %select_n3A_1106 : vector<1x512xf32>
      %swap3A_1108 = arith.index_cast %scan3A_1041 : i32 to index
      %swap3A_1109 = arith.constant 0 : index
      %swap3A_1110 = vector.load %arg6[%swap3A_1108, %swap3A_1109] : memref<10x512xf32, #tpu.memory_space<vmem>>, vector<1x512xf32>
      tpu.vector_store %arg6[%swap3A_1108, %swap3A_1109], %mul3A_1107 {strides = array<i32>} : memref<10x512xf32, #tpu.memory_space<vmem>>, vector<1x512xf32>,
    }
    %scan3A_684 = arith.constant 3 : i32
    %get3A_685 = arith.constant 7 : index
    %get3A_686 = arith.constant 0 : index
    %get3A_687 = vector.load %arg0[%get3A_685, %get3A_686] : memref<10x512xf32, #tpu.memory_space<vmem>>, vector<1x512xf32>
    %dot_general3A_688 = arith.constant dense<0.000000e+00> : vector<512x1xf32>
    %dot_general3A_689 = tpu.matmul %select_n3A_15, %get3A_687, %dot_general3A_688 {dimension_numbers = #tpu.dot_dimension_numbers<[1], [1], [0], [0], [0, 0, 1, 0], [], []>, precision = #tpu.contract_precision<fp32>, transpose_lhs_hint = false} : vector<512x512xf32>, vector<1x512xf32>, vector<512x1xf32> -> vector<512x1xf32>
    %get3A_690 = arith.constant 7 : index
    %get3A_691 = arith.constant 0 : index
    %get3A_692 = vector.load %arg1[%get3A_690, %get3A_691] : memref<10x512xf32, #tpu.memory_space<vmem>>, vector<1x512xf32>
    %dot_general3A_693 = arith.constant dense<0.000000e+00> : vector<512x1xf32>
    %dot_general3A_694 = tpu.matmul %select_n3A_15, %get3A_692, %dot_general3A_693 {dimension_numbers = #tpu.dot_dimension_numbers<[1], [1], [0], [0], [0, 0, 1, 0], [], []>, precision = #tpu.contract_precision<fp32>, transpose_lhs_hint = false} : vector<512x512xf32>, vector<1x512xf32>, vector<512x1xf32> -> vector<512x1xf32>
    %get3A_695 = arith.constant 7 : index
    %get3A_696 = arith.constant 0 : index
    %get3A_697 = vector.load %arg2[%get3A_695, %get3A_696] : memref<10x512xf32, #tpu.memory_space<vmem>>, vector<1x512xf32>
    %dot_general3A_698 = arith.constant dense<0.000000e+00> : vector<512x1xf32>
    %dot_general3A_699 = tpu.matmul %select_n3A_15, %get3A_697, %dot_general3A_698 {dimension_numbers = #tpu.dot_dimension_numbers<[1], [1], [0], [0], [0, 0, 1, 0], [], []>, precision = #tpu.contract_precision<fp32>, transpose_lhs_hint = false} : vector<512x512xf32>, vector<1x512xf32>, vector<512x1xf32> -> vector<512x1xf32>
    %get3A_700 = arith.constant 7 : index
    %get3A_701 = arith.constant 0 : index
    %get3A_702 = vector.load %arg3[%get3A_700, %get3A_701] : memref<10x512xf32, #tpu.memory_space<vmem>>, vector<1x512xf32>
    %dot_general3A_703 = arith.constant dense<0.000000e+00> : vector<512x1xf32>
    %dot_general3A_704 = tpu.matmul %select_n3A_15, %get3A_702, %dot_general3A_703 {dimension_numbers = #tpu.dot_dimension_numbers<[1], [1], [0], [0], [0, 0, 1, 0], [], []>, precision = #tpu.contract_precision<fp32>, transpose_lhs_hint = false} : vector<512x512xf32>, vector<1x512xf32>, vector<512x1xf32> -> vector<512x1xf32>
    %get3A_705 = arith.constant 7 : index
    %get3A_706 = arith.constant 0 : index
    %get3A_707 = vector.load %arg4[%get3A_705, %get3A_706] : memref<10x512xf32, #tpu.memory_space<vmem>>, vector<1x512xf32>
    %dot_general3A_708 = arith.constant dense<0.000000e+00> : vector<512x1xf32>
    %dot_general3A_709 = tpu.matmul %select_n3A_15, %get3A_707, %dot_general3A_708 {dimension_numbers = #tpu.dot_dimension_numbers<[1], [1], [0], [0], [0, 0, 1, 0], [], []>, precision = #tpu.contract_precision<fp32>, transpose_lhs_hint = false} : vector<512x512xf32>, vector<1x512xf32>, vector<512x1xf32> -> vector<512x1xf32>
    %get3A_710 = arith.constant 7 : index
    %get3A_711 = arith.constant 0 : index
    %get3A_712 = vector.load %arg0[%get3A_710, %get3A_711] : memref<10x512xf32, #tpu.memory_space<vmem>>, vector<1x512xf32>
    %get3A_713 = arith.constant 7 : index
    %get3A_714 = arith.constant 0 : index
    %get3A_715 = vector.load %arg1[%get3A_713, %get3A_714] : memref<10x512xf32, #tpu.memory_space<vmem>>, vector<1x512xf32>
    %get3A_716 = arith.constant 7 : index
    %get3A_717 = arith.constant 0 : index
    %get3A_718 = vector.load %arg2[%get3A_716, %get3A_717] : memref<10x512xf32, #tpu.memory_space<vmem>>, vector<1x512xf32>
    %get3A_719 = arith.constant 7 : index
    %get3A_720 = arith.constant 0 : index
    %get3A_721 = vector.load %arg3[%get3A_719, %get3A_720] : memref<10x512xf32, #tpu.memory_space<vmem>>, vector<1x512xf32>
    %get3A_722 = arith.constant 7 : index
    %get3A_723 = arith.constant 0 : index
    %get3A_724 = vector.load %arg4[%get3A_722, %get3A_723] : memref<10x512xf32, #tpu.memory_space<vmem>>, vector<1x512xf32>
    %max3A_725 = vector.broadcast %dot_general3A_689 : vector<512x1xf32> to vector<512x512xf32>
    %max3A_726 = vector.broadcast %get3A_712 : vector<1x512xf32> to vector<512x512xf32>
    %max3A_727 = arith.maximumf %max3A_725, %max3A_726 : vector<512x512xf32>
    %max3A_728 = vector.broadcast %dot_general3A_694 : vector<512x1xf32> to vector<512x512xf32>
    %max3A_729 = vector.broadcast %get3A_715 : vector<1x512xf32> to vector<512x512xf32>
    %max3A_730 = arith.maximumf %max3A_728, %max3A_729 : vector<512x512xf32>
    %min3A_731 = vector.broadcast %dot_general3A_699 : vector<512x1xf32> to vector<512x512xf32>
    %min3A_732 = vector.broadcast %get3A_718 : vector<1x512xf32> to vector<512x512xf32>
    %min3A_733 = arith.minimumf %min3A_731, %min3A_732 : vector<512x512xf32>
    %min3A_734 = vector.broadcast %dot_general3A_704 : vector<512x1xf32> to vector<512x512xf32>
    %min3A_735 = vector.broadcast %get3A_721 : vector<1x512xf32> to vector<512x512xf32>
    %min3A_736 = arith.minimumf %min3A_734, %min3A_735 : vector<512x512xf32>
    %sub3A_737 = arith.subf %min3A_733, %max3A_727 : vector<512x512xf32>
    %max3A_738 = arith.constant 0.000000e+00 : f32
    %max3A_739 = vector.broadcast %max3A_738 : f32 to vector<512x512xf32>
    %max3A_740 = arith.maximumf %sub3A_737, %max3A_739 : vector<512x512xf32>
    %sub3A_741 = arith.subf %min3A_736, %max3A_730 : vector<512x512xf32>
    %max3A_742 = arith.constant 0.000000e+00 : f32
    %max3A_743 = vector.broadcast %max3A_742 : f32 to vector<512x512xf32>
    %max3A_744 = arith.maximumf %sub3A_741, %max3A_743 : vector<512x512xf32>
    %mul3A_745 = arith.mulf %max3A_740, %max3A_744 : vector<512x512xf32>
    %add3A_746 = vector.broadcast %dot_general3A_709 : vector<512x1xf32> to vector<512x512xf32>
    %add3A_747 = vector.broadcast %get3A_724 : vector<1x512xf32> to vector<512x512xf32>
    %add3A_748 = arith.addf %add3A_746, %add3A_747 : vector<512x512xf32>
    %sub3A_749 = arith.subf %add3A_748, %mul3A_745 : vector<512x512xf32>
    %add3A_750 = arith.constant 9.99999971E-10 : f32
    %add3A_751 = vector.broadcast %add3A_750 : f32 to vector<512x512xf32>
    %add3A_752 = arith.addf %sub3A_749, %add3A_751 : vector<512x512xf32>
    %div3A_753 = arith.divf %mul3A_745, %add3A_752 : vector<512x512xf32>
    %iota3A_754 = tpu.iota {dimensions = array<i32: 0>} : vector<512x512xi32>
    %iota3A_755 = tpu.iota {dimensions = array<i32: 1>} : vector<512x512xi32>
    %lt3A_756 = arith.cmpi slt, %iota3A_754, %iota3A_755 : vector<512x512xi32>
    %gt3A_757 = arith.constant 5.000000e-01 : f32
    %gt3A_758 = vector.broadcast %gt3A_757 : f32 to vector<512x512xf32>
    %gt3A_759 = arith.cmpf ogt, %div3A_753, %gt3A_758 : vector<512x512xf32>
    %and3A_760 = arith.andi %gt3A_759, %lt3A_756 : vector<512x512xi1>
    %jit3A_761 = arith.constant 1.000000e+00 : f32
    %jit3A_762 = arith.constant 0.000000e+00 : f32
    %broadcast_in_dim3A_763 = vector.broadcast %jit3A_761 : f32 to vector<512x512xf32>
    %broadcast_in_dim3A_764 = vector.broadcast %jit3A_762 : f32 to vector<512x512xf32>
    %select_n3A_765 = arith.select %and3A_760, %broadcast_in_dim3A_763, %broadcast_in_dim3A_764 : vector<512x512xi1>, vector<512x512xf32>
    %swap3A_766 = arith.constant 0 : index
    %swap3A_767 = arith.constant 0 : index
    %swap3A_768 = vector.load %arg7[%swap3A_766, %swap3A_767] : memref<512x512xf32, #tpu.memory_space<vmem>>, vector<512x512xf32>
    tpu.vector_store %arg7[%swap3A_766, %swap3A_767], %select_n3A_765 {strides = array<i32>} : memref<512x512xf32, #tpu.memory_space<vmem>>, vector<512x512xf32>,
    %get3A_769 = arith.constant 7 : index
    %get3A_770 = arith.constant 0 : index
    %get3A_771 = vector.load %arg6[%get3A_769, %get3A_770] : memref<10x512xf32, #tpu.memory_space<vmem>>, vector<1x512xf32>
    %while3A_772 = arith.constant true
    %while3A_773:2 = scf.while (%while3A_1041 = %get3A_771, %while3A_1042 = %while3A_772) : (vector<1x512xf32>, i1) -> (vector<1x512xf32>, i1) {
      scf.condition(%while3A_1042) %while3A_1041, %while3A_1042 : vector<1x512xf32>, i1
    } do {
    ^bb0(%while3A_1041: vector<1x512xf32>, %while3A_1042: i1):
      %get3A_1043 = arith.constant 0 : index
      %get3A_1044 = arith.constant 0 : index
      %get3A_1045 = vector.load %arg7[%get3A_1043, %get3A_1044] : memref<512x512xf32, #tpu.memory_space<vmem>>, vector<512x512xf32>
      %dot_general3A_1046 = arith.constant dense<0.000000e+00> : vector<1x512xf32>
      %dot_general3A_1047 = tpu.matmul %while3A_1041, %get3A_1045, %dot_general3A_1046 {dimension_numbers = #tpu.dot_dimension_numbers<[1], [0], [0], [1], [0, 0, 1, 1], [], []>, transpose_lhs_hint = false} : vector<1x512xf32>, vector<512x512xf32>, vector<1x512xf32> -> vector<1x512xf32>
      %lt3A_1048 = arith.constant 5.000000e-01 : f32
      %lt3A_1049 = vector.broadcast %lt3A_1048 : f32 to vector<1x512xf32>
      %lt3A_1050 = arith.cmpf olt, %dot_general3A_1047, %lt3A_1049 : vector<1x512xf32>
      %jit3A_1051 = arith.constant 1.000000e+00 : f32
      %jit3A_1052 = arith.constant 0.000000e+00 : f32
      %broadcast_in_dim3A_1053 = vector.broadcast %jit3A_1051 : f32 to vector<1x512xf32>
      %broadcast_in_dim3A_1054 = vector.broadcast %jit3A_1052 : f32 to vector<1x512xf32>
      %select_n3A_1055 = arith.select %lt3A_1050, %broadcast_in_dim3A_1053, %broadcast_in_dim3A_1054 : vector<1x512xi1>, vector<1x512xf32>
      %mul3A_1056 = arith.mulf %get3A_771, %select_n3A_1055 : vector<1x512xf32>
      %get3A_1057 = arith.constant 0 : index
      %get3A_1058 = arith.constant 0 : index
      %get3A_1059 = vector.load %arg7[%get3A_1057, %get3A_1058] : memref<512x512xf32, #tpu.memory_space<vmem>>, vector<512x512xf32>
      %dot_general3A_1060 = arith.constant dense<0.000000e+00> : vector<1x512xf32>
      %dot_general3A_1061 = tpu.matmul %mul3A_1056, %get3A_1059, %dot_general3A_1060 {dimension_numbers = #tpu.dot_dimension_numbers<[1], [0], [0], [1], [0, 0, 1, 1], [], []>, transpose_lhs_hint = false} : vector<1x512xf32>, vector<512x512xf32>, vector<1x512xf32> -> vector<1x512xf32>
      %lt3A_1062 = arith.constant 5.000000e-01 : f32
      %lt3A_1063 = vector.broadcast %lt3A_1062 : f32 to vector<1x512xf32>
      %lt3A_1064 = arith.cmpf olt, %dot_general3A_1061, %lt3A_1063 : vector<1x512xf32>
      %jit3A_1065 = arith.constant 1.000000e+00 : f32
      %jit3A_1066 = arith.constant 0.000000e+00 : f32
      %broadcast_in_dim3A_1067 = vector.broadcast %jit3A_1065 : f32 to vector<1x512xf32>
      %broadcast_in_dim3A_1068 = vector.broadcast %jit3A_1066 : f32 to vector<1x512xf32>
      %select_n3A_1069 = arith.select %lt3A_1064, %broadcast_in_dim3A_1067, %broadcast_in_dim3A_1068 : vector<1x512xi1>, vector<1x512xf32>
      %mul3A_1070 = arith.mulf %get3A_771, %select_n3A_1069 : vector<1x512xf32>
      %ne3A = arith.cmpf one, %mul3A_1070, %mul3A_1056 : vector<1x512xf32>
      %reduce_or3A = arith.constant 1.000000e+00 : f32
      %reduce_or3A_1071 = arith.constant 0.000000e+00 : f32
      %reduce_or3A_1072 = vector.broadcast %reduce_or3A : f32 to vector<1x512xf32>
      %reduce_or3A_1073 = vector.broadcast %reduce_or3A_1071 : f32 to vector<1x512xf32>
      %reduce_or3A_1074 = arith.select %ne3A, %reduce_or3A_1072, %reduce_or3A_1073 : vector<1x512xi1>, vector<1x512xf32>
      %reduce_or3A_1075 = vector.shape_cast %reduce_or3A_1074 : vector<1x512xf32> to vector<1x1x512xf32>
      %reduce_or3A_1076 = arith.constant dense<0xFF800000> : vector<1xf32>
      %reduce_or3A_1077 = vector.multi_reduction <maximumf>, %reduce_or3A_1075, %reduce_or3A_1076 [1, 2] : vector<1x1x512xf32> to vector<1xf32>
      %reduce_or3A_1078 = vector.shape_cast %reduce_or3A_1077 : vector<1xf32> to vector<1x1x1xf32>
      %reduce_or3A_1079 = vector.extract %reduce_or3A_1078[0, 0, 0] : f32 from vector<1x1x1xf32>
      %reduce_or3A_1080 = arith.constant 0.000000e+00 : f32
      %reduce_or3A_1081 = arith.cmpf ogt, %reduce_or3A_1079, %reduce_or3A_1080 : f32
      scf.yield %mul3A_1070, %reduce_or3A_1081 : vector<1x512xf32>, i1
    }
    %swap3A_774 = arith.constant 7 : index
    %swap3A_775 = arith.constant 0 : index
    %swap3A_776 = vector.load %arg5[%swap3A_774, %swap3A_775] : memref<10x512xf32, #tpu.memory_space<vmem>>, vector<1x512xf32>
    tpu.vector_store %arg5[%swap3A_774, %swap3A_775], %while3A_773#0 {strides = array<i32>} : memref<10x512xf32, #tpu.memory_space<vmem>>, vector<1x512xf32>,
    %scan3A_777 = arith.constant 8 : i32
    %scan3A_778 = arith.constant 2 : i32
    %scan3A_779 = arith.addi %scan3A_777, %scan3A_778 : i32
    %scan3A_780 = arith.constant 1 : i32
    scf.for %scan3A_1041 = %scan3A_777 to %scan3A_779 step %scan3A_780  : i32 {
      %get3A_1042 = arith.index_cast %scan3A_1041 : i32 to index
      %get3A_1043 = arith.constant 0 : index
      %get3A_1044 = vector.load %arg0[%get3A_1042, %get3A_1043] : memref<10x512xf32, #tpu.memory_space<vmem>>, vector<1x512xf32>
      %get3A_1045 = arith.index_cast %scan3A_1041 : i32 to index
      %get3A_1046 = arith.constant 0 : index
      %get3A_1047 = vector.load %arg1[%get3A_1045, %get3A_1046] : memref<10x512xf32, #tpu.memory_space<vmem>>, vector<1x512xf32>
      %get3A_1048 = arith.index_cast %scan3A_1041 : i32 to index
      %get3A_1049 = arith.constant 0 : index
      %get3A_1050 = vector.load %arg2[%get3A_1048, %get3A_1049] : memref<10x512xf32, #tpu.memory_space<vmem>>, vector<1x512xf32>
      %get3A_1051 = arith.index_cast %scan3A_1041 : i32 to index
      %get3A_1052 = arith.constant 0 : index
      %get3A_1053 = vector.load %arg3[%get3A_1051, %get3A_1052] : memref<10x512xf32, #tpu.memory_space<vmem>>, vector<1x512xf32>
      %get3A_1054 = arith.index_cast %scan3A_1041 : i32 to index
      %get3A_1055 = arith.constant 0 : index
      %get3A_1056 = vector.load %arg4[%get3A_1054, %get3A_1055] : memref<10x512xf32, #tpu.memory_space<vmem>>, vector<1x512xf32>
      %max3A_1057 = vector.broadcast %dot_general3A_689 : vector<512x1xf32> to vector<512x512xf32>
      %max3A_1058 = vector.broadcast %get3A_1044 : vector<1x512xf32> to vector<512x512xf32>
      %max3A_1059 = arith.maximumf %max3A_1057, %max3A_1058 : vector<512x512xf32>
      %max3A_1060 = vector.broadcast %dot_general3A_694 : vector<512x1xf32> to vector<512x512xf32>
      %max3A_1061 = vector.broadcast %get3A_1047 : vector<1x512xf32> to vector<512x512xf32>
      %max3A_1062 = arith.maximumf %max3A_1060, %max3A_1061 : vector<512x512xf32>
      %min3A_1063 = vector.broadcast %dot_general3A_699 : vector<512x1xf32> to vector<512x512xf32>
      %min3A_1064 = vector.broadcast %get3A_1050 : vector<1x512xf32> to vector<512x512xf32>
      %min3A_1065 = arith.minimumf %min3A_1063, %min3A_1064 : vector<512x512xf32>
      %min3A_1066 = vector.broadcast %dot_general3A_704 : vector<512x1xf32> to vector<512x512xf32>
      %min3A_1067 = vector.broadcast %get3A_1053 : vector<1x512xf32> to vector<512x512xf32>
      %min3A_1068 = arith.minimumf %min3A_1066, %min3A_1067 : vector<512x512xf32>
      %sub3A_1069 = arith.subf %min3A_1065, %max3A_1059 : vector<512x512xf32>
      %max3A_1070 = arith.constant 0.000000e+00 : f32
      %max3A_1071 = vector.broadcast %max3A_1070 : f32 to vector<512x512xf32>
      %max3A_1072 = arith.maximumf %sub3A_1069, %max3A_1071 : vector<512x512xf32>
      %sub3A_1073 = arith.subf %min3A_1068, %max3A_1062 : vector<512x512xf32>
      %max3A_1074 = arith.constant 0.000000e+00 : f32
      %max3A_1075 = vector.broadcast %max3A_1074 : f32 to vector<512x512xf32>
      %max3A_1076 = arith.maximumf %sub3A_1073, %max3A_1075 : vector<512x512xf32>
      %mul3A_1077 = arith.mulf %max3A_1072, %max3A_1076 : vector<512x512xf32>
      %add3A_1078 = vector.broadcast %dot_general3A_709 : vector<512x1xf32> to vector<512x512xf32>
      %add3A_1079 = vector.broadcast %get3A_1056 : vector<1x512xf32> to vector<512x512xf32>
      %add3A_1080 = arith.addf %add3A_1078, %add3A_1079 : vector<512x512xf32>
      %sub3A_1081 = arith.subf %add3A_1080, %mul3A_1077 : vector<512x512xf32>
      %add3A_1082 = arith.constant 9.99999971E-10 : f32
      %add3A_1083 = vector.broadcast %add3A_1082 : f32 to vector<512x512xf32>
      %add3A_1084 = arith.addf %sub3A_1081, %add3A_1083 : vector<512x512xf32>
      %div3A_1085 = arith.divf %mul3A_1077, %add3A_1084 : vector<512x512xf32>
      %gt3A_1086 = arith.constant 5.000000e-01 : f32
      %gt3A_1087 = vector.broadcast %gt3A_1086 : f32 to vector<512x512xf32>
      %gt3A_1088 = arith.cmpf ogt, %div3A_1085, %gt3A_1087 : vector<512x512xf32>
      %jit3A_1089 = arith.constant 1.000000e+00 : f32
      %jit3A_1090 = arith.constant 0.000000e+00 : f32
      %broadcast_in_dim3A_1091 = vector.broadcast %jit3A_1089 : f32 to vector<512x512xf32>
      %broadcast_in_dim3A_1092 = vector.broadcast %jit3A_1090 : f32 to vector<512x512xf32>
      %select_n3A_1093 = arith.select %gt3A_1088, %broadcast_in_dim3A_1091, %broadcast_in_dim3A_1092 : vector<512x512xi1>, vector<512x512xf32>
      %dot_general3A_1094 = arith.constant dense<0.000000e+00> : vector<1x512xf32>
      %dot_general3A_1095 = tpu.matmul %while3A_773#0, %select_n3A_1093, %dot_general3A_1094 {dimension_numbers = #tpu.dot_dimension_numbers<[1], [0], [0], [1], [0, 0, 1, 1], [], []>, transpose_lhs_hint = false} : vector<1x512xf32>, vector<512x512xf32>, vector<1x512xf32> -> vector<1x512xf32>
      %get3A_1096 = arith.index_cast %scan3A_1041 : i32 to index
      %get3A_1097 = arith.constant 0 : index
      %get3A_1098 = vector.load %arg6[%get3A_1096, %get3A_1097] : memref<10x512xf32, #tpu.memory_space<vmem>>, vector<1x512xf32>
      %lt3A_1099 = arith.constant 5.000000e-01 : f32
      %lt3A_1100 = vector.broadcast %lt3A_1099 : f32 to vector<1x512xf32>
      %lt3A_1101 = arith.cmpf olt, %dot_general3A_1095, %lt3A_1100 : vector<1x512xf32>
      %jit3A_1102 = arith.constant 1.000000e+00 : f32
      %jit3A_1103 = arith.constant 0.000000e+00 : f32
      %broadcast_in_dim3A_1104 = vector.broadcast %jit3A_1102 : f32 to vector<1x512xf32>
      %broadcast_in_dim3A_1105 = vector.broadcast %jit3A_1103 : f32 to vector<1x512xf32>
      %select_n3A_1106 = arith.select %lt3A_1101, %broadcast_in_dim3A_1104, %broadcast_in_dim3A_1105 : vector<1x512xi1>, vector<1x512xf32>
      %mul3A_1107 = arith.mulf %get3A_1098, %select_n3A_1106 : vector<1x512xf32>
      %swap3A_1108 = arith.index_cast %scan3A_1041 : i32 to index
      %swap3A_1109 = arith.constant 0 : index
      %swap3A_1110 = vector.load %arg6[%swap3A_1108, %swap3A_1109] : memref<10x512xf32, #tpu.memory_space<vmem>>, vector<1x512xf32>
      tpu.vector_store %arg6[%swap3A_1108, %swap3A_1109], %mul3A_1107 {strides = array<i32>} : memref<10x512xf32, #tpu.memory_space<vmem>>, vector<1x512xf32>,
    }
    %scan3A_781 = arith.constant 2 : i32
    %get3A_782 = arith.constant 8 : index
    %get3A_783 = arith.constant 0 : index
    %get3A_784 = vector.load %arg0[%get3A_782, %get3A_783] : memref<10x512xf32, #tpu.memory_space<vmem>>, vector<1x512xf32>
    %dot_general3A_785 = arith.constant dense<0.000000e+00> : vector<512x1xf32>
    %dot_general3A_786 = tpu.matmul %select_n3A_15, %get3A_784, %dot_general3A_785 {dimension_numbers = #tpu.dot_dimension_numbers<[1], [1], [0], [0], [0, 0, 1, 0], [], []>, precision = #tpu.contract_precision<fp32>, transpose_lhs_hint = false} : vector<512x512xf32>, vector<1x512xf32>, vector<512x1xf32> -> vector<512x1xf32>
    %get3A_787 = arith.constant 8 : index
    %get3A_788 = arith.constant 0 : index
    %get3A_789 = vector.load %arg1[%get3A_787, %get3A_788] : memref<10x512xf32, #tpu.memory_space<vmem>>, vector<1x512xf32>
    %dot_general3A_790 = arith.constant dense<0.000000e+00> : vector<512x1xf32>
    %dot_general3A_791 = tpu.matmul %select_n3A_15, %get3A_789, %dot_general3A_790 {dimension_numbers = #tpu.dot_dimension_numbers<[1], [1], [0], [0], [0, 0, 1, 0], [], []>, precision = #tpu.contract_precision<fp32>, transpose_lhs_hint = false} : vector<512x512xf32>, vector<1x512xf32>, vector<512x1xf32> -> vector<512x1xf32>
    %get3A_792 = arith.constant 8 : index
    %get3A_793 = arith.constant 0 : index
    %get3A_794 = vector.load %arg2[%get3A_792, %get3A_793] : memref<10x512xf32, #tpu.memory_space<vmem>>, vector<1x512xf32>
    %dot_general3A_795 = arith.constant dense<0.000000e+00> : vector<512x1xf32>
    %dot_general3A_796 = tpu.matmul %select_n3A_15, %get3A_794, %dot_general3A_795 {dimension_numbers = #tpu.dot_dimension_numbers<[1], [1], [0], [0], [0, 0, 1, 0], [], []>, precision = #tpu.contract_precision<fp32>, transpose_lhs_hint = false} : vector<512x512xf32>, vector<1x512xf32>, vector<512x1xf32> -> vector<512x1xf32>
    %get3A_797 = arith.constant 8 : index
    %get3A_798 = arith.constant 0 : index
    %get3A_799 = vector.load %arg3[%get3A_797, %get3A_798] : memref<10x512xf32, #tpu.memory_space<vmem>>, vector<1x512xf32>
    %dot_general3A_800 = arith.constant dense<0.000000e+00> : vector<512x1xf32>
    %dot_general3A_801 = tpu.matmul %select_n3A_15, %get3A_799, %dot_general3A_800 {dimension_numbers = #tpu.dot_dimension_numbers<[1], [1], [0], [0], [0, 0, 1, 0], [], []>, precision = #tpu.contract_precision<fp32>, transpose_lhs_hint = false} : vector<512x512xf32>, vector<1x512xf32>, vector<512x1xf32> -> vector<512x1xf32>
    %get3A_802 = arith.constant 8 : index
    %get3A_803 = arith.constant 0 : index
    %get3A_804 = vector.load %arg4[%get3A_802, %get3A_803] : memref<10x512xf32, #tpu.memory_space<vmem>>, vector<1x512xf32>
    %dot_general3A_805 = arith.constant dense<0.000000e+00> : vector<512x1xf32>
    %dot_general3A_806 = tpu.matmul %select_n3A_15, %get3A_804, %dot_general3A_805 {dimension_numbers = #tpu.dot_dimension_numbers<[1], [1], [0], [0], [0, 0, 1, 0], [], []>, precision = #tpu.contract_precision<fp32>, transpose_lhs_hint = false} : vector<512x512xf32>, vector<1x512xf32>, vector<512x1xf32> -> vector<512x1xf32>
    %get3A_807 = arith.constant 8 : index
    %get3A_808 = arith.constant 0 : index
    %get3A_809 = vector.load %arg0[%get3A_807, %get3A_808] : memref<10x512xf32, #tpu.memory_space<vmem>>, vector<1x512xf32>
    %get3A_810 = arith.constant 8 : index
    %get3A_811 = arith.constant 0 : index
    %get3A_812 = vector.load %arg1[%get3A_810, %get3A_811] : memref<10x512xf32, #tpu.memory_space<vmem>>, vector<1x512xf32>
    %get3A_813 = arith.constant 8 : index
    %get3A_814 = arith.constant 0 : index
    %get3A_815 = vector.load %arg2[%get3A_813, %get3A_814] : memref<10x512xf32, #tpu.memory_space<vmem>>, vector<1x512xf32>
    %get3A_816 = arith.constant 8 : index
    %get3A_817 = arith.constant 0 : index
    %get3A_818 = vector.load %arg3[%get3A_816, %get3A_817] : memref<10x512xf32, #tpu.memory_space<vmem>>, vector<1x512xf32>
    %get3A_819 = arith.constant 8 : index
    %get3A_820 = arith.constant 0 : index
    %get3A_821 = vector.load %arg4[%get3A_819, %get3A_820] : memref<10x512xf32, #tpu.memory_space<vmem>>, vector<1x512xf32>
    %max3A_822 = vector.broadcast %dot_general3A_786 : vector<512x1xf32> to vector<512x512xf32>
    %max3A_823 = vector.broadcast %get3A_809 : vector<1x512xf32> to vector<512x512xf32>
    %max3A_824 = arith.maximumf %max3A_822, %max3A_823 : vector<512x512xf32>
    %max3A_825 = vector.broadcast %dot_general3A_791 : vector<512x1xf32> to vector<512x512xf32>
    %max3A_826 = vector.broadcast %get3A_812 : vector<1x512xf32> to vector<512x512xf32>
    %max3A_827 = arith.maximumf %max3A_825, %max3A_826 : vector<512x512xf32>
    %min3A_828 = vector.broadcast %dot_general3A_796 : vector<512x1xf32> to vector<512x512xf32>
    %min3A_829 = vector.broadcast %get3A_815 : vector<1x512xf32> to vector<512x512xf32>
    %min3A_830 = arith.minimumf %min3A_828, %min3A_829 : vector<512x512xf32>
    %min3A_831 = vector.broadcast %dot_general3A_801 : vector<512x1xf32> to vector<512x512xf32>
    %min3A_832 = vector.broadcast %get3A_818 : vector<1x512xf32> to vector<512x512xf32>
    %min3A_833 = arith.minimumf %min3A_831, %min3A_832 : vector<512x512xf32>
    %sub3A_834 = arith.subf %min3A_830, %max3A_824 : vector<512x512xf32>
    %max3A_835 = arith.constant 0.000000e+00 : f32
    %max3A_836 = vector.broadcast %max3A_835 : f32 to vector<512x512xf32>
    %max3A_837 = arith.maximumf %sub3A_834, %max3A_836 : vector<512x512xf32>
    %sub3A_838 = arith.subf %min3A_833, %max3A_827 : vector<512x512xf32>
    %max3A_839 = arith.constant 0.000000e+00 : f32
    %max3A_840 = vector.broadcast %max3A_839 : f32 to vector<512x512xf32>
    %max3A_841 = arith.maximumf %sub3A_838, %max3A_840 : vector<512x512xf32>
    %mul3A_842 = arith.mulf %max3A_837, %max3A_841 : vector<512x512xf32>
    %add3A_843 = vector.broadcast %dot_general3A_806 : vector<512x1xf32> to vector<512x512xf32>
    %add3A_844 = vector.broadcast %get3A_821 : vector<1x512xf32> to vector<512x512xf32>
    %add3A_845 = arith.addf %add3A_843, %add3A_844 : vector<512x512xf32>
    %sub3A_846 = arith.subf %add3A_845, %mul3A_842 : vector<512x512xf32>
    %add3A_847 = arith.constant 9.99999971E-10 : f32
    %add3A_848 = vector.broadcast %add3A_847 : f32 to vector<512x512xf32>
    %add3A_849 = arith.addf %sub3A_846, %add3A_848 : vector<512x512xf32>
    %div3A_850 = arith.divf %mul3A_842, %add3A_849 : vector<512x512xf32>
    %iota3A_851 = tpu.iota {dimensions = array<i32: 0>} : vector<512x512xi32>
    %iota3A_852 = tpu.iota {dimensions = array<i32: 1>} : vector<512x512xi32>
    %lt3A_853 = arith.cmpi slt, %iota3A_851, %iota3A_852 : vector<512x512xi32>
    %gt3A_854 = arith.constant 5.000000e-01 : f32
    %gt3A_855 = vector.broadcast %gt3A_854 : f32 to vector<512x512xf32>
    %gt3A_856 = arith.cmpf ogt, %div3A_850, %gt3A_855 : vector<512x512xf32>
    %and3A_857 = arith.andi %gt3A_856, %lt3A_853 : vector<512x512xi1>
    %jit3A_858 = arith.constant 1.000000e+00 : f32
    %jit3A_859 = arith.constant 0.000000e+00 : f32
    %broadcast_in_dim3A_860 = vector.broadcast %jit3A_858 : f32 to vector<512x512xf32>
    %broadcast_in_dim3A_861 = vector.broadcast %jit3A_859 : f32 to vector<512x512xf32>
    %select_n3A_862 = arith.select %and3A_857, %broadcast_in_dim3A_860, %broadcast_in_dim3A_861 : vector<512x512xi1>, vector<512x512xf32>
    %swap3A_863 = arith.constant 0 : index
    %swap3A_864 = arith.constant 0 : index
    %swap3A_865 = vector.load %arg7[%swap3A_863, %swap3A_864] : memref<512x512xf32, #tpu.memory_space<vmem>>, vector<512x512xf32>
    tpu.vector_store %arg7[%swap3A_863, %swap3A_864], %select_n3A_862 {strides = array<i32>} : memref<512x512xf32, #tpu.memory_space<vmem>>, vector<512x512xf32>,
    %get3A_866 = arith.constant 8 : index
    %get3A_867 = arith.constant 0 : index
    %get3A_868 = vector.load %arg6[%get3A_866, %get3A_867] : memref<10x512xf32, #tpu.memory_space<vmem>>, vector<1x512xf32>
    %while3A_869 = arith.constant true
    %while3A_870:2 = scf.while (%while3A_1041 = %get3A_868, %while3A_1042 = %while3A_869) : (vector<1x512xf32>, i1) -> (vector<1x512xf32>, i1) {
      scf.condition(%while3A_1042) %while3A_1041, %while3A_1042 : vector<1x512xf32>, i1
    } do {
    ^bb0(%while3A_1041: vector<1x512xf32>, %while3A_1042: i1):
      %get3A_1043 = arith.constant 0 : index
      %get3A_1044 = arith.constant 0 : index
      %get3A_1045 = vector.load %arg7[%get3A_1043, %get3A_1044] : memref<512x512xf32, #tpu.memory_space<vmem>>, vector<512x512xf32>
      %dot_general3A_1046 = arith.constant dense<0.000000e+00> : vector<1x512xf32>
      %dot_general3A_1047 = tpu.matmul %while3A_1041, %get3A_1045, %dot_general3A_1046 {dimension_numbers = #tpu.dot_dimension_numbers<[1], [0], [0], [1], [0, 0, 1, 1], [], []>, transpose_lhs_hint = false} : vector<1x512xf32>, vector<512x512xf32>, vector<1x512xf32> -> vector<1x512xf32>
      %lt3A_1048 = arith.constant 5.000000e-01 : f32
      %lt3A_1049 = vector.broadcast %lt3A_1048 : f32 to vector<1x512xf32>
      %lt3A_1050 = arith.cmpf olt, %dot_general3A_1047, %lt3A_1049 : vector<1x512xf32>
      %jit3A_1051 = arith.constant 1.000000e+00 : f32
      %jit3A_1052 = arith.constant 0.000000e+00 : f32
      %broadcast_in_dim3A_1053 = vector.broadcast %jit3A_1051 : f32 to vector<1x512xf32>
      %broadcast_in_dim3A_1054 = vector.broadcast %jit3A_1052 : f32 to vector<1x512xf32>
      %select_n3A_1055 = arith.select %lt3A_1050, %broadcast_in_dim3A_1053, %broadcast_in_dim3A_1054 : vector<1x512xi1>, vector<1x512xf32>
      %mul3A_1056 = arith.mulf %get3A_868, %select_n3A_1055 : vector<1x512xf32>
      %get3A_1057 = arith.constant 0 : index
      %get3A_1058 = arith.constant 0 : index
      %get3A_1059 = vector.load %arg7[%get3A_1057, %get3A_1058] : memref<512x512xf32, #tpu.memory_space<vmem>>, vector<512x512xf32>
      %dot_general3A_1060 = arith.constant dense<0.000000e+00> : vector<1x512xf32>
      %dot_general3A_1061 = tpu.matmul %mul3A_1056, %get3A_1059, %dot_general3A_1060 {dimension_numbers = #tpu.dot_dimension_numbers<[1], [0], [0], [1], [0, 0, 1, 1], [], []>, transpose_lhs_hint = false} : vector<1x512xf32>, vector<512x512xf32>, vector<1x512xf32> -> vector<1x512xf32>
      %lt3A_1062 = arith.constant 5.000000e-01 : f32
      %lt3A_1063 = vector.broadcast %lt3A_1062 : f32 to vector<1x512xf32>
      %lt3A_1064 = arith.cmpf olt, %dot_general3A_1061, %lt3A_1063 : vector<1x512xf32>
      %jit3A_1065 = arith.constant 1.000000e+00 : f32
      %jit3A_1066 = arith.constant 0.000000e+00 : f32
      %broadcast_in_dim3A_1067 = vector.broadcast %jit3A_1065 : f32 to vector<1x512xf32>
      %broadcast_in_dim3A_1068 = vector.broadcast %jit3A_1066 : f32 to vector<1x512xf32>
      %select_n3A_1069 = arith.select %lt3A_1064, %broadcast_in_dim3A_1067, %broadcast_in_dim3A_1068 : vector<1x512xi1>, vector<1x512xf32>
      %mul3A_1070 = arith.mulf %get3A_868, %select_n3A_1069 : vector<1x512xf32>
      %ne3A = arith.cmpf one, %mul3A_1070, %mul3A_1056 : vector<1x512xf32>
      %reduce_or3A = arith.constant 1.000000e+00 : f32
      %reduce_or3A_1071 = arith.constant 0.000000e+00 : f32
      %reduce_or3A_1072 = vector.broadcast %reduce_or3A : f32 to vector<1x512xf32>
      %reduce_or3A_1073 = vector.broadcast %reduce_or3A_1071 : f32 to vector<1x512xf32>
      %reduce_or3A_1074 = arith.select %ne3A, %reduce_or3A_1072, %reduce_or3A_1073 : vector<1x512xi1>, vector<1x512xf32>
      %reduce_or3A_1075 = vector.shape_cast %reduce_or3A_1074 : vector<1x512xf32> to vector<1x1x512xf32>
      %reduce_or3A_1076 = arith.constant dense<0xFF800000> : vector<1xf32>
      %reduce_or3A_1077 = vector.multi_reduction <maximumf>, %reduce_or3A_1075, %reduce_or3A_1076 [1, 2] : vector<1x1x512xf32> to vector<1xf32>
      %reduce_or3A_1078 = vector.shape_cast %reduce_or3A_1077 : vector<1xf32> to vector<1x1x1xf32>
      %reduce_or3A_1079 = vector.extract %reduce_or3A_1078[0, 0, 0] : f32 from vector<1x1x1xf32>
      %reduce_or3A_1080 = arith.constant 0.000000e+00 : f32
      %reduce_or3A_1081 = arith.cmpf ogt, %reduce_or3A_1079, %reduce_or3A_1080 : f32
      scf.yield %mul3A_1070, %reduce_or3A_1081 : vector<1x512xf32>, i1
    }
    %swap3A_871 = arith.constant 8 : index
    %swap3A_872 = arith.constant 0 : index
    %swap3A_873 = vector.load %arg5[%swap3A_871, %swap3A_872] : memref<10x512xf32, #tpu.memory_space<vmem>>, vector<1x512xf32>
    tpu.vector_store %arg5[%swap3A_871, %swap3A_872], %while3A_870#0 {strides = array<i32>} : memref<10x512xf32, #tpu.memory_space<vmem>>, vector<1x512xf32>,
    %scan3A_874 = arith.constant 9 : i32
    %get3A_875 = arith.index_cast %scan3A_874 : i32 to index
    %get3A_876 = arith.constant 0 : index
    %get3A_877 = vector.load %arg0[%get3A_875, %get3A_876] : memref<10x512xf32, #tpu.memory_space<vmem>>, vector<1x512xf32>
    %get3A_878 = arith.index_cast %scan3A_874 : i32 to index
    %get3A_879 = arith.constant 0 : index
    %get3A_880 = vector.load %arg1[%get3A_878, %get3A_879] : memref<10x512xf32, #tpu.memory_space<vmem>>, vector<1x512xf32>
    %get3A_881 = arith.index_cast %scan3A_874 : i32 to index
    %get3A_882 = arith.constant 0 : index
    %get3A_883 = vector.load %arg2[%get3A_881, %get3A_882] : memref<10x512xf32, #tpu.memory_space<vmem>>, vector<1x512xf32>
    %get3A_884 = arith.index_cast %scan3A_874 : i32 to index
    %get3A_885 = arith.constant 0 : index
    %get3A_886 = vector.load %arg3[%get3A_884, %get3A_885] : memref<10x512xf32, #tpu.memory_space<vmem>>, vector<1x512xf32>
    %get3A_887 = arith.index_cast %scan3A_874 : i32 to index
    %get3A_888 = arith.constant 0 : index
    %get3A_889 = vector.load %arg4[%get3A_887, %get3A_888] : memref<10x512xf32, #tpu.memory_space<vmem>>, vector<1x512xf32>
    %max3A_890 = vector.broadcast %dot_general3A_786 : vector<512x1xf32> to vector<512x512xf32>
    %max3A_891 = vector.broadcast %get3A_877 : vector<1x512xf32> to vector<512x512xf32>
    %max3A_892 = arith.maximumf %max3A_890, %max3A_891 : vector<512x512xf32>
    %max3A_893 = vector.broadcast %dot_general3A_791 : vector<512x1xf32> to vector<512x512xf32>
    %max3A_894 = vector.broadcast %get3A_880 : vector<1x512xf32> to vector<512x512xf32>
    %max3A_895 = arith.maximumf %max3A_893, %max3A_894 : vector<512x512xf32>
    %min3A_896 = vector.broadcast %dot_general3A_796 : vector<512x1xf32> to vector<512x512xf32>
    %min3A_897 = vector.broadcast %get3A_883 : vector<1x512xf32> to vector<512x512xf32>
    %min3A_898 = arith.minimumf %min3A_896, %min3A_897 : vector<512x512xf32>
    %min3A_899 = vector.broadcast %dot_general3A_801 : vector<512x1xf32> to vector<512x512xf32>
    %min3A_900 = vector.broadcast %get3A_886 : vector<1x512xf32> to vector<512x512xf32>
    %min3A_901 = arith.minimumf %min3A_899, %min3A_900 : vector<512x512xf32>
    %sub3A_902 = arith.subf %min3A_898, %max3A_892 : vector<512x512xf32>
    %max3A_903 = arith.constant 0.000000e+00 : f32
    %max3A_904 = vector.broadcast %max3A_903 : f32 to vector<512x512xf32>
    %max3A_905 = arith.maximumf %sub3A_902, %max3A_904 : vector<512x512xf32>
    %sub3A_906 = arith.subf %min3A_901, %max3A_895 : vector<512x512xf32>
    %max3A_907 = arith.constant 0.000000e+00 : f32
    %max3A_908 = vector.broadcast %max3A_907 : f32 to vector<512x512xf32>
    %max3A_909 = arith.maximumf %sub3A_906, %max3A_908 : vector<512x512xf32>
    %mul3A_910 = arith.mulf %max3A_905, %max3A_909 : vector<512x512xf32>
    %add3A_911 = vector.broadcast %dot_general3A_806 : vector<512x1xf32> to vector<512x512xf32>
    %add3A_912 = vector.broadcast %get3A_889 : vector<1x512xf32> to vector<512x512xf32>
    %add3A_913 = arith.addf %add3A_911, %add3A_912 : vector<512x512xf32>
    %sub3A_914 = arith.subf %add3A_913, %mul3A_910 : vector<512x512xf32>
    %add3A_915 = arith.constant 9.99999971E-10 : f32
    %add3A_916 = vector.broadcast %add3A_915 : f32 to vector<512x512xf32>
    %add3A_917 = arith.addf %sub3A_914, %add3A_916 : vector<512x512xf32>
    %div3A_918 = arith.divf %mul3A_910, %add3A_917 : vector<512x512xf32>
    %gt3A_919 = arith.constant 5.000000e-01 : f32
    %gt3A_920 = vector.broadcast %gt3A_919 : f32 to vector<512x512xf32>
    %gt3A_921 = arith.cmpf ogt, %div3A_918, %gt3A_920 : vector<512x512xf32>
    %jit3A_922 = arith.constant 1.000000e+00 : f32
    %jit3A_923 = arith.constant 0.000000e+00 : f32
    %broadcast_in_dim3A_924 = vector.broadcast %jit3A_922 : f32 to vector<512x512xf32>
    %broadcast_in_dim3A_925 = vector.broadcast %jit3A_923 : f32 to vector<512x512xf32>
    %select_n3A_926 = arith.select %gt3A_921, %broadcast_in_dim3A_924, %broadcast_in_dim3A_925 : vector<512x512xi1>, vector<512x512xf32>
    %dot_general3A_927 = arith.constant dense<0.000000e+00> : vector<1x512xf32>
    %dot_general3A_928 = tpu.matmul %while3A_870#0, %select_n3A_926, %dot_general3A_927 {dimension_numbers = #tpu.dot_dimension_numbers<[1], [0], [0], [1], [0, 0, 1, 1], [], []>, transpose_lhs_hint = false} : vector<1x512xf32>, vector<512x512xf32>, vector<1x512xf32> -> vector<1x512xf32>
    %get3A_929 = arith.index_cast %scan3A_874 : i32 to index
    %get3A_930 = arith.constant 0 : index
    %get3A_931 = vector.load %arg6[%get3A_929, %get3A_930] : memref<10x512xf32, #tpu.memory_space<vmem>>, vector<1x512xf32>
    %lt3A_932 = arith.constant 5.000000e-01 : f32
    %lt3A_933 = vector.broadcast %lt3A_932 : f32 to vector<1x512xf32>
    %lt3A_934 = arith.cmpf olt, %dot_general3A_928, %lt3A_933 : vector<1x512xf32>
    %jit3A_935 = arith.constant 1.000000e+00 : f32
    %jit3A_936 = arith.constant 0.000000e+00 : f32
    %broadcast_in_dim3A_937 = vector.broadcast %jit3A_935 : f32 to vector<1x512xf32>
    %broadcast_in_dim3A_938 = vector.broadcast %jit3A_936 : f32 to vector<1x512xf32>
    %select_n3A_939 = arith.select %lt3A_934, %broadcast_in_dim3A_937, %broadcast_in_dim3A_938 : vector<1x512xi1>, vector<1x512xf32>
    %mul3A_940 = arith.mulf %get3A_931, %select_n3A_939 : vector<1x512xf32>
    %swap3A_941 = arith.index_cast %scan3A_874 : i32 to index
    %swap3A_942 = arith.constant 0 : index
    %swap3A_943 = vector.load %arg6[%swap3A_941, %swap3A_942] : memref<10x512xf32, #tpu.memory_space<vmem>>, vector<1x512xf32>
    tpu.vector_store %arg6[%swap3A_941, %swap3A_942], %mul3A_940 {strides = array<i32>} : memref<10x512xf32, #tpu.memory_space<vmem>>, vector<1x512xf32>,
    %scan3A_944 = arith.constant 1 : i32
    %get3A_945 = arith.constant 9 : index
    %get3A_946 = arith.constant 0 : index
    %get3A_947 = vector.load %arg0[%get3A_945, %get3A_946] : memref<10x512xf32, #tpu.memory_space<vmem>>, vector<1x512xf32>
    %dot_general3A_948 = arith.constant dense<0.000000e+00> : vector<512x1xf32>
    %dot_general3A_949 = tpu.matmul %select_n3A_15, %get3A_947, %dot_general3A_948 {dimension_numbers = #tpu.dot_dimension_numbers<[1], [1], [0], [0], [0, 0, 1, 0], [], []>, precision = #tpu.contract_precision<fp32>, transpose_lhs_hint = false} : vector<512x512xf32>, vector<1x512xf32>, vector<512x1xf32> -> vector<512x1xf32>
    %get3A_950 = arith.constant 9 : index
    %get3A_951 = arith.constant 0 : index
    %get3A_952 = vector.load %arg1[%get3A_950, %get3A_951] : memref<10x512xf32, #tpu.memory_space<vmem>>, vector<1x512xf32>
    %dot_general3A_953 = arith.constant dense<0.000000e+00> : vector<512x1xf32>
    %dot_general3A_954 = tpu.matmul %select_n3A_15, %get3A_952, %dot_general3A_953 {dimension_numbers = #tpu.dot_dimension_numbers<[1], [1], [0], [0], [0, 0, 1, 0], [], []>, precision = #tpu.contract_precision<fp32>, transpose_lhs_hint = false} : vector<512x512xf32>, vector<1x512xf32>, vector<512x1xf32> -> vector<512x1xf32>
    %get3A_955 = arith.constant 9 : index
    %get3A_956 = arith.constant 0 : index
    %get3A_957 = vector.load %arg2[%get3A_955, %get3A_956] : memref<10x512xf32, #tpu.memory_space<vmem>>, vector<1x512xf32>
    %dot_general3A_958 = arith.constant dense<0.000000e+00> : vector<512x1xf32>
    %dot_general3A_959 = tpu.matmul %select_n3A_15, %get3A_957, %dot_general3A_958 {dimension_numbers = #tpu.dot_dimension_numbers<[1], [1], [0], [0], [0, 0, 1, 0], [], []>, precision = #tpu.contract_precision<fp32>, transpose_lhs_hint = false} : vector<512x512xf32>, vector<1x512xf32>, vector<512x1xf32> -> vector<512x1xf32>
    %get3A_960 = arith.constant 9 : index
    %get3A_961 = arith.constant 0 : index
    %get3A_962 = vector.load %arg3[%get3A_960, %get3A_961] : memref<10x512xf32, #tpu.memory_space<vmem>>, vector<1x512xf32>
    %dot_general3A_963 = arith.constant dense<0.000000e+00> : vector<512x1xf32>
    %dot_general3A_964 = tpu.matmul %select_n3A_15, %get3A_962, %dot_general3A_963 {dimension_numbers = #tpu.dot_dimension_numbers<[1], [1], [0], [0], [0, 0, 1, 0], [], []>, precision = #tpu.contract_precision<fp32>, transpose_lhs_hint = false} : vector<512x512xf32>, vector<1x512xf32>, vector<512x1xf32> -> vector<512x1xf32>
    %get3A_965 = arith.constant 9 : index
    %get3A_966 = arith.constant 0 : index
    %get3A_967 = vector.load %arg4[%get3A_965, %get3A_966] : memref<10x512xf32, #tpu.memory_space<vmem>>, vector<1x512xf32>
    %dot_general3A_968 = arith.constant dense<0.000000e+00> : vector<512x1xf32>
    %dot_general3A_969 = tpu.matmul %select_n3A_15, %get3A_967, %dot_general3A_968 {dimension_numbers = #tpu.dot_dimension_numbers<[1], [1], [0], [0], [0, 0, 1, 0], [], []>, precision = #tpu.contract_precision<fp32>, transpose_lhs_hint = false} : vector<512x512xf32>, vector<1x512xf32>, vector<512x1xf32> -> vector<512x1xf32>
    %get3A_970 = arith.constant 9 : index
    %get3A_971 = arith.constant 0 : index
    %get3A_972 = vector.load %arg0[%get3A_970, %get3A_971] : memref<10x512xf32, #tpu.memory_space<vmem>>, vector<1x512xf32>
    %get3A_973 = arith.constant 9 : index
    %get3A_974 = arith.constant 0 : index
    %get3A_975 = vector.load %arg1[%get3A_973, %get3A_974] : memref<10x512xf32, #tpu.memory_space<vmem>>, vector<1x512xf32>
    %get3A_976 = arith.constant 9 : index
    %get3A_977 = arith.constant 0 : index
    %get3A_978 = vector.load %arg2[%get3A_976, %get3A_977] : memref<10x512xf32, #tpu.memory_space<vmem>>, vector<1x512xf32>
    %get3A_979 = arith.constant 9 : index
    %get3A_980 = arith.constant 0 : index
    %get3A_981 = vector.load %arg3[%get3A_979, %get3A_980] : memref<10x512xf32, #tpu.memory_space<vmem>>, vector<1x512xf32>
    %get3A_982 = arith.constant 9 : index
    %get3A_983 = arith.constant 0 : index
    %get3A_984 = vector.load %arg4[%get3A_982, %get3A_983] : memref<10x512xf32, #tpu.memory_space<vmem>>, vector<1x512xf32>
    %max3A_985 = vector.broadcast %dot_general3A_949 : vector<512x1xf32> to vector<512x512xf32>
    %max3A_986 = vector.broadcast %get3A_972 : vector<1x512xf32> to vector<512x512xf32>
    %max3A_987 = arith.maximumf %max3A_985, %max3A_986 : vector<512x512xf32>
    %max3A_988 = vector.broadcast %dot_general3A_954 : vector<512x1xf32> to vector<512x512xf32>
    %max3A_989 = vector.broadcast %get3A_975 : vector<1x512xf32> to vector<512x512xf32>
    %max3A_990 = arith.maximumf %max3A_988, %max3A_989 : vector<512x512xf32>
    %min3A_991 = vector.broadcast %dot_general3A_959 : vector<512x1xf32> to vector<512x512xf32>
    %min3A_992 = vector.broadcast %get3A_978 : vector<1x512xf32> to vector<512x512xf32>
    %min3A_993 = arith.minimumf %min3A_991, %min3A_992 : vector<512x512xf32>
    %min3A_994 = vector.broadcast %dot_general3A_964 : vector<512x1xf32> to vector<512x512xf32>
    %min3A_995 = vector.broadcast %get3A_981 : vector<1x512xf32> to vector<512x512xf32>
    %min3A_996 = arith.minimumf %min3A_994, %min3A_995 : vector<512x512xf32>
    %sub3A_997 = arith.subf %min3A_993, %max3A_987 : vector<512x512xf32>
    %max3A_998 = arith.constant 0.000000e+00 : f32
    %max3A_999 = vector.broadcast %max3A_998 : f32 to vector<512x512xf32>
    %max3A_1000 = arith.maximumf %sub3A_997, %max3A_999 : vector<512x512xf32>
    %sub3A_1001 = arith.subf %min3A_996, %max3A_990 : vector<512x512xf32>
    %max3A_1002 = arith.constant 0.000000e+00 : f32
    %max3A_1003 = vector.broadcast %max3A_1002 : f32 to vector<512x512xf32>
    %max3A_1004 = arith.maximumf %sub3A_1001, %max3A_1003 : vector<512x512xf32>
    %mul3A_1005 = arith.mulf %max3A_1000, %max3A_1004 : vector<512x512xf32>
    %add3A_1006 = vector.broadcast %dot_general3A_969 : vector<512x1xf32> to vector<512x512xf32>
    %add3A_1007 = vector.broadcast %get3A_984 : vector<1x512xf32> to vector<512x512xf32>
    %add3A_1008 = arith.addf %add3A_1006, %add3A_1007 : vector<512x512xf32>
    %sub3A_1009 = arith.subf %add3A_1008, %mul3A_1005 : vector<512x512xf32>
    %add3A_1010 = arith.constant 9.99999971E-10 : f32
    %add3A_1011 = vector.broadcast %add3A_1010 : f32 to vector<512x512xf32>
    %add3A_1012 = arith.addf %sub3A_1009, %add3A_1011 : vector<512x512xf32>
    %div3A_1013 = arith.divf %mul3A_1005, %add3A_1012 : vector<512x512xf32>
    %iota3A_1014 = tpu.iota {dimensions = array<i32: 0>} : vector<512x512xi32>
    %iota3A_1015 = tpu.iota {dimensions = array<i32: 1>} : vector<512x512xi32>
    %lt3A_1016 = arith.cmpi slt, %iota3A_1014, %iota3A_1015 : vector<512x512xi32>
    %gt3A_1017 = arith.constant 5.000000e-01 : f32
    %gt3A_1018 = vector.broadcast %gt3A_1017 : f32 to vector<512x512xf32>
    %gt3A_1019 = arith.cmpf ogt, %div3A_1013, %gt3A_1018 : vector<512x512xf32>
    %and3A_1020 = arith.andi %gt3A_1019, %lt3A_1016 : vector<512x512xi1>
    %jit3A_1021 = arith.constant 1.000000e+00 : f32
    %jit3A_1022 = arith.constant 0.000000e+00 : f32
    %broadcast_in_dim3A_1023 = vector.broadcast %jit3A_1021 : f32 to vector<512x512xf32>
    %broadcast_in_dim3A_1024 = vector.broadcast %jit3A_1022 : f32 to vector<512x512xf32>
    %select_n3A_1025 = arith.select %and3A_1020, %broadcast_in_dim3A_1023, %broadcast_in_dim3A_1024 : vector<512x512xi1>, vector<512x512xf32>
    %swap3A_1026 = arith.constant 0 : index
    %swap3A_1027 = arith.constant 0 : index
    %swap3A_1028 = vector.load %arg7[%swap3A_1026, %swap3A_1027] : memref<512x512xf32, #tpu.memory_space<vmem>>, vector<512x512xf32>
    tpu.vector_store %arg7[%swap3A_1026, %swap3A_1027], %select_n3A_1025 {strides = array<i32>} : memref<512x512xf32, #tpu.memory_space<vmem>>, vector<512x512xf32>,
    %get3A_1029 = arith.constant 9 : index
    %get3A_1030 = arith.constant 0 : index
    %get3A_1031 = vector.load %arg6[%get3A_1029, %get3A_1030] : memref<10x512xf32, #tpu.memory_space<vmem>>, vector<1x512xf32>
    %while3A_1032 = arith.constant true
    %while3A_1033:2 = scf.while (%while3A_1041 = %get3A_1031, %while3A_1042 = %while3A_1032) : (vector<1x512xf32>, i1) -> (vector<1x512xf32>, i1) {
      scf.condition(%while3A_1042) %while3A_1041, %while3A_1042 : vector<1x512xf32>, i1
    } do {
    ^bb0(%while3A_1041: vector<1x512xf32>, %while3A_1042: i1):
      %get3A_1043 = arith.constant 0 : index
      %get3A_1044 = arith.constant 0 : index
      %get3A_1045 = vector.load %arg7[%get3A_1043, %get3A_1044] : memref<512x512xf32, #tpu.memory_space<vmem>>, vector<512x512xf32>
      %dot_general3A_1046 = arith.constant dense<0.000000e+00> : vector<1x512xf32>
      %dot_general3A_1047 = tpu.matmul %while3A_1041, %get3A_1045, %dot_general3A_1046 {dimension_numbers = #tpu.dot_dimension_numbers<[1], [0], [0], [1], [0, 0, 1, 1], [], []>, transpose_lhs_hint = false} : vector<1x512xf32>, vector<512x512xf32>, vector<1x512xf32> -> vector<1x512xf32>
      %lt3A_1048 = arith.constant 5.000000e-01 : f32
      %lt3A_1049 = vector.broadcast %lt3A_1048 : f32 to vector<1x512xf32>
      %lt3A_1050 = arith.cmpf olt, %dot_general3A_1047, %lt3A_1049 : vector<1x512xf32>
      %jit3A_1051 = arith.constant 1.000000e+00 : f32
      %jit3A_1052 = arith.constant 0.000000e+00 : f32
      %broadcast_in_dim3A_1053 = vector.broadcast %jit3A_1051 : f32 to vector<1x512xf32>
      %broadcast_in_dim3A_1054 = vector.broadcast %jit3A_1052 : f32 to vector<1x512xf32>
      %select_n3A_1055 = arith.select %lt3A_1050, %broadcast_in_dim3A_1053, %broadcast_in_dim3A_1054 : vector<1x512xi1>, vector<1x512xf32>
      %mul3A_1056 = arith.mulf %get3A_1031, %select_n3A_1055 : vector<1x512xf32>
      %get3A_1057 = arith.constant 0 : index
      %get3A_1058 = arith.constant 0 : index
      %get3A_1059 = vector.load %arg7[%get3A_1057, %get3A_1058] : memref<512x512xf32, #tpu.memory_space<vmem>>, vector<512x512xf32>
      %dot_general3A_1060 = arith.constant dense<0.000000e+00> : vector<1x512xf32>
      %dot_general3A_1061 = tpu.matmul %mul3A_1056, %get3A_1059, %dot_general3A_1060 {dimension_numbers = #tpu.dot_dimension_numbers<[1], [0], [0], [1], [0, 0, 1, 1], [], []>, transpose_lhs_hint = false} : vector<1x512xf32>, vector<512x512xf32>, vector<1x512xf32> -> vector<1x512xf32>
      %lt3A_1062 = arith.constant 5.000000e-01 : f32
      %lt3A_1063 = vector.broadcast %lt3A_1062 : f32 to vector<1x512xf32>
      %lt3A_1064 = arith.cmpf olt, %dot_general3A_1061, %lt3A_1063 : vector<1x512xf32>
      %jit3A_1065 = arith.constant 1.000000e+00 : f32
      %jit3A_1066 = arith.constant 0.000000e+00 : f32
      %broadcast_in_dim3A_1067 = vector.broadcast %jit3A_1065 : f32 to vector<1x512xf32>
      %broadcast_in_dim3A_1068 = vector.broadcast %jit3A_1066 : f32 to vector<1x512xf32>
      %select_n3A_1069 = arith.select %lt3A_1064, %broadcast_in_dim3A_1067, %broadcast_in_dim3A_1068 : vector<1x512xi1>, vector<1x512xf32>
      %mul3A_1070 = arith.mulf %get3A_1031, %select_n3A_1069 : vector<1x512xf32>
      %ne3A = arith.cmpf one, %mul3A_1070, %mul3A_1056 : vector<1x512xf32>
      %reduce_or3A = arith.constant 1.000000e+00 : f32
      %reduce_or3A_1071 = arith.constant 0.000000e+00 : f32
      %reduce_or3A_1072 = vector.broadcast %reduce_or3A : f32 to vector<1x512xf32>
      %reduce_or3A_1073 = vector.broadcast %reduce_or3A_1071 : f32 to vector<1x512xf32>
      %reduce_or3A_1074 = arith.select %ne3A, %reduce_or3A_1072, %reduce_or3A_1073 : vector<1x512xi1>, vector<1x512xf32>
      %reduce_or3A_1075 = vector.shape_cast %reduce_or3A_1074 : vector<1x512xf32> to vector<1x1x512xf32>
      %reduce_or3A_1076 = arith.constant dense<0xFF800000> : vector<1xf32>
      %reduce_or3A_1077 = vector.multi_reduction <maximumf>, %reduce_or3A_1075, %reduce_or3A_1076 [1, 2] : vector<1x1x512xf32> to vector<1xf32>
      %reduce_or3A_1078 = vector.shape_cast %reduce_or3A_1077 : vector<1xf32> to vector<1x1x1xf32>
      %reduce_or3A_1079 = vector.extract %reduce_or3A_1078[0, 0, 0] : f32 from vector<1x1x1xf32>
      %reduce_or3A_1080 = arith.constant 0.000000e+00 : f32
      %reduce_or3A_1081 = arith.cmpf ogt, %reduce_or3A_1079, %reduce_or3A_1080 : f32
      scf.yield %mul3A_1070, %reduce_or3A_1081 : vector<1x512xf32>, i1
    }
    %swap3A_1034 = arith.constant 9 : index
    %swap3A_1035 = arith.constant 0 : index
    %swap3A_1036 = vector.load %arg5[%swap3A_1034, %swap3A_1035] : memref<10x512xf32, #tpu.memory_space<vmem>>, vector<1x512xf32>
    tpu.vector_store %arg5[%swap3A_1034, %swap3A_1035], %while3A_1033#0 {strides = array<i32>} : memref<10x512xf32, #tpu.memory_space<vmem>>, vector<1x512xf32>,
    %scan3A_1037 = arith.constant 10 : i32
    %scan3A_1038 = arith.constant 0 : i32
    %scan3A_1039 = arith.addi %scan3A_1037, %scan3A_1038 : i32
    %scan3A_1040 = arith.constant 0 : i32
    return
  }
}

</mosaic_0001>

<sc_bundles>
// kernel: kernel.6.cloned.1.call-start
scs
__scs_entry_jumppad:
0x0: {  	(pc) =	sbr.rel $0x88, $3  }
0x1: {  	(tag) =	ssettag $0x0;
	lr =	simm.s32 $0x1  }
0x2: {  	[smem:$0x3F9F] =	sst lr;
	_ =	strace $0xD0000000  }
0x3: {  	_ = 	snop  }
0x4: {  	_ = 	snop  }
0x5: {  	_ = 	snop  }
0x6: {  	_ = 	snop  }
0x7: {  	_ = 	snop  }
__scs_overlays_trampoline_lowered:
0x8: {  	[smem:$0x3FAE] =	sst s0  }
0x9: {  	[smem:$0x3FAF] =	sst s1  }
0xa: {  	[smem:$0x3FB0] =	sst s2  }
0xb: {  	[smem:$0x3FB1] =	sst s3  }
0xc: {  	[smem:$0x3FB2] =	sst s4  }
0xd: {  	[smem:$0x3FB3] =	sst s5  }
0xe: {  	[smem:$0x3FB4] =	sst s6  }
0xf: {  	[smem:$0x3FB5] =	sst s7  }
0x10: {  	[smem:$0x3FB6] =	sst s8  }
0x11: {  	[smem:$0x3FB7] =	sst s9;
	s0 =	simm.s32 @!p0 $0x0  }
0x12: {  	s1 =	sld [smem:$0x3F9D];
	s0 =	simm.s32 @p0 $0x1  }
0x13: {  	[smem:$0x3FB8] =	sst s0;
	s0 =	simm.s32 @!p1 $0x0  }
0x14: {  	s2 =	sld [smem:$0x3F9C];
	s0 =	simm.s32 @p1 $0x1  }
0x15: {  	[smem:$0x3FB9] =	sst s0;
	s0 =	simm.s32 @!p2 $0x0  }
0x16: {  	s3 =	sld [smem:$0x3FDB];
	s0 =	simm.s32 @p2 $0x1  }
0x17: {  	s4 =	simm.s32 $0x1BF5;
	[smem:$0x3FBB] =	sst s0  }
0x18: {  	s0 =	sld [smem:$0x3F9E];
	_ =	swait.ge [sflag:s4], $0x0  }
0x19: {  	s7 =	sld [smem:$0x3F9F]  }
0x1a: {  	s8 =	sadd.s32 $0xFFFFE003, lr  }
0x1b: {  	s9 =	sadd.s32 $0xFFFFFEF7, lr;
	s5 =	simm.s32 $0xFFFFFFFF;
	p2 =	slt.u32 s8, $0xFFFFF086  }
0x1c: {  	p1 =	slt.u32 s9, $0xF7A;
	s5 =	simm.s32 @!p2 $0x0  }
0x1d: {  	s5 =	simm.s32 @p1 $0x1;
	p0 =	seq.s32 s7, s2  }
0x1e: {  	s7 =	smul.u32 @!p0 $0xF7A, s2;
	p2 =	seq.s32 @!p0 s5, $0x0  }
0x1f: {  	s9 =	smul.u32 $0xF7A, s1;
	s8 =	simm.s32 @!p0 $0x1BF5;
	p2 =	por !p2, p0  }
0x20: {  	[sflag:s8] =	ssyncset.s32 @!p0 $0xFFFFF086;
	s6 =	sadd.s32 @!p0 s3, s7;
	s7 =	simm.s32 @!p0 $0x108  }
0x21: {  	s3 =	sadd.s32 s3, s9;
	s6 =	sadd.s32 @!p0 $0x88, s6;
	s7 =	simm.s32 @p2 $0x1082  }
0x22: {  	[simem:s7], [sflag:s8] =	dma.local @!p0 [hbm:s6], $0xF7A  }
0x23: {  	s9 =	sor.u32 $0xD0000000, s2;
	s6 =	simm.s32 $0x108;
	_ =	swait.ge @!p0 [sflag:s8], $0x0  }
0x24: {  	s3 =	sadd.s32 $0x88, s3;
	s6 =	simm.s32 @!p1 $0x1082;
	[sflag:s4] =	ssyncset.s32 $0xFFFFF086  }
0x25: {  	[simem:s6], [sflag:s4] =	dma.local [hbm:s3], $0xF7A  }
0x26: {  	[smem:$0x3F9F] =	sst s1;
	(tag) =	ssettag s2;
	_ =	strace s9  }
0x27: {  	s1 =	sld [smem:$0x3FAF]  }
0x28: {  	s2 =	sld [smem:$0x3FB0]  }
0x29: {  	s4 =	sld [smem:$0x3FB2]  }
0x2a: {  	p0 =	seq.s32 s5, $0x0;
	s5 =	sld [smem:$0x3FB3]  }
0x2b: {  	s6 =	sld [smem:$0x3FB4]  }
0x2c: {  	s7 =	sld [smem:$0x3FB5]  }
0x2d: {  	s3 =	simm.s32 $0x108;
	s8 =	sld [smem:$0x3FB6]  }
0x2e: {  	s3 =	simm.s32 @!p0 $0x1082;
	s9 =	sld [smem:$0x3FB7]  }
0x2f: {  	lr =	sadd.s32 s0, s3;
	s0 =	sld [smem:$0x3FAE]  }
0x30: {  	s3 =	sld [smem:$0x3FB1]  }
0x31: {  	[smem:$0x3FBA] =	sst s10  }
0x32: {  	s10 =	sld [smem:$0x3FB8];
	_ =	sdelay $0x3  }
0x33: {  	p0 =	seq.s32 s10, $0x1;
	s10 =	sld [smem:$0x3FBA];
	_ =	sdelay $0x3  }
0x34: {  	[smem:$0x3FBA] =	sst s10  }
0x35: {  	s10 =	sld [smem:$0x3FB9];
	_ =	sdelay $0x3  }
0x36: {  	p1 =	seq.s32 s10, $0x1;
	s10 =	sld [smem:$0x3FBA];
	_ =	sdelay $0x3  }
0x37: {  	[smem:$0x3FBA] =	sst s10  }
0x38: {  	s10 =	sld [smem:$0x3FBB]  }
0x39: {  	_ = 	snop;
	(pc) =	sbr.ind lr, $3  }
0x3a: {  	_ = 	snop  }
0x3b: {  	_ = 	snop  }
0x3c: {  	p2 =	seq.s32 s10, $0x1;
	s10 =	sld [smem:$0x3FBA]  }
0x3d: {  	_ =	shalt  }
0x3e: {  	_ =	shalt  }
0x3f: {  	_ =	shalt  }
0x40: {  	_ =	shalt  }
0x41: {  	_ =	shalt  }
0x42: {  	_ =	shalt  }
0x43: {  	_ =	shalt  }
0x44: {  	_ =	shalt  }
0x45: {  	_ =	shalt  }
0x46: {  	_ =	shalt  }
0x47: {  	_ =	shalt  }
0x48: {  	_ =	shalt  }
0x49: {  	_ =	shalt  }
0x4a: {  	_ =	shalt  }
0x4b: {  	_ =	shalt  }
0x4c: {  	_ =	shalt  }
0x4d: {  	_ =	shalt  }
0x4e: {  	_ =	shalt  }
0x4f: {  	_ =	shalt  }
0x50: {  	_ =	shalt  }
0x51: {  	_ =	shalt  }
0x52: {  	_ =	shalt  }
0x53: {  	_ =	shalt  }
0x54: {  	_ =	shalt  }
0x55: {  	_ =	shalt  }
0x56: {  	_ =	shalt  }
0x57: {  	_ =	shalt  }
0x58: {  	_ =	shalt  }
0x59: {  	_ =	shalt  }
0x5a: {  	_ =	shalt  }
0x5b: {  	_ =	shalt  }
0x5c: {  	_ =	shalt  }
0x5d: {  	_ =	shalt  }
0x5e: {  	_ =	shalt  }
0x5f: {  	_ =	shalt  }
0x60: {  	_ =	shalt  }
0x61: {  	_ =	shalt  }
0x62: {  	_ =	shalt  }
0x63: {  	_ =	shalt  }
0x64: {  	_ =	shalt  }
0x65: {  	_ =	shalt  }
0x66: {  	_ =	shalt  }
0x67: {  	_ =	shalt  }
0x68: {  	_ =	shalt  }
0x69: {  	_ =	shalt  }
0x6a: {  	_ =	shalt  }
0x6b: {  	_ =	shalt  }
0x6c: {  	_ =	shalt  }
0x6d: {  	_ =	shalt  }
0x6e: {  	_ =	shalt  }
0x6f: {  	_ =	shalt  }
0x70: {  	_ =	shalt  }
0x71: {  	_ =	shalt  }
0x72: {  	_ =	shalt  }
0x73: {  	_ =	shalt  }
0x74: {  	_ =	shalt  }
0x75: {  	_ =	shalt  }
0x76: {  	_ =	shalt  }
0x77: {  	_ =	shalt  }
0x78: {  	_ =	shalt  }
0x79: {  	_ =	shalt  }
0x7a: {  	_ =	shalt  }
0x7b: {  	_ =	shalt  }
0x7c: {  	_ =	shalt  }
0x7d: {  	_ =	shalt  }
0x7e: {  	_ =	shalt  }
0x7f: {  	_ =	shalt  }
0x80: {  	_ =	shalt  }
0x81: {  	_ =	shalt  }
0x82: {  	_ =	shalt  }
0x83: {  	_ =	shalt  }
0x84: {  	_ =	shalt  }
0x85: {  	_ =	shalt  }
0x86: {  	_ =	shalt  }
0x87: {  	_ =	shalt  }
.Lfunc_end0:
.L_simem_size_0:
called_computation_lowered:
.L_overlay_start_0:
0x88: {  	s2 =	sld [smem:$0x3FD9]  }
0x89: {  	s3 =	sld [smem:$0x3FFE];
	_ =	sdelay $0x1  }
0x8a: {  	s1 =	srdreg.scid  }
0x8b: {  	s0 =	sand.u32 $0x1, s1  }
0x8c: {  	s17 =	sshll.u32 s0, $0xA;
	s2 =	sadd.s32 s3, s2  }
0x8d: {  	s2 =	sadd.s32 s2, s17  }
0x8e: {  	[smem:$0x3FC6] =	sst s2  }
0x8f: {  	_ = 	snop  }
0x90: {  	s2 =	sld [smem:$0x3FD0];
	(tm) =	ssettm $0x1  }
0x91: {  	s18 =	sld [smem:$0x3FFB];
	_ =	sdelay $0x3  }
0x92: {  	_ =	strace s18  }
0x93: {  	s3 =	sld [smem:$0x3FFC];
	_ =	sdelay $0x3  }
0x94: {  	_ =	strace s3  }
0x95: {  	s3 =	sld [smem:$0x3FFD];
	_ =	sdelay $0x3  }
0x96: {  	_ =	strace s3  }
0x97: {  	_ =	strace $0x8FFFFFFF  }
0x98: {  	s19 =	sld [smem:$0x3FDB];
	_ =	sdelay $0x1  }
0x99: {  	s4 =	simm.s32 $_scs_section_size  }
0x9a: {  	s5 =	simm.s32 $_size__tile_overlayer_lowered;
	s6 =	simm.s32 $_tile_overlayer_lowered  }
0x9b: {  	s22 =	simm.s32 $0x1BFF;
	s21 =	sshll.u32 s6, $0x1;
	s3 =	sadd.s32 s4, s19  }
0x9c: {  	s7 =	simm.s32 $0x0;
	s20 =	sshll.u32 s5, $0x1;
	s5 =	sadd.s32 s21, s3  }
0x9d: {  	[timem:s7], [sflag:s22] =	dma.local [hbm:s5], s20  }
0x9e: {  	_ =	swait.ge [sflag:s22], s20  }
0x9f: {  	s4 =	ssub.s32 $0x0, s20;
	[sflag:s22] =	ssyncset.done $0x0  }
0xa0: {  	[sflag:s22] =	ssyncadd.s32 s4;
	_ =	sdelay $0x1  }
0xa1: {  	s23 =	simm.s32 $0x1B8B  }
0xa2: {  	_ =	swait.ge [sflag:s23], $0x1  }
0xa3: {  	[sflag:s23] =	ssyncset.done $0x0  }
0xa4: {  	s25 =	simm.s32 $0x1B8E;
	s24 =	sld [smem:$0x3FFE];
	[sflag:s23] =	ssyncadd.s32 $0xFFFFFFFF  }
0xa5: {  	s26 =	simm.s32 $execute0_lowered;
	[smem:$0x3FD2] =	sst s25  }
0xa6: {  	s5 =	sshll.u32 s26, $0x1;
	_ =	strace $0x80000046;
	[dreg:$0x1] =	wrdreg $0xFFFFFFFF  }
0xa7: {  	s28 =	simm.s32 $_size_execute0_lowered;
	s3 =	sadd.s32 s3, s5;
	[dreg:$0x0] =	wrdreg $0x0  }
0xa8: {  	s5 =	sshll.u32 s28, $0x1;
	[dreg:$0x2] =	wrdreg s3  }
0xa9: {  	[dreg:$0x3] =	wrdreg s5  }
0xaa: {  	[dreg:$0x4] =	wrdreg $0xC0  }
0xab: {  	_ =	task [dreg:s7], $0x5FFFF  }
0xac: {  	[dreg:$0x1] =	wrdreg $0xFFFFFFFF  }
0xad: {  	[dreg:$0x0] =	wrdreg $0x60  }
0xae: {  	[dreg:$0x2] =	wrdreg s24  }
0xaf: {  	[dreg:$0x3] =	wrdreg s2  }
0xb0: {  	[dreg:$0x4] =	wrdreg $0x9  }
0xb1: {  	_ =	task.clear_ibuf [dreg:s7], $0x5FFFF;
	_ =	strace $0x90000046  }
0xb2: {  	s29 =	simm.s32 $0x9;
	_ =	strace $0x80000048  }
0xb3: {  	_ =	swait.ge [sflag:s29], $0x1  }
0xb4: {  	[sflag:s29] =	ssyncadd.s32 $0xFFFFFFFF  }
0xb5: {  	_ =	strace $0x90000048  }
0xb6: {  	_ =	sfence  }
0xb7: {  	s30 =	sld [smem:$0x0];
	_ =	sdelay $0x2  }
0xb8: {  	s31 =	sshll.u32 s1, $0xD;
	s1 =	sshrl.u32 s1, $0x2  }
0xb9: {  	s3 =	sand.u32 $0x4000, s31;
	s1 =	sadd.s32 s1, s30  }
0xba: {  	s0 =	sor.u32 s3, s0;
	s1 =	sshll.u32 s1, $0x11  }
0xbb: {  	s0 =	sor.u32 s1, s0  }
0xbc: {  	s0 =	sadd.s32 $0x8F2B, s0  }
0xbd: {  	[sflag:s0] =	ssyncadd.remote.s32 $0x1  }
0xbe: {  	_ =	sfence.sel $0xFFFF  }
0xbf: {  	[dreg:$0x0] =	wrdreg $0xFFFFFFFF;
	(pc) =	sbr.abs _section_cstart, $3  }
0xc0: {  	[dreg:$0x1] =	wrdreg $0xFFFFFFFF  }
0xc1: {  	_ =	task.clear_ibuf [dreg:s7], $0x2FFFF;
	_ =	strace $0x9FFFFFFF  }
0xc2: {  	(tm) =	ssettm $0x7FFFFFFF  }
0xc3: {  	_ =	shalt  }
tec
execute0_lowered:
.L_overlay_start_1:
0x0: {  	(tag) =	ssettag $0x1  }
0x1: {  	s1 =	rddreg [dreg:$0x0]  }
0x2: {  	s3 =	srdreg.scid;
	s0 =	stileid.u32  }
0x3: {  	s2 =	rddreg [dreg:$0x1];
	s19 =	simm.s32 $0x1;
	s20 =	simm.s32 $0x1400  }
0x4: {  	s21 =	simm.s32 $0x2800;
	s22 =	simm.s32 $0x3C00;
	s23 =	simm.s32 $0x5000  }
0x5: {  	s24 =	simm.s32 $0x6400;
	s25 =	simm.s32 $0x7800;
	s26 =	simm.s32 $0x8C00  }
0x6: {  	s28 =	simm.s32 $0xA000;
	s29 =	simm.s32 $0xB400;
	s30 =	simm.s32 $0x0  }
0x7: {  	s6 =	sand.u32 $0x1, s3;
	s4 =	sshll.u32 s0, $0x1;
	s3 =	simm.s32 $0x0  }
0x8: {  	s5 =	sadd.s32 $0x2200, s1;
	s4 =	sor.u32 s6, s4;
	[smem:$0x7FF] =	sst s3  }
0x9: {  	s8 =	ssub.s32 $0x2, s6;
	s6 =	sadd.s32 $0x2600, s1;
	s17 =	smul.u32 $0xA0, s4  }
0xa: {  	_ =	strace $0x80000047;
	s4 =	sadd.s32 $0x2A00, s1;
	s9 =	sshrl.u32 s8, $0x1  }
0xb: {  	s31 =	ssub.s32 s8, s9;
	s7 =	sshrl.u32 s17, $0x3;
	s9 =	sadd.s32 $0x6400, s17  }
0xc: {  	s11 =	sadd.s32 $0x7800, s17;
	s13 =	sadd.s32 $0x8C00, s17;
	s15 =	sor.u32 $0xA000, s17  }
0xd: {  	s17 =	sadd.s32 $0xB400, s17;
	s18 =	smax.u32 s31, $0x1;
	s16 =	sadd.s32 s7, s1  }
0xe: {  	s7 =	sadd.s32 $0x1E00, s1;
	s8 =	sadd.s32 $0x2E00, s16;
	s10 =	sadd.s32 $0x3200, s16  }
0xf: {  	s12 =	sadd.s32 $0x3600, s16;
	s14 =	sadd.s32 $0x3A00, s16;
	s16 =	sadd.s32 $0x3E00, s16  }
.LBB2_1:
0x10: {  	[tilespmem:s3], [sflag:$0x1] =	stream.linear.gather [hbm4b:s4+s3], $0x1400, $0x38;
	[tilespmem:$0xC800] =	vst v63  }
0x11: {  	_ =	swait.ge [sflag:s19], $0x1400  }
0x12: {  	[sflag:s19] =	ssyncset.done $0x0  }
0x13: {  	[sflag:s19] =	ssyncadd.s32 $0xFFFFEC00  }
0x14: {  	[tilespmem:s20], [sflag:$0x1] =	stream.linear.gather [hbm4b:s5+s3], $0x1400, $0x38;
	[tilespmem:$0xC800] =	vst v63  }
0x15: {  	_ =	swait.ge [sflag:s19], $0x1400  }
0x16: {  	[sflag:s19] =	ssyncset.done $0x0  }
0x17: {  	[sflag:s19] =	ssyncadd.s32 $0xFFFFEC00  }
0x18: {  	[tilespmem:s21], [sflag:$0x1] =	stream.linear.gather [hbm4b:s6+s3], $0x1400, $0x38;
	[tilespmem:$0xC800] =	vst v63  }
0x19: {  	_ =	swait.ge [sflag:s19], $0x1400  }
0x1a: {  	[sflag:s19] =	ssyncset.done $0x0  }
0x1b: {  	[sflag:s19] =	ssyncadd.s32 $0xFFFFEC00  }
0x1c: {  	[tilespmem:s22], [sflag:$0x1] =	stream.linear.gather [hbm4b:s2+s3], $0x1400, $0x38;
	[tilespmem:$0xC800] =	vst v63  }
0x1d: {  	_ =	swait.ge [sflag:s19], $0x1400  }
0x1e: {  	[sflag:s19] =	ssyncset.done $0x0  }
0x1f: {  	[sflag:s19] =	ssyncadd.s32 $0xFFFFEC00  }
0x20: {  	[tilespmem:s23], [sflag:$0x1] =	stream.linear.gather [hbm4b:s7+s3], $0x1400, $0x38;
	[tilespmem:$0xC800] =	vst v63  }
0x21: {  	_ =	swait.ge [sflag:s19], $0x1400  }
0x22: {  	[sflag:s19] =	ssyncset.done $0x0  }
0x23: {  	s0 =	simm.s32 $0x0;
	[sflag:s19] =	ssyncadd.s32 $0xFFFFEC00  }
0x24: {  	v0 =	vld [tilespmem:s0+$0x3C00]  }
0x25: {  	v2 =	vld [tilespmem:s0+$0x1400];
	_ =	sdelay $0x2  }
0x26: {  	v1 =	vld [tilespmem:s0+$0x0]  }
0x27: {  	v3 =	vld [tilespmem:s0+$0x2800]  }
0x28: {  	v4 =	vmin.f32 v2, v0;
	v2 =	vmax.f32 v2, v0;
	v0 =	vld [tilespmem:s0+$0x5000];
	_ =	sdelay $0x3  }
0x29: {  	v5 =	vmin.f32 v1, v3;
	v1 =	vmax.f32 v1, v3  }
0x2a: {  	v3 =	vmul.f32 $1.000000000e+03, v5;
	v1 =	vmul.f32 $1.000000000e+03, v1  }
0x2b: {  	s1 =	simm.s32 $0x80;
	s31 =	simm.s32 $0x10;
	v4 =	vmul.f32 $1.000000000e+03, v4;
	v2 =	vmul.f32 $1.000000000e+03, v2  }
.LBB2_2:
0x2c: {  	p0 =	sne.s32 s1, $0x4FC0;
	s0 =	smov.u32 s1;
	s1 =	sadd.s32 $0x40, s1  }
0x2d: {  	v5 =	vsub.f32 v1, v3;
	v6 =	vsub.f32 v2, v4;
	[tilespmem:v0+s24+$0x0] =	vst.idx.msk $0xffff, v3  }
0x2e: {  	[tilespmem:v0+s25+$0x0] =	vst.idx.msk $0xffff, v4  }
0x2f: {  	v3 =	vmul.f32 v6, v5;
	[tilespmem:v0+s26+$0x0] =	vst.idx.msk $0xffff, v1  }
0x30: {  	s0 =	sshra.s32 s0, $0x2;
	[tilespmem:v0+s28+$0x0] =	vst.idx.msk $0xffff, v2  }
0x31: {  	[tilespmem:v0+s29+$0x0] =	vst.idx.msk $0xffff, v3  }
0x32: {  	v1 =	vld [tilespmem:s31+$0x3C00]  }
0x33: {  	v2 =	vld [tilespmem:s31+$0x0]  }
0x34: {  	v3 =	vld [tilespmem:s31+$0x1400]  }
0x35: {  	v4 =	vld [tilespmem:s31+$0x2800]  }
0x36: {  	v0 =	vld [tilespmem:s31+$0x5000];
	s31 =	smov.u32 s0;
	_ =	sdelay $0x1  }
.Ltmp0:
0x37: {  	(pc) =	sbr.rel @p0 .LBB2_2-.Ltmp0, $4  }
0x38: {  	v5 =	vmin.f32 v3, v1;
	v6 =	vmax.f32 v3, v1  }
0x39: {  	v1 =	vmin.f32 v2, v4;
	v2 =	vmax.f32 v2, v4  }
0x3a: {  	v3 =	vmul.f32 $1.000000000e+03, v1;
	v1 =	vmul.f32 $1.000000000e+03, v2  }
0x3b: {  	v4 =	vmul.f32 $1.000000000e+03, v5;
	v2 =	vmul.f32 $1.000000000e+03, v6  }
0x3c: {  	_ =	sdelay $0x3  }
0x3d: {  	v5 =	vsub.f32 v1, v3;
	[tilespmem:v0+s24+$0x0] =	vst.idx.msk $0xffff, v3;
	v6 =	vsub.f32 v2, v4  }
0x3e: {  	[tilespmem:v0+s25+$0x0] =	vst.idx.msk $0xffff, v4  }
0x3f: {  	[tilespmem:v0+s26+$0x0] =	vst.idx.msk $0xffff, v1;
	v56 =	vmul.f32 v6, v5  }
0x40: {  	[tilespmem:v0+s28+$0x0] =	vst.idx.msk $0xffff, v2  }
0x41: {  	[tilespmem:v0+s29+$0x0] =	vst.idx.msk $0xffff, v56  }
0x42: {  	v0 =	vld [tilespmem:s31+$0x3C00]  }
0x43: {  	v1 =	vld [tilespmem:s31+$0x0]  }
0x44: {  	v2 =	vld [tilespmem:s31+$0x1400]  }
0x45: {  	v3 =	vld [tilespmem:s31+$0x2800]  }
0x46: {  	v4 =	vld [tilespmem:s31+$0x5000];
	_ =	sdelay $0x3  }
0x47: {  	v57 =	vmin.f32 v2, v0;
	v58 =	vmin.f32 v1, v3;
	v1 =	vmax.f32 v1, v3  }
0x48: {  	v0 =	vmax.f32 v2, v0;
	v59 =	vmul.f32 $1.000000000e+03, v58;
	v1 =	vmul.f32 $1.000000000e+03, v1  }
0x49: {  	v60 =	vmul.f32 $1.000000000e+03, v57;
	v0 =	vmul.f32 $1.000000000e+03, v0;
	_ =	sdelay $0x1  }
0x4a: {  	v61 =	vsub.f32 v1, v59;
	v62 =	vsub.f32 v0, v60;
	[tilespmem:v4+s24+$0x0] =	vst.idx.msk $0xffff, v59  }
0x4b: {  	[tilespmem:v4+s25+$0x0] =	vst.idx.msk $0xffff, v60  }
0x4c: {  	v63 =	vmul.f32 v62, v61;
	[tilespmem:v4+s26+$0x0] =	vst.idx.msk $0xffff, v1  }
0x4d: {  	[tilespmem:v4+s28+$0x0] =	vst.idx.msk $0xffff, v0  }
0x4e: {  	[tilespmem:v4+s29+$0x0] =	vst.idx.msk $0xffff, v63  }
0x4f: {  	[hbm4b:s8+s3] =	stream.linear.scatter [tilespmem:s9], [sflag:$0x1], $0xA0, $0x38;
	[tilespmem:$0xC800] =	vst v63  }
0x50: {  	_ =	swait.ge [sflag:s19], $0xA0  }
0x51: {  	[sflag:s19] =	ssyncset.done $0x0  }
0x52: {  	[sflag:s19] =	ssyncadd.s32 $0xFFFFFF60  }
0x53: {  	[hbm4b:s10+s3] =	stream.linear.scatter [tilespmem:s11], [sflag:$0x1], $0xA0, $0x38;
	[tilespmem:$0xC800] =	vst v63  }
0x54: {  	_ =	swait.ge [sflag:s19], $0xA0  }
0x55: {  	[sflag:s19] =	ssyncset.done $0x0  }
0x56: {  	[sflag:s19] =	ssyncadd.s32 $0xFFFFFF60  }
0x57: {  	[hbm4b:s12+s3] =	stream.linear.scatter [tilespmem:s13], [sflag:$0x1], $0xA0, $0x38;
	[tilespmem:$0xC800] =	vst v63  }
0x58: {  	_ =	swait.ge [sflag:s19], $0xA0  }
0x59: {  	[sflag:s19] =	ssyncset.done $0x0  }
0x5a: {  	[sflag:s19] =	ssyncadd.s32 $0xFFFFFF60  }
0x5b: {  	[hbm4b:s14+s3] =	stream.linear.scatter [tilespmem:s15], [sflag:$0x1], $0xA0, $0x38;
	[tilespmem:$0xC800] =	vst v63  }
0x5c: {  	s30 =	sadd.s32 $0x1, s30;
	_ =	swait.ge [sflag:s19], $0xA0  }
0x5d: {  	p0 =	sne.s32 s30, s18;
	[sflag:s19] =	ssyncset.done $0x0  }
.Ltmp1:
0x5e: {  	[sflag:s19] =	ssyncadd.s32 $0xFFFFFF60;
	(pc) =	sbr.rel @p0 .LBB2_1-.Ltmp1, $4  }
0x5f: {  	[hbm4b:s16+s3] =	stream.linear.scatter [tilespmem:s17], [sflag:$0x1], $0xA0, $0x38;
	[tilespmem:$0xC800] =	vst v63  }
0x60: {  	_ =	swait.ge [sflag:s19], $0xA0  }
0x61: {  	[sflag:s19] =	ssyncset.done $0x0  }
0x62: {  	[sflag:s19] =	ssyncadd.s32 $0xFFFFFF60  }
0x63: {  	_ =	sfence.sel $0x180000  }
0x64: {  	[bflag:$0x0] =	sbarrier.arrive $0xFFFF  }
0x65: {  	_ =	strace $0x90000047  }
0x66: {  	s0 =	stileid.u32;
	[bflag:$0x2] =	sbarrier.arrive $0xFFFF  }
0x67: {  	p0 =	sne.s32 s0, $0x0;
	s0 =	rddreg [dreg:$0x2]  }
0x68: {  	s0 =	sadd.s32 @!p0 $0x100000, s0  }
0x69: {  	[sflag:s0] =	ssyncadd.tile.s32 @!p0 $0x1;
	_ =	shalt  }
.Lfunc_end2:
_tile_overlayer_lowered:
.L_overlay_start_2:
0x6a: {  	(tag) =	ssettag $0x2  }
0x6b: {  	s0 =	rddreg [dreg:$0x0];
	s2 =	stileid.u32  }
0x6c: {  	s1 =	rddreg [dreg:$0x1];
	p0 =	sne.s32 s2, $0x0  }
0x6d: {  	s3 =	rddreg [dreg:$0x2];
	[bflag:$0x3] =	sbarrier.arrive $0xFFFF;
	s2 =	simm.s32 @!p0 $0x1C01  }
0x6e: {  	[timem:s3], [sflag:s2] =	dma.local @!p0 [hbm:s0], s1  }
0x6f: {  	s0 =	simm.s32 @!p0 $0x1  }
0x70: {  	_ =	swait.ge @!p0 [sflag:s0], s1  }
0x71: {  	s1 =	ssub.s32 @!p0 $0x0, s1;
	[sflag:s0] =	ssyncset.done @!p0 $0x0  }
0x72: {  	[sflag:s0] =	ssyncadd.s32 @!p0 s1  }
0x73: {  	[bflag:$0x3] =	sbarrier.arrive $0xFFFF  }
0x74: {  	_ =	shalt  }

// kernel: kernel.9.cloned.1.call-start
scs
__scs_entry_jumppad:
0x0: {  	(pc) =	sbr.rel $0x88, $3  }
0x1: {  	(tag) =	ssettag $0x0;
	lr =	simm.s32 $0x1  }
0x2: {  	[smem:$0x3F9F] =	sst lr;
	_ =	strace $0xD0000000  }
0x3: {  	_ = 	snop  }
0x4: {  	_ = 	snop  }
0x5: {  	_ = 	snop  }
0x6: {  	_ = 	snop  }
0x7: {  	_ = 	snop  }
__scs_overlays_trampoline_lowered:
0x8: {  	[smem:$0x3FAE] =	sst s0  }
0x9: {  	[smem:$0x3FAF] =	sst s1  }
0xa: {  	[smem:$0x3FB0] =	sst s2  }
0xb: {  	[smem:$0x3FB1] =	sst s3  }
0xc: {  	[smem:$0x3FB2] =	sst s4  }
0xd: {  	[smem:$0x3FB3] =	sst s5  }
0xe: {  	[smem:$0x3FB4] =	sst s6  }
0xf: {  	[smem:$0x3FB5] =	sst s7  }
0x10: {  	[smem:$0x3FB6] =	sst s8  }
0x11: {  	[smem:$0x3FB7] =	sst s9;
	s0 =	simm.s32 @!p0 $0x0  }
0x12: {  	s1 =	sld [smem:$0x3F9D];
	s0 =	simm.s32 @p0 $0x1  }
0x13: {  	[smem:$0x3FB8] =	sst s0;
	s0 =	simm.s32 @!p1 $0x0  }
0x14: {  	s2 =	sld [smem:$0x3F9C];
	s0 =	simm.s32 @p1 $0x1  }
0x15: {  	[smem:$0x3FB9] =	sst s0;
	s0 =	simm.s32 @!p2 $0x0  }
0x16: {  	s3 =	sld [smem:$0x3FDB];
	s0 =	simm.s32 @p2 $0x1  }
0x17: {  	s4 =	simm.s32 $0x1BF5;
	[smem:$0x3FBB] =	sst s0  }
0x18: {  	s0 =	sld [smem:$0x3F9E];
	_ =	swait.ge [sflag:s4], $0x0  }
0x19: {  	s7 =	sld [smem:$0x3F9F]  }
0x1a: {  	s8 =	sadd.s32 $0xFFFFE003, lr  }
0x1b: {  	s9 =	sadd.s32 $0xFFFFFEF7, lr;
	s5 =	simm.s32 $0xFFFFFFFF;
	p2 =	slt.u32 s8, $0xFFFFF086  }
0x1c: {  	p1 =	slt.u32 s9, $0xF7A;
	s5 =	simm.s32 @!p2 $0x0  }
0x1d: {  	s5 =	simm.s32 @p1 $0x1;
	p0 =	seq.s32 s7, s2  }
0x1e: {  	s7 =	smul.u32 @!p0 $0xF7A, s2;
	p2 =	seq.s32 @!p0 s5, $0x0  }
0x1f: {  	s9 =	smul.u32 $0xF7A, s1;
	s8 =	simm.s32 @!p0 $0x1BF5;
	p2 =	por !p2, p0  }
0x20: {  	[sflag:s8] =	ssyncset.s32 @!p0 $0xFFFFF086;
	s6 =	sadd.s32 @!p0 s3, s7;
	s7 =	simm.s32 @!p0 $0x108  }
0x21: {  	s3 =	sadd.s32 s3, s9;
	s6 =	sadd.s32 @!p0 $0x88, s6;
	s7 =	simm.s32 @p2 $0x1082  }
0x22: {  	[simem:s7], [sflag:s8] =	dma.local @!p0 [hbm:s6], $0xF7A  }
0x23: {  	s9 =	sor.u32 $0xD0000000, s2;
	s6 =	simm.s32 $0x108;
	_ =	swait.ge @!p0 [sflag:s8], $0x0  }
0x24: {  	s3 =	sadd.s32 $0x88, s3;
	s6 =	simm.s32 @!p1 $0x1082;
	[sflag:s4] =	ssyncset.s32 $0xFFFFF086  }
0x25: {  	[simem:s6], [sflag:s4] =	dma.local [hbm:s3], $0xF7A  }
0x26: {  	[smem:$0x3F9F] =	sst s1;
	(tag) =	ssettag s2;
	_ =	strace s9  }
0x27: {  	s1 =	sld [smem:$0x3FAF]  }
0x28: {  	s2 =	sld [smem:$0x3FB0]  }
0x29: {  	s4 =	sld [smem:$0x3FB2]  }
0x2a: {  	p0 =	seq.s32 s5, $0x0;
	s5 =	sld [smem:$0x3FB3]  }
0x2b: {  	s6 =	sld [smem:$0x3FB4]  }
0x2c: {  	s7 =	sld [smem:$0x3FB5]  }
0x2d: {  	s3 =	simm.s32 $0x108;
	s8 =	sld [smem:$0x3FB6]  }
0x2e: {  	s3 =	simm.s32 @!p0 $0x1082;
	s9 =	sld [smem:$0x3FB7]  }
0x2f: {  	lr =	sadd.s32 s0, s3;
	s0 =	sld [smem:$0x3FAE]  }
0x30: {  	s3 =	sld [smem:$0x3FB1]  }
0x31: {  	[smem:$0x3FBA] =	sst s10  }
0x32: {  	s10 =	sld [smem:$0x3FB8];
	_ =	sdelay $0x3  }
0x33: {  	p0 =	seq.s32 s10, $0x1;
	s10 =	sld [smem:$0x3FBA];
	_ =	sdelay $0x3  }
0x34: {  	[smem:$0x3FBA] =	sst s10  }
0x35: {  	s10 =	sld [smem:$0x3FB9];
	_ =	sdelay $0x3  }
0x36: {  	p1 =	seq.s32 s10, $0x1;
	s10 =	sld [smem:$0x3FBA];
	_ =	sdelay $0x3  }
0x37: {  	[smem:$0x3FBA] =	sst s10  }
0x38: {  	s10 =	sld [smem:$0x3FBB]  }
0x39: {  	_ = 	snop;
	(pc) =	sbr.ind lr, $3  }
0x3a: {  	_ = 	snop  }
0x3b: {  	_ = 	snop  }
0x3c: {  	p2 =	seq.s32 s10, $0x1;
	s10 =	sld [smem:$0x3FBA]  }
0x3d: {  	_ =	shalt  }
0x3e: {  	_ =	shalt  }
0x3f: {  	_ =	shalt  }
0x40: {  	_ =	shalt  }
0x41: {  	_ =	shalt  }
0x42: {  	_ =	shalt  }
0x43: {  	_ =	shalt  }
0x44: {  	_ =	shalt  }
0x45: {  	_ =	shalt  }
0x46: {  	_ =	shalt  }
0x47: {  	_ =	shalt  }
0x48: {  	_ =	shalt  }
0x49: {  	_ =	shalt  }
0x4a: {  	_ =	shalt  }
0x4b: {  	_ =	shalt  }
0x4c: {  	_ =	shalt  }
0x4d: {  	_ =	shalt  }
0x4e: {  	_ =	shalt  }
0x4f: {  	_ =	shalt  }
0x50: {  	_ =	shalt  }
0x51: {  	_ =	shalt  }
0x52: {  	_ =	shalt  }
0x53: {  	_ =	shalt  }
0x54: {  	_ =	shalt  }
0x55: {  	_ =	shalt  }
0x56: {  	_ =	shalt  }
0x57: {  	_ =	shalt  }
0x58: {  	_ =	shalt  }
0x59: {  	_ =	shalt  }
0x5a: {  	_ =	shalt  }
0x5b: {  	_ =	shalt  }
0x5c: {  	_ =	shalt  }
0x5d: {  	_ =	shalt  }
0x5e: {  	_ =	shalt  }
0x5f: {  	_ =	shalt  }
0x60: {  	_ =	shalt  }
0x61: {  	_ =	shalt  }
0x62: {  	_ =	shalt  }
0x63: {  	_ =	shalt  }
0x64: {  	_ =	shalt  }
0x65: {  	_ =	shalt  }
0x66: {  	_ =	shalt  }
0x67: {  	_ =	shalt  }
0x68: {  	_ =	shalt  }
0x69: {  	_ =	shalt  }
0x6a: {  	_ =	shalt  }
0x6b: {  	_ =	shalt  }
0x6c: {  	_ =	shalt  }
0x6d: {  	_ =	shalt  }
0x6e: {  	_ =	shalt  }
0x6f: {  	_ =	shalt  }
0x70: {  	_ =	shalt  }
0x71: {  	_ =	shalt  }
0x72: {  	_ =	shalt  }
0x73: {  	_ =	shalt  }
0x74: {  	_ =	shalt  }
0x75: {  	_ =	shalt  }
0x76: {  	_ =	shalt  }
0x77: {  	_ =	shalt  }
0x78: {  	_ =	shalt  }
0x79: {  	_ =	shalt  }
0x7a: {  	_ =	shalt  }
0x7b: {  	_ =	shalt  }
0x7c: {  	_ =	shalt  }
0x7d: {  	_ =	shalt  }
0x7e: {  	_ =	shalt  }
0x7f: {  	_ =	shalt  }
0x80: {  	_ =	shalt  }
0x81: {  	_ =	shalt  }
0x82: {  	_ =	shalt  }
0x83: {  	_ =	shalt  }
0x84: {  	_ =	shalt  }
0x85: {  	_ =	shalt  }
0x86: {  	_ =	shalt  }
0x87: {  	_ =	shalt  }
.Lfunc_end0:
.L_simem_size_0:
called_computation.1_lowered:
.L_overlay_start_0:
0x88: {  	s2 =	sld [smem:$0x3FD9]  }
0x89: {  	s3 =	sld [smem:$0x3FFE];
	_ =	sdelay $0x1  }
0x8a: {  	s1 =	srdreg.scid  }
0x8b: {  	s0 =	sand.u32 $0x1, s1  }
0x8c: {  	s17 =	sshll.u32 s0, $0xA;
	s2 =	sadd.s32 s3, s2  }
0x8d: {  	s2 =	sadd.s32 s2, s17  }
0x8e: {  	[smem:$0x3FC6] =	sst s2  }
0x8f: {  	_ = 	snop  }
0x90: {  	s2 =	sld [smem:$0x3FD0];
	(tm) =	ssettm $0x1  }
0x91: {  	s18 =	sld [smem:$0x3FFB];
	_ =	sdelay $0x3  }
0x92: {  	_ =	strace s18  }
0x93: {  	s3 =	sld [smem:$0x3FFC];
	_ =	sdelay $0x3  }
0x94: {  	_ =	strace s3  }
0x95: {  	s3 =	sld [smem:$0x3FFD];
	_ =	sdelay $0x3  }
0x96: {  	_ =	strace s3  }
0x97: {  	_ =	strace $0x8FFFFFFF  }
0x98: {  	s19 =	sld [smem:$0x3FDB];
	_ =	sdelay $0x1  }
0x99: {  	s4 =	simm.s32 $_scs_section_size  }
0x9a: {  	s5 =	simm.s32 $_size__tile_overlayer_lowered;
	s6 =	simm.s32 $_tile_overlayer_lowered  }
0x9b: {  	s22 =	simm.s32 $0x1BFF;
	s21 =	sshll.u32 s6, $0x1;
	s3 =	sadd.s32 s4, s19  }
0x9c: {  	s7 =	simm.s32 $0x0;
	s20 =	sshll.u32 s5, $0x1;
	s5 =	sadd.s32 s21, s3  }
0x9d: {  	[timem:s7], [sflag:s22] =	dma.local [hbm:s5], s20  }
0x9e: {  	_ =	swait.ge [sflag:s22], s20  }
0x9f: {  	s4 =	ssub.s32 $0x0, s20;
	[sflag:s22] =	ssyncset.done $0x0  }
0xa0: {  	[sflag:s22] =	ssyncadd.s32 s4;
	_ =	sdelay $0x1  }
0xa1: {  	s23 =	simm.s32 $0x1B8B  }
0xa2: {  	_ =	swait.ge [sflag:s23], $0x1  }
0xa3: {  	[sflag:s23] =	ssyncset.done $0x0  }
0xa4: {  	s25 =	simm.s32 $0x1B8E;
	s24 =	sld [smem:$0x3FFE];
	[sflag:s23] =	ssyncadd.s32 $0xFFFFFFFF  }
0xa5: {  	s26 =	simm.s32 $execute0_lowered;
	[smem:$0x3FD2] =	sst s25  }
0xa6: {  	s5 =	sshll.u32 s26, $0x1;
	_ =	strace $0x80000049;
	[dreg:$0x1] =	wrdreg $0xFFFFFFFF  }
0xa7: {  	s28 =	simm.s32 $_size_execute0_lowered;
	s3 =	sadd.s32 s3, s5;
	[dreg:$0x0] =	wrdreg $0x0  }
0xa8: {  	s5 =	sshll.u32 s28, $0x1;
	[dreg:$0x2] =	wrdreg s3  }
0xa9: {  	[dreg:$0x3] =	wrdreg s5  }
0xaa: {  	[dreg:$0x4] =	wrdreg $0xC0  }
0xab: {  	_ =	task [dreg:s7], $0x5FFFF  }
0xac: {  	[dreg:$0x1] =	wrdreg $0xFFFFFFFF  }
0xad: {  	[dreg:$0x0] =	wrdreg $0x60  }
0xae: {  	[dreg:$0x2] =	wrdreg s24  }
0xaf: {  	[dreg:$0x3] =	wrdreg s2  }
0xb0: {  	[dreg:$0x4] =	wrdreg $0x9  }
0xb1: {  	_ =	task.clear_ibuf [dreg:s7], $0x5FFFF;
	_ =	strace $0x90000049  }
0xb2: {  	s29 =	simm.s32 $0x9;
	_ =	strace $0x8000004B  }
0xb3: {  	_ =	swait.ge [sflag:s29], $0x1  }
0xb4: {  	[sflag:s29] =	ssyncadd.s32 $0xFFFFFFFF  }
0xb5: {  	_ =	strace $0x9000004B  }
0xb6: {  	_ =	sfence  }
0xb7: {  	s30 =	sld [smem:$0x0];
	_ =	sdelay $0x2  }
0xb8: {  	s31 =	sshll.u32 s1, $0xD;
	s1 =	sshrl.u32 s1, $0x2  }
0xb9: {  	s3 =	sand.u32 $0x4000, s31;
	s1 =	sadd.s32 s1, s30  }
0xba: {  	s0 =	sor.u32 s3, s0;
	s1 =	sshll.u32 s1, $0x11  }
0xbb: {  	s0 =	sor.u32 s1, s0  }
0xbc: {  	s0 =	sadd.s32 $0x8F2B, s0  }
0xbd: {  	[sflag:s0] =	ssyncadd.remote.s32 $0x1  }
0xbe: {  	_ =	sfence.sel $0xFFFF  }
0xbf: {  	[dreg:$0x0] =	wrdreg $0xFFFFFFFF;
	(pc) =	sbr.abs _section_cstart, $3  }
0xc0: {  	[dreg:$0x1] =	wrdreg $0xFFFFFFFF  }
0xc1: {  	_ =	task.clear_ibuf [dreg:s7], $0x2FFFF;
	_ =	strace $0x9FFFFFFF  }
0xc2: {  	(tm) =	ssettm $0x7FFFFFFF  }
0xc3: {  	_ =	shalt  }
tec
execute0_lowered:
.L_overlay_start_1:
0x0: {  	(tag) =	ssettag $0x1  }
0x1: {  	s5 =	rddreg [dreg:$0x0]  }
0x2: {  	s9 =	rddreg [dreg:$0x1]  }
0x3: {  	s0 =	rddreg [dreg:$0x2]  }
0x4: {  	s3 =	srdreg.scid;
	s1 =	stileid.u32  }
0x5: {  	s2 =	simm.s32 $0x0;
	s10 =	sand.u32 $0x1, s3;
	s30 =	sshll.u32 s1, $0x1  }
0x6: {  	[smem:$0x7FF] =	sst s2;
	s4 =	sadd.s32 $0x2200, s5;
	s3 =	sor.u32 s10, s30  }
0x7: {  	_ =	strace $0x8000004A;
	s11 =	smul.u32 $0x14, s3;
	s3 =	simm.s32 $0x1  }
0x8: {  	[tilespmem:s2], [sflag:$0x1] =	stream.linear.gather [hbm4b:s4+s2], $0x1400, $0x38;
	[tilespmem:$0x1700] =	vst v63  }
0x9: {  	_ =	swait.ge [sflag:s3], $0x1400  }
0xa: {  	s7 =	sadd.s32 s11, s5;
	[sflag:s3] =	ssyncset.done $0x0  }
0xb: {  	s6 =	simm.s32 $0x1400;
	s5 =	sadd.s32 $0x1E00, s7;
	[sflag:s3] =	ssyncadd.s32 $0xFFFFEC00  }
0xc: {  	[tilespmem:s6], [sflag:$0x1] =	stream.linear.gather [hbm4b:s5+s2], $0xA0, $0x38;
	[tilespmem:$0x1700] =	vst v63  }
0xd: {  	_ =	swait.ge [sflag:s3], $0xA0  }
0xe: {  	[sflag:s3] =	ssyncset.done $0x0  }
0xf: {  	s8 =	simm.s32 $0x1500;
	s7 =	sadd.s32 $0x1A00, s7;
	[sflag:s3] =	ssyncadd.s32 $0xFFFFFF60  }
0x10: {  	[tilespmem:s8], [sflag:$0x1] =	stream.linear.gather [hbm4b:s7+s2], $0xA0, $0x38;
	[tilespmem:$0x1700] =	vst v63  }
0x11: {  	_ =	swait.ge [sflag:s3], $0xA0  }
0x12: {  	[sflag:s3] =	ssyncset.done $0x0  }
0x13: {  	[sflag:s3] =	ssyncadd.s32 $0xFFFFFF60  }
0x14: {  	v0 =	vld [tilespmem:$0x1400];
	_ =	sdelay $0x5  }
0x15: {  	v1 =	vld [tilespmem:$0x1410]  }
0x16: {  	v2 =	vld [tilespmem:$0x1500]  }
0x17: {  	v0 =	vld.idx.msk [tilespmem:v0+s2+$0x0], $0xffff;
	_ =	sdelay $0x4  }
0x18: {  	v0 =	vmul.f32 v2, v0  }
0x19: {  	v47 =	vld [tilespmem:$0x1420]  }
0x1a: {  	v48 =	vld [tilespmem:$0x1510];
	[tilespmem:$0x1600] =	vst v0  }
0x1b: {  	v1 =	vld.idx.msk [tilespmem:v1+s2+$0x0], $0xffff;
	_ =	sdelay $0x4  }
0x1c: {  	v1 =	vmul.f32 v48, v1  }
0x1d: {  	v49 =	vld [tilespmem:$0x1430]  }
0x1e: {  	v50 =	vld [tilespmem:$0x1520];
	[tilespmem:$0x1610] =	vst v1  }
0x1f: {  	v0 =	vld.idx.msk [tilespmem:v47+s2+$0x0], $0xffff;
	_ =	sdelay $0x4  }
0x20: {  	v0 =	vmul.f32 v50, v0  }
0x21: {  	v51 =	vld [tilespmem:$0x1440]  }
0x22: {  	v52 =	vld [tilespmem:$0x1530];
	[tilespmem:$0x1620] =	vst v0  }
0x23: {  	v1 =	vld.idx.msk [tilespmem:v49+s2+$0x0], $0xffff;
	_ =	sdelay $0x4  }
0x24: {  	v1 =	vmul.f32 v52, v1  }
0x25: {  	v53 =	vld [tilespmem:$0x1450]  }
0x26: {  	v54 =	vld [tilespmem:$0x1540];
	[tilespmem:$0x1630] =	vst v1  }
0x27: {  	v0 =	vld.idx.msk [tilespmem:v51+s2+$0x0], $0xffff;
	_ =	sdelay $0x4  }
0x28: {  	v0 =	vmul.f32 v54, v0  }
0x29: {  	v55 =	vld [tilespmem:$0x1460]  }
0x2a: {  	v56 =	vld [tilespmem:$0x1550];
	[tilespmem:$0x1640] =	vst v0  }
0x2b: {  	v1 =	vld.idx.msk [tilespmem:v53+s2+$0x0], $0xffff;
	_ =	sdelay $0x4  }
0x2c: {  	v1 =	vmul.f32 v56, v1  }
0x2d: {  	v57 =	vld [tilespmem:$0x1470]  }
0x2e: {  	v58 =	vld [tilespmem:$0x1560];
	[tilespmem:$0x1650] =	vst v1  }
0x2f: {  	v0 =	vld.idx.msk [tilespmem:v55+s2+$0x0], $0xffff;
	_ =	sdelay $0x4  }
0x30: {  	v0 =	vmul.f32 v58, v0  }
0x31: {  	v59 =	vld [tilespmem:$0x1480]  }
0x32: {  	v60 =	vld [tilespmem:$0x1570];
	[tilespmem:$0x1660] =	vst v0  }
0x33: {  	v1 =	vld.idx.msk [tilespmem:v57+s2+$0x0], $0xffff;
	_ =	sdelay $0x4  }
0x34: {  	v1 =	vmul.f32 v60, v1  }
0x35: {  	v61 =	vld [tilespmem:$0x1490]  }
0x36: {  	v62 =	vld [tilespmem:$0x1580];
	[tilespmem:$0x1670] =	vst v1  }
0x37: {  	v0 =	vld.idx.msk [tilespmem:v59+s2+$0x0], $0xffff;
	_ =	sdelay $0x4  }
0x38: {  	v0 =	vmul.f32 v62, v0;
	_ =	sdelay $0x1  }
0x39: {  	v63 =	vld [tilespmem:$0x1590];
	[tilespmem:$0x1680] =	vst v0  }
0x3a: {  	v0 =	vld.idx.msk [tilespmem:v61+s2+$0x0], $0xffff  }
0x3b: {  	s10 =	ssub.s32 $0x2, s10  }
0x3c: {  	s12 =	sshrl.u32 s10, $0x1  }
0x3d: {  	s10 =	ssub.s32 s10, s12  }
0x3e: {  	s31 =	smax.u32 s10, $0x1  }
0x3f: {  	p0 =	sne.s32 s31, $0x1;
	v0 =	vmul.f32 v63, v0  }
.Ltmp0:
0x40: {  	_ = 	snop;
	(pc) =	sbr.rel @!p0 .LBB2_2-.Ltmp0, $4  }
0x41: {  	s9 =	sadd.s32 s9, s11;
	s10 =	simm.s32 $0x1600;
	[tilespmem:$0x1690] =	vst v0  }
0x42: {  	[hbm4b:s9+s2] =	stream.linear.scatter [tilespmem:s10], [sflag:$0x1], $0xA0, $0x38;
	[tilespmem:$0x1700] =	vst v63  }
0x43: {  	_ =	swait.ge [sflag:s3], $0xA0  }
0x44: {  	s11 =	sadd.s32 $0xFFFFFFFF, s31;
	[sflag:s3] =	ssyncset.done $0x0  }
.LBB2_1:
0x45: {  	p0 =	sne.s32 s11, $0x1;
	s11 =	sadd.s32 $0xFFFFFFFF, s11;
	[sflag:s3] =	ssyncadd.s32 $0xFFFFFF60  }
0x46: {  	[tilespmem:s2], [sflag:$0x1] =	stream.linear.gather [hbm4b:s4+s2], $0x1400, $0x38;
	[tilespmem:$0x1700] =	vst v63  }
0x47: {  	_ =	swait.ge [sflag:s3], $0x1400  }
0x48: {  	[sflag:s3] =	ssyncset.done $0x0  }
0x49: {  	[sflag:s3] =	ssyncadd.s32 $0xFFFFEC00  }
0x4a: {  	[tilespmem:s6], [sflag:$0x1] =	stream.linear.gather [hbm4b:s5+s2], $0xA0, $0x38;
	[tilespmem:$0x1700] =	vst v63  }
0x4b: {  	_ =	swait.ge [sflag:s3], $0xA0  }
0x4c: {  	[sflag:s3] =	ssyncset.done $0x0  }
0x4d: {  	[sflag:s3] =	ssyncadd.s32 $0xFFFFFF60  }
0x4e: {  	[tilespmem:s8], [sflag:$0x1] =	stream.linear.gather [hbm4b:s7+s2], $0xA0, $0x38;
	[tilespmem:$0x1700] =	vst v63  }
0x4f: {  	_ =	swait.ge [sflag:s3], $0xA0  }
0x50: {  	[sflag:s3] =	ssyncset.done $0x0  }
0x51: {  	[sflag:s3] =	ssyncadd.s32 $0xFFFFFF60  }
0x52: {  	v0 =	vld [tilespmem:$0x1400];
	_ =	sdelay $0x6  }
0x53: {  	v1 =	vld [tilespmem:$0x1410]  }
0x54: {  	v0 =	vld.idx.msk [tilespmem:v0+s2+$0x0], $0xffff  }
0x55: {  	v2 =	vld [tilespmem:$0x1500];
	_ =	sdelay $0x4  }
0x56: {  	v0 =	vmul.f32 v2, v0;
	_ =	sdelay $0x1  }
0x57: {  	[tilespmem:$0x1600] =	vst v0;
	v0 =	vld [tilespmem:$0x1420]  }
0x58: {  	v1 =	vld.idx.msk [tilespmem:v1+s2+$0x0], $0xffff  }
0x59: {  	v2 =	vld [tilespmem:$0x1510];
	_ =	sdelay $0x4  }
0x5a: {  	v1 =	vmul.f32 v2, v1;
	_ =	sdelay $0x1  }
0x5b: {  	[tilespmem:$0x1610] =	vst v1;
	v1 =	vld [tilespmem:$0x1430]  }
0x5c: {  	v0 =	vld.idx.msk [tilespmem:v0+s2+$0x0], $0xffff  }
0x5d: {  	v2 =	vld [tilespmem:$0x1520];
	_ =	sdelay $0x4  }
0x5e: {  	v0 =	vmul.f32 v2, v0;
	_ =	sdelay $0x1  }
0x5f: {  	[tilespmem:$0x1620] =	vst v0;
	v0 =	vld [tilespmem:$0x1440]  }
0x60: {  	v1 =	vld.idx.msk [tilespmem:v1+s2+$0x0], $0xffff  }
0x61: {  	v2 =	vld [tilespmem:$0x1530];
	_ =	sdelay $0x4  }
0x62: {  	v1 =	vmul.f32 v2, v1;
	_ =	sdelay $0x1  }
0x63: {  	[tilespmem:$0x1630] =	vst v1;
	v1 =	vld [tilespmem:$0x1450]  }
0x64: {  	v0 =	vld.idx.msk [tilespmem:v0+s2+$0x0], $0xffff  }
0x65: {  	v2 =	vld [tilespmem:$0x1540];
	_ =	sdelay $0x4  }
0x66: {  	v0 =	vmul.f32 v2, v0;
	_ =	sdelay $0x1  }
0x67: {  	[tilespmem:$0x1640] =	vst v0;
	v0 =	vld [tilespmem:$0x1460]  }
0x68: {  	v1 =	vld.idx.msk [tilespmem:v1+s2+$0x0], $0xffff  }
0x69: {  	v2 =	vld [tilespmem:$0x1550];
	_ =	sdelay $0x4  }
0x6a: {  	v1 =	vmul.f32 v2, v1;
	_ =	sdelay $0x1  }
0x6b: {  	[tilespmem:$0x1650] =	vst v1;
	v1 =	vld [tilespmem:$0x1470]  }
0x6c: {  	v0 =	vld.idx.msk [tilespmem:v0+s2+$0x0], $0xffff  }
0x6d: {  	v2 =	vld [tilespmem:$0x1560];
	_ =	sdelay $0x4  }
0x6e: {  	v0 =	vmul.f32 v2, v0;
	_ =	sdelay $0x1  }
0x6f: {  	[tilespmem:$0x1660] =	vst v0;
	v0 =	vld [tilespmem:$0x1480]  }
0x70: {  	v1 =	vld.idx.msk [tilespmem:v1+s2+$0x0], $0xffff  }
0x71: {  	v2 =	vld [tilespmem:$0x1570];
	_ =	sdelay $0x4  }
0x72: {  	v1 =	vmul.f32 v2, v1;
	_ =	sdelay $0x1  }
0x73: {  	[tilespmem:$0x1670] =	vst v1;
	v1 =	vld [tilespmem:$0x1490]  }
0x74: {  	v0 =	vld.idx.msk [tilespmem:v0+s2+$0x0], $0xffff  }
0x75: {  	v2 =	vld [tilespmem:$0x1580];
	_ =	sdelay $0x4  }
0x76: {  	v0 =	vmul.f32 v2, v0;
	_ =	sdelay $0x1  }
0x77: {  	[tilespmem:$0x1680] =	vst v0  }
0x78: {  	v0 =	vld.idx.msk [tilespmem:v1+s2+$0x0], $0xffff  }
0x79: {  	v1 =	vld [tilespmem:$0x1590];
	_ =	sdelay $0x4  }
0x7a: {  	v0 =	vmul.f32 v1, v0  }
.Ltmp1:
0x7b: {  	(pc) =	sbr.rel @p0 .LBB2_1-.Ltmp1, $4  }
0x7c: {  	[tilespmem:$0x1690] =	vst v0  }
0x7d: {  	[hbm4b:s9+s2] =	stream.linear.scatter [tilespmem:s10], [sflag:$0x1], $0xA0, $0x38;
	[tilespmem:$0x1700] =	vst v63  }
0x7e: {  	_ =	swait.ge [sflag:s3], $0xA0  }
0x7f: {  	[sflag:s3] =	ssyncset.done $0x0  }
.LBB2_2:
0x80: {  	[sflag:s3] =	ssyncadd.s32 $0xFFFFFF60  }
0x81: {  	_ =	sfence.sel $0x180000  }
0x82: {  	[bflag:$0x0] =	sbarrier.arrive $0xFFFF  }
0x83: {  	p0 =	sne.s32 s1, $0x0;
	_ =	strace $0x9000004A  }
0x84: {  	s0 =	sadd.s32 @!p0 $0x100000, s0;
	[bflag:$0x2] =	sbarrier.arrive $0xFFFF  }
0x85: {  	[sflag:s0] =	ssyncadd.tile.s32 @!p0 $0x1;
	_ =	shalt  }
.Lfunc_end2:
_tile_overlayer_lowered:
.L_overlay_start_2:
0x86: {  	(tag) =	ssettag $0x2  }
0x87: {  	s0 =	rddreg [dreg:$0x0];
	s2 =	stileid.u32  }
0x88: {  	s1 =	rddreg [dreg:$0x1];
	p0 =	sne.s32 s2, $0x0  }
0x89: {  	s3 =	rddreg [dreg:$0x2];
	[bflag:$0x3] =	sbarrier.arrive $0xFFFF;
	s2 =	simm.s32 @!p0 $0x1C01  }
0x8a: {  	[timem:s3], [sflag:s2] =	dma.local @!p0 [hbm:s0], s1  }
0x8b: {  	s0 =	simm.s32 @!p0 $0x1  }
0x8c: {  	_ =	swait.ge @!p0 [sflag:s0], s1  }
0x8d: {  	s1 =	ssub.s32 @!p0 $0x0, s1;
	[sflag:s0] =	ssyncset.done @!p0 $0x0  }
0x8e: {  	[sflag:s0] =	ssyncadd.s32 @!p0 s1  }
0x8f: {  	[bflag:$0x3] =	sbarrier.arrive $0xFFFF  }
0x90: {  	_ =	shalt  }

</sc_bundles>
